<compile_context>
chip_gen: v7x
topology: tpu7x:2x2x1
jax: 0.10.2.dev20260603
libtpu: 0.0.44.dev20260713+nightly
codegen_flags: <defaults>
</compile_context>

<pallas_src>
import functools

import jax
import jax.numpy as jnp
from jax import lax
from jax.experimental import pallas as pl
from jax.experimental.pallas import tpu as pltpu
from jax.experimental.pallas import tpu_sc as plsc

N_NODES = 50000
WALK = 16
HID = 64

NSUB = 16
SLICE = 3136
NPAD = NSUB * SLICE
CH = 2000


def _pack_body(row_ref, col_ref, out_ref):
    out_ref[...] = row_ref[...] | lax.shift_left(col_ref[...], 16)


def _mlp_body(r_ref, w1_ref, b1_ref, w2_ref, b2_ref, o_ref):
    x = r_ref[...]
    h = lax.dot_general(x, w1_ref[...], (((0,), (0,)), ((), ())),
                        preferred_element_type=jnp.float32,
                        precision=lax.Precision.HIGHEST)
    h = jnp.maximum(h + b1_ref[...], 0.0)
    o = lax.dot_general(h, w2_ref[...], (((1,), (0,)), ((), ())),
                        preferred_element_type=jnp.float32,
                        precision=lax.Precision.HIGHEST)
    o_ref[...] = o + b2_ref[...]


def _sc_walk(pairs):
    E = pairs.shape[0]
    ET = E // NSUB
    NCH = ET // CH
    assert ET % CH == 0 and NCH % 2 == 0 and CH % 80 == 0

    mesh = plsc.VectorSubcoreMesh(core_axis_name="c", subcore_axis_name="s")

    @functools.partial(
        pl.kernel,
        mesh=mesh,
        compiler_params=pltpu.CompilerParams(use_tc_tiling_on_sc=False,
                                             needs_layout_passes=False),
        out_type=(
            jax.ShapeDtypeStruct((WALK, NPAD), jnp.float32),
            jax.ShapeDtypeStruct((2, NSUB, NPAD), jnp.float32),
            jax.ShapeDtypeStruct((2, NPAD), jnp.float32),
        ),
        scratch_types=[
            pltpu.VMEM((NPAD,), jnp.float32),
            pltpu.VMEM((NPAD,), jnp.float32),
            pltpu.VMEM((2, CH), jnp.int32),
            pltpu.VMEM((4, SLICE), jnp.float32),
            pltpu.VMEM((SLICE,), jnp.float32),
            pltpu.VMEM((SLICE,), jnp.float32),
            pltpu.VMEM((SLICE,), jnp.float32),
            pltpu.SemaphoreType.DMA,
            pltpu.SemaphoreType.DMA,
        ],
    )
    def walk(pairs_hbm, rwpe_hbm, part_hbm, q_hbm,
             q_v, acc_v, pairbuf, stage, pslice, qs_v, dinv_v, sem0, sem1):
        cid = lax.axis_index("c")
        w = lax.axis_index("s")
        base = w * SLICE
        ebase = w * ET
        zeros16 = jnp.zeros((16,), jnp.float32)
        ones16 = jnp.ones((16,), jnp.float32)
        iota16 = lax.iota(jnp.int32, 16)

        def zero_acc():
            def body(i, _):
                for u in range(8):
                    acc_v[pl.ds((i * 8 + u) * 16, 16)] = zeros16
                return 0
            lax.fori_loop(0, NPAD // 128, body, 0)

        def chunk_start(cidx, slot, sem):
            pltpu.make_async_copy(
                pairs_hbm.at[pl.ds(ebase + cidx * CH, CH)],
                pairbuf.at[slot], sem).start()

        def chunk_wait(cidx, slot, sem):
            pltpu.make_async_copy(
                pairs_hbm.at[pl.ds(ebase + cidx * CH, CH)],
                pairbuf.at[slot], sem).wait()

        def process(slot, use_gather):
            def body(j, _):
                for u in range(5):
                    off = (j * 5 + u) * 16
                    pair = pairbuf[slot, pl.ds(off, 16)]
                    row = jnp.bitwise_and(pair, 0xFFFF)
                    if use_gather:
                        col = lax.shift_right_logical(pair, 16)
                        vals = plsc.load_gather(q_v, [row])
                        plsc.addupdate_scatter(acc_v, [col], vals)
                    else:
                        plsc.addupdate_scatter(acc_v, [row], ones16)
                return 0
            lax.fori_loop(0, CH // 80, body, 0)

        def edge_pass(use_gather):
            zero_acc()
            chunk_start(0, 0, sem0)
            chunk_start(1, 1, sem1)

            def cbody(c, _):
                c0 = 2 * c
                chunk_wait(c0, 0, sem0)
                process(0, use_gather)
                chunk_start(jnp.minimum(c0 + 2, NCH - 1), 0, sem0)
                chunk_wait(c0 + 1, 1, sem1)
                process(1, use_gather)
                chunk_start(jnp.minimum(c0 + 3, NCH - 1), 1, sem1)
                return 0
            lax.fori_loop(0, NCH // 2, cbody, 0)
            chunk_wait(NCH - 1, 0, sem0)
            chunk_wait(NCH - 1, 1, sem1)
            pltpu.sync_copy(acc_v, part_hbm.at[cid, w])
            plsc.subcore_barrier()

        def combine():
            for g in range(4):
                pltpu.sync_copy(
                    part_hbm.at[cid, pl.ds(g * 4, 4), pl.ds(base, SLICE)],
                    stage)

                def body(i, _):
                    for u in range(4):
                        ds = pl.ds((i * 4 + u) * 16, 16)
                        s = ((stage[0, ds] + stage[1, ds])
                             + (stage[2, ds] + stage[3, ds]))
                        if g > 0:
                            s = s + pslice[ds]
                        pslice[ds] = s
                    return 0
                lax.fori_loop(0, SLICE // 64, body, 0)

        edge_pass(use_gather=False)
        combine()

        def dfin(i, _):
            for u in range(4):
                idx0 = (i * 4 + u) * 16
                ds = pl.ds(idx0, 16)
                deg = pslice[ds] + 1.0
                gid = base + idx0 + iota16
                dinv = jnp.where(gid < N_NODES,
                                 1.0 / jnp.maximum(deg, 1e-8), 0.0)
                dinv_v[ds] = dinv
            return 0
        lax.fori_loop(0, SLICE // 64, dfin, 0)
        pltpu.sync_copy(dinv_v, q_hbm.at[cid, pl.ds(base, SLICE)])
        plsc.subcore_barrier()
        pltpu.sync_copy(q_hbm.at[cid], q_v)

        def step(k, _):
            edge_pass(use_gather=True)
            combine()

            def sfin(i, _):
                for u in range(4):
                    idx0 = (i * 4 + u) * 16
                    ds = pl.ds(idx0, 16)
                    pv = pslice[ds] + q_v[pl.ds(base + idx0, 16)]
                    pslice[ds] = pv
                    qs_v[ds] = pv * dinv_v[ds]
                return 0
            lax.fori_loop(0, SLICE // 64, sfin, 0)

            @pl.when(cid == 0)
            def _():
                pltpu.sync_copy(pslice, rwpe_hbm.at[k, pl.ds(base, SLICE)])
            pltpu.sync_copy(qs_v, q_hbm.at[cid, pl.ds(base, SLICE)])
            plsc.subcore_barrier()
            pltpu.sync_copy(q_hbm.at[cid], q_v)
            return 0
        lax.fori_loop(0, WALK, step, 0)

    rwpe_T, _, _ = walk(pairs)
    return rwpe_T


def kernel(edge_index, num_nodes, W1, b1, W2, b2):
    E = edge_index.shape[1]
    row2d = edge_index[0].reshape(E // 128, 128)
    col2d = edge_index[1].reshape(E // 128, 128)

    nrow = E // 128
    pairs2d = pl.pallas_call(
        _pack_body,
        out_shape=jax.ShapeDtypeStruct((nrow, 128), jnp.int32),
    )(row2d, col2d)
    pairs = pairs2d.reshape(E)

    rwpe_T = _sc_walk(pairs)

    bn = NPAD // 8
    out_full = pl.pallas_call(
        _mlp_body,
        out_shape=jax.ShapeDtypeStruct((NPAD, HID), jnp.float32),
        grid=(8,),
        in_specs=[
            pl.BlockSpec((WALK, bn), lambda i: (0, i)),
            pl.BlockSpec((WALK, HID), lambda i: (0, 0)),
            pl.BlockSpec((1, HID), lambda i: (0, 0)),
            pl.BlockSpec((HID, HID), lambda i: (0, 0)),
            pl.BlockSpec((1, HID), lambda i: (0, 0)),
        ],
        out_specs=pl.BlockSpec((bn, HID), lambda i: (i, 0)),
    )(rwpe_T, W1, b1.reshape(1, HID), W2, b2.reshape(1, HID))

    return out_full[:N_NODES]

# --- scband reference (transcript-rebuilt; emitter-appended) ---
"""Pipeline reference for scband-rwpeencoder-59365037965997 (READ-ONLY COPY).

The authoritative reference and input builder live on the scoring server;
editing this copy changes nothing except your own understanding.
"""

import jax, jax.numpy as jnp
import numpy as np

N = 50000
E = 1600000
WALK = 16
HID = 64


def setup_inputs(seed: int = 0) -> dict:
    key = jax.random.key(seed)
    k1, k2, k3 = jax.random.split(key, 3)
    edge_index = jax.random.randint(k1, (2, E), 0, N, dtype=jnp.int32)
    W1 = jax.random.normal(k2, (WALK, HID), dtype=jnp.float32) * (1.0 / np.sqrt(WALK))
    b1 = jnp.zeros((HID,), dtype=jnp.float32)
    W2 = jax.random.normal(k3, (HID, HID), dtype=jnp.float32) * (1.0 / np.sqrt(HID))
    b2 = jnp.zeros((HID,), dtype=jnp.float32)
    return {"edge_index": edge_index, "num_nodes": N, "W1": W1, "b1": b1, "W2": W2, "b2": b2}


def reference(edge_index, num_nodes, W1, b1, W2, b2):
    num_edges = edge_index.shape[1]
    edge_weight = jnp.ones((num_edges,), dtype=jnp.float32)
    # add self loops
    zero = (jnp.asarray(num_nodes) - jnp.asarray(num_nodes)).astype(edge_index.dtype)
    loop = jnp.arange(N, dtype=edge_index.dtype) + zero
    ei = jnp.concatenate([edge_index, jnp.stack([loop, loop], axis=0)], axis=1)
    ew = jnp.concatenate([edge_weight, jnp.ones((N,), dtype=jnp.float32)], axis=0)
    row = ei[0]
    col = ei[1]
    # out-degree normalization
    deg = jax.ops.segment_sum(ew, row, num_segments=N)
    deg_inv = 1.0 / jnp.maximum(deg, 1e-08)
    norm_w = ew * deg_inv[row]
    # k-step random walk landing probabilities
    prob = jnp.ones((N,), dtype=jnp.float32)
    cols = []
    for k in range(WALK):
        prob = jax.ops.segment_sum(prob[row] * norm_w, col, num_segments=N)
        cols.append(prob)
    rwpe = jnp.stack(cols, axis=1)
    # MLP projection
    h = jnp.maximum(rwpe @ W1 + b1, 0.0)
    out = h @ W2 + b2
    return out

if __name__ == "__main__":
    import jax
    _d = setup_inputs()
    print(jax.jit(kernel)(*tuple(_d.values())))

</pallas_src>

<mosaic_0001>
#map = affine_map<(d0, d1) -> (0)>
#map1 = affine_map<(d0, d1) -> (0, 0)>
#map2 = affine_map<(d0, d1) -> (0, 0, 0)>
module attributes {stable_mosaic.version = 14 : i64} {
  func.func @walk(%arg0: i32, %arg1: i32, %arg2: memref<1600000xi32, #tpu.memory_space<hbm>>, %arg3: memref<16x50176xf32, #tpu.memory_space<hbm>>, %arg4: memref<2x16x50176xf32, #tpu.memory_space<hbm>>, %arg5: memref<2x50176xf32, #tpu.memory_space<hbm>>, %arg6: memref<50176xf32, #tpu.memory_space<vmem>>, %arg7: memref<50176xf32, #tpu.memory_space<vmem>>, %arg8: memref<2x2000xi32, #tpu.memory_space<vmem>>, %arg9: memref<4x3136xf32, #tpu.memory_space<vmem>>, %arg10: memref<3136xf32, #tpu.memory_space<vmem>>, %arg11: memref<3136xf32, #tpu.memory_space<vmem>>, %arg12: memref<3136xf32, #tpu.memory_space<vmem>>, %arg13: memref<!tpu.dma_semaphore, #tpu.memory_space<semaphore_mem>>, %arg14: memref<!tpu.dma_semaphore, #tpu.memory_space<semaphore_mem>>) attributes {dimension_semantics = [#tpu.dimension_semantics<core_parallel>, #tpu.dimension_semantics<subcore_parallel>], iteration_bounds = array<i64: 2, 16>, scalar_prefetch = 0 : i64, scratch_operands = 9 : i64, tpu.core_type = #tpu.core_type<sc_vector_subcore>, window_params = [{transform_indices = #map}, {transform_indices = #map1}, {transform_indices = #map2}, {transform_indices = #map1}]} {
    %mul3A = arith.constant 3136 : i32
    %mul3A_0 = arith.muli %arg1, %mul3A : i32
    %mul3A_1 = arith.constant 100000 : i32
    %mul3A_2 = arith.muli %arg1, %mul3A_1 : i32
    %broadcast_in_dim3A = arith.constant 0.000000e+00 : f32
    %broadcast_in_dim3A_3 = vector.broadcast %broadcast_in_dim3A : f32 to vector<16xf32>
    %broadcast_in_dim3A_4 = arith.constant 1.000000e+00 : f32
    %broadcast_in_dim3A_5 = vector.broadcast %broadcast_in_dim3A_4 : f32 to vector<16xf32>
    %iota3A = tpu.iota {dimensions = array<i32: 0>} : vector<16xi32>
    %scan3A = arith.constant 0 : i32
    %scan3A_6 = arith.constant 0 : i32
    %scan3A_7 = arith.constant 392 : i32
    %scan3A_8 = arith.addi %scan3A_6, %scan3A_7 : i32
    %scan3A_9 = arith.constant 1 : i32
    %scan3A_10 = scf.for %scan3A_103 = %scan3A_6 to %scan3A_8 step %scan3A_9 iter_args(%scan3A_104 = %scan3A) -> (i32)  : i32 {
      %mul3A_105 = arith.constant 8 : i32
      %mul3A_106 = arith.muli %scan3A_103, %mul3A_105 : i32
      %add3A_107 = arith.constant 0 : i32
      %add3A_108 = arith.addi %mul3A_106, %add3A_107 : i32
      %mul3A_109 = arith.constant 16 : i32
      %mul3A_110 = arith.muli %add3A_108, %mul3A_109 : i32
      %swap3A = arith.index_cast %mul3A_110 : i32 to index
      %swap3A_111 = tpu.vector_load %arg7[%swap3A] {strides = array<i32>} : memref<50176xf32, #tpu.memory_space<vmem>>, vector<16xf32>,
      tpu.vector_store %arg7[%swap3A], %broadcast_in_dim3A_3 {strides = array<i32>} : memref<50176xf32, #tpu.memory_space<vmem>>, vector<16xf32>,
      %mul3A_112 = arith.constant 8 : i32
      %mul3A_113 = arith.muli %scan3A_103, %mul3A_112 : i32
      %add3A_114 = arith.constant 1 : i32
      %add3A_115 = arith.addi %mul3A_113, %add3A_114 : i32
      %mul3A_116 = arith.constant 16 : i32
      %mul3A_117 = arith.muli %add3A_115, %mul3A_116 : i32
      %swap3A_118 = arith.index_cast %mul3A_117 : i32 to index
      %swap3A_119 = tpu.vector_load %arg7[%swap3A_118] {strides = array<i32>} : memref<50176xf32, #tpu.memory_space<vmem>>, vector<16xf32>,
      tpu.vector_store %arg7[%swap3A_118], %broadcast_in_dim3A_3 {strides = array<i32>} : memref<50176xf32, #tpu.memory_space<vmem>>, vector<16xf32>,
      %mul3A_120 = arith.constant 8 : i32
      %mul3A_121 = arith.muli %scan3A_103, %mul3A_120 : i32
      %add3A_122 = arith.constant 2 : i32
      %add3A_123 = arith.addi %mul3A_121, %add3A_122 : i32
      %mul3A_124 = arith.constant 16 : i32
      %mul3A_125 = arith.muli %add3A_123, %mul3A_124 : i32
      %swap3A_126 = arith.index_cast %mul3A_125 : i32 to index
      %swap3A_127 = tpu.vector_load %arg7[%swap3A_126] {strides = array<i32>} : memref<50176xf32, #tpu.memory_space<vmem>>, vector<16xf32>,
      tpu.vector_store %arg7[%swap3A_126], %broadcast_in_dim3A_3 {strides = array<i32>} : memref<50176xf32, #tpu.memory_space<vmem>>, vector<16xf32>,
      %mul3A_128 = arith.constant 8 : i32
      %mul3A_129 = arith.muli %scan3A_103, %mul3A_128 : i32
      %add3A_130 = arith.constant 3 : i32
      %add3A_131 = arith.addi %mul3A_129, %add3A_130 : i32
      %mul3A_132 = arith.constant 16 : i32
      %mul3A_133 = arith.muli %add3A_131, %mul3A_132 : i32
      %swap3A_134 = arith.index_cast %mul3A_133 : i32 to index
      %swap3A_135 = tpu.vector_load %arg7[%swap3A_134] {strides = array<i32>} : memref<50176xf32, #tpu.memory_space<vmem>>, vector<16xf32>,
      tpu.vector_store %arg7[%swap3A_134], %broadcast_in_dim3A_3 {strides = array<i32>} : memref<50176xf32, #tpu.memory_space<vmem>>, vector<16xf32>,
      %mul3A_136 = arith.constant 8 : i32
      %mul3A_137 = arith.muli %scan3A_103, %mul3A_136 : i32
      %add3A_138 = arith.constant 4 : i32
      %add3A_139 = arith.addi %mul3A_137, %add3A_138 : i32
      %mul3A_140 = arith.constant 16 : i32
      %mul3A_141 = arith.muli %add3A_139, %mul3A_140 : i32
      %swap3A_142 = arith.index_cast %mul3A_141 : i32 to index
      %swap3A_143 = tpu.vector_load %arg7[%swap3A_142] {strides = array<i32>} : memref<50176xf32, #tpu.memory_space<vmem>>, vector<16xf32>,
      tpu.vector_store %arg7[%swap3A_142], %broadcast_in_dim3A_3 {strides = array<i32>} : memref<50176xf32, #tpu.memory_space<vmem>>, vector<16xf32>,
      %mul3A_144 = arith.constant 8 : i32
      %mul3A_145 = arith.muli %scan3A_103, %mul3A_144 : i32
      %add3A_146 = arith.constant 5 : i32
      %add3A_147 = arith.addi %mul3A_145, %add3A_146 : i32
      %mul3A_148 = arith.constant 16 : i32
      %mul3A_149 = arith.muli %add3A_147, %mul3A_148 : i32
      %swap3A_150 = arith.index_cast %mul3A_149 : i32 to index
      %swap3A_151 = tpu.vector_load %arg7[%swap3A_150] {strides = array<i32>} : memref<50176xf32, #tpu.memory_space<vmem>>, vector<16xf32>,
      tpu.vector_store %arg7[%swap3A_150], %broadcast_in_dim3A_3 {strides = array<i32>} : memref<50176xf32, #tpu.memory_space<vmem>>, vector<16xf32>,
      %mul3A_152 = arith.constant 8 : i32
      %mul3A_153 = arith.muli %scan3A_103, %mul3A_152 : i32
      %add3A_154 = arith.constant 6 : i32
      %add3A_155 = arith.addi %mul3A_153, %add3A_154 : i32
      %mul3A_156 = arith.constant 16 : i32
      %mul3A_157 = arith.muli %add3A_155, %mul3A_156 : i32
      %swap3A_158 = arith.index_cast %mul3A_157 : i32 to index
      %swap3A_159 = tpu.vector_load %arg7[%swap3A_158] {strides = array<i32>} : memref<50176xf32, #tpu.memory_space<vmem>>, vector<16xf32>,
      tpu.vector_store %arg7[%swap3A_158], %broadcast_in_dim3A_3 {strides = array<i32>} : memref<50176xf32, #tpu.memory_space<vmem>>, vector<16xf32>,
      %mul3A_160 = arith.constant 8 : i32
      %mul3A_161 = arith.muli %scan3A_103, %mul3A_160 : i32
      %add3A_162 = arith.constant 7 : i32
      %add3A_163 = arith.addi %mul3A_161, %add3A_162 : i32
      %mul3A_164 = arith.constant 16 : i32
      %mul3A_165 = arith.muli %add3A_163, %mul3A_164 : i32
      %swap3A_166 = arith.index_cast %mul3A_165 : i32 to index
      %swap3A_167 = tpu.vector_load %arg7[%swap3A_166] {strides = array<i32>} : memref<50176xf32, #tpu.memory_space<vmem>>, vector<16xf32>,
      tpu.vector_store %arg7[%swap3A_166], %broadcast_in_dim3A_3 {strides = array<i32>} : memref<50176xf32, #tpu.memory_space<vmem>>, vector<16xf32>,
      %scan3A_168 = arith.constant 0 : i32
      scf.yield %scan3A_168 : i32
    }
    %scan3A_11 = arith.constant 392 : i32
    %add3A = arith.constant 0 : i32
    %add3A_12 = arith.addi %mul3A_2, %add3A : i32
    %dma_start3A = arith.constant 0 : i32
    %dma_start3A_13 = arith.constant 0 : i32
    %dma_start3A_14 = tpu.memref_slice %arg8[%dma_start3A, %dma_start3A_13] : memref<2x2000xi32, #tpu.memory_space<vmem>> -> memref<1x2000xi32, #tpu.memory_space<vmem>>
    %dma_start3A_15 = tpu.memref_squeeze %dma_start3A_14 : memref<1x2000xi32, #tpu.memory_space<vmem>> -> memref<2000xi32, #tpu.memory_space<vmem>>
    %dma_start3A_16 = tpu.memref_slice %arg2[%add3A_12] : memref<1600000xi32, #tpu.memory_space<hbm>> -> memref<2000xi32, #tpu.memory_space<hbm>>
    %dma_start3A_17 = arith.constant 0 : i32
    %dma_start3A_18 = tpu.memref_slice %arg8[%dma_start3A, %dma_start3A_17] : memref<2x2000xi32, #tpu.memory_space<vmem>> -> memref<1x2000xi32, #tpu.memory_space<vmem>>
    %dma_start3A_19 = tpu.memref_squeeze %dma_start3A_18 : memref<1x2000xi32, #tpu.memory_space<vmem>> -> memref<2000xi32, #tpu.memory_space<vmem>>
    %dma_start3A_20 = tpu.memref_slice %arg2[%add3A_12] : memref<1600000xi32, #tpu.memory_space<hbm>> -> memref<2000xi32, #tpu.memory_space<hbm>>
    tpu.enqueue_dma source(%dma_start3A_20 : memref<2000xi32, #tpu.memory_space<hbm>>) target(%dma_start3A_19 : memref<2000xi32, #tpu.memory_space<vmem>>) target_semaphore(%arg13 : memref<!tpu.dma_semaphore, #tpu.memory_space<semaphore_mem>>)
    %add3A_21 = arith.constant 2000 : i32
    %add3A_22 = arith.addi %mul3A_2, %add3A_21 : i32
    %dma_start3A_23 = arith.constant 1 : i32
    %dma_start3A_24 = arith.constant 0 : i32
    %dma_start3A_25 = tpu.memref_slice %arg8[%dma_start3A_23, %dma_start3A_24] : memref<2x2000xi32, #tpu.memory_space<vmem>> -> memref<1x2000xi32, #tpu.memory_space<vmem>>
    %dma_start3A_26 = tpu.memref_squeeze %dma_start3A_25 : memref<1x2000xi32, #tpu.memory_space<vmem>> -> memref<2000xi32, #tpu.memory_space<vmem>>
    %dma_start3A_27 = tpu.memref_slice %arg2[%add3A_22] : memref<1600000xi32, #tpu.memory_space<hbm>> -> memref<2000xi32, #tpu.memory_space<hbm>>
    %dma_start3A_28 = arith.constant 0 : i32
    %dma_start3A_29 = tpu.memref_slice %arg8[%dma_start3A_23, %dma_start3A_28] : memref<2x2000xi32, #tpu.memory_space<vmem>> -> memref<1x2000xi32, #tpu.memory_space<vmem>>
    %dma_start3A_30 = tpu.memref_squeeze %dma_start3A_29 : memref<1x2000xi32, #tpu.memory_space<vmem>> -> memref<2000xi32, #tpu.memory_space<vmem>>
    %dma_start3A_31 = tpu.memref_slice %arg2[%add3A_22] : memref<1600000xi32, #tpu.memory_space<hbm>> -> memref<2000xi32, #tpu.memory_space<hbm>>
    tpu.enqueue_dma source(%dma_start3A_31 : memref<2000xi32, #tpu.memory_space<hbm>>) target(%dma_start3A_30 : memref<2000xi32, #tpu.memory_space<vmem>>) target_semaphore(%arg14 : memref<!tpu.dma_semaphore, #tpu.memory_space<semaphore_mem>>)
    %scan3A_32 = arith.constant 0 : i32
    %scan3A_33 = arith.constant 0 : i32
    %scan3A_34 = arith.constant 25 : i32
    %scan3A_35 = arith.addi %scan3A_33, %scan3A_34 : i32
    %scan3A_36 = arith.constant 1 : i32
    %scan3A_37 = scf.for %scan3A_103 = %scan3A_33 to %scan3A_35 step %scan3A_36 iter_args(%scan3A_104 = %scan3A_32) -> (i32)  : i32 {
      %mul3A_105 = arith.constant 2 : i32
      %mul3A_106 = arith.muli %mul3A_105, %scan3A_103 : i32
      %mul3A_107 = arith.constant 2000 : i32
      %mul3A_108 = arith.muli %mul3A_106, %mul3A_107 : i32
      %add3A_109 = arith.addi %mul3A_2, %mul3A_108 : i32
      %dma_wait3A_110 = arith.constant 0 : i32
      %dma_wait3A_111 = arith.constant 0 : i32
      %dma_wait3A_112 = tpu.memref_slice %arg8[%dma_wait3A_110, %dma_wait3A_111] : memref<2x2000xi32, #tpu.memory_space<vmem>> -> memref<1x2000xi32, #tpu.memory_space<vmem>>
      %dma_wait3A_113 = tpu.memref_squeeze %dma_wait3A_112 : memref<1x2000xi32, #tpu.memory_space<vmem>> -> memref<2000xi32, #tpu.memory_space<vmem>>
      %dma_wait3A_114 = tpu.memref_slice %arg2[%add3A_109] : memref<1600000xi32, #tpu.memory_space<hbm>> -> memref<2000xi32, #tpu.memory_space<hbm>>
      %dma_wait3A_115 = arith.constant 0 : i32
      %dma_wait3A_116 = tpu.memref_slice %arg8[%dma_wait3A_110, %dma_wait3A_115] : memref<2x2000xi32, #tpu.memory_space<vmem>> -> memref<1x2000xi32, #tpu.memory_space<vmem>>
      %dma_wait3A_117 = tpu.memref_squeeze %dma_wait3A_116 : memref<1x2000xi32, #tpu.memory_space<vmem>> -> memref<2000xi32, #tpu.memory_space<vmem>>
      %dma_wait3A_118 = tpu.memref_slice %arg2[%add3A_109] : memref<1600000xi32, #tpu.memory_space<hbm>> -> memref<2000xi32, #tpu.memory_space<hbm>>
      tpu.wait_dma2 semaphore(%arg13 : memref<!tpu.dma_semaphore, #tpu.memory_space<semaphore_mem>>) src(%dma_wait3A_118 : memref<2000xi32, #tpu.memory_space<hbm>>) dst(%dma_wait3A_117 : memref<2000xi32, #tpu.memory_space<vmem>>)
      %scan3A_119 = arith.constant 0 : i32
      %scan3A_120 = arith.constant 0 : i32
      %scan3A_121 = arith.constant 25 : i32
      %scan3A_122 = arith.addi %scan3A_120, %scan3A_121 : i32
      %scan3A_123 = arith.constant 1 : i32
      %scan3A_124 = scf.for %scan3A_179 = %scan3A_120 to %scan3A_122 step %scan3A_123 iter_args(%scan3A_180 = %scan3A_119) -> (i32)  : i32 {
        %mul3A_181 = arith.constant 5 : i32
        %mul3A_182 = arith.muli %scan3A_179, %mul3A_181 : i32
        %add3A_183 = arith.constant 0 : i32
        %add3A_184 = arith.addi %mul3A_182, %add3A_183 : i32
        %mul3A_185 = arith.constant 16 : i32
        %mul3A_186 = arith.muli %add3A_184, %mul3A_185 : i32
        %get3A = arith.constant 0 : i32
        %get3A_187 = arith.index_cast %get3A : i32 to index
        %get3A_188 = arith.index_cast %mul3A_186 : i32 to index
        %get3A_189 = tpu.vector_load %arg8[%get3A_187, %get3A_188] {strides = array<i32>} : memref<2x2000xi32, #tpu.memory_space<vmem>>, vector<16xi32>,
        %and3A = arith.constant 65535 : i32
        %and3A_190 = vector.broadcast %and3A : i32 to vector<16xi32>
        %and3A_191 = arith.andi %get3A_189, %and3A_190 : vector<16xi32>
        tpu.vector_store_idx %arg7[%and3A_191], %broadcast_in_dim3A_5 {add = true} : memref<50176xf32, #tpu.memory_space<vmem>>[vector<16xi32>], vector<16xf32>,
        %mul3A_192 = arith.constant 5 : i32
        %mul3A_193 = arith.muli %scan3A_179, %mul3A_192 : i32
        %add3A_194 = arith.constant 1 : i32
        %add3A_195 = arith.addi %mul3A_193, %add3A_194 : i32
        %mul3A_196 = arith.constant 16 : i32
        %mul3A_197 = arith.muli %add3A_195, %mul3A_196 : i32
        %get3A_198 = arith.constant 0 : i32
        %get3A_199 = arith.index_cast %get3A_198 : i32 to index
        %get3A_200 = arith.index_cast %mul3A_197 : i32 to index
        %get3A_201 = tpu.vector_load %arg8[%get3A_199, %get3A_200] {strides = array<i32>} : memref<2x2000xi32, #tpu.memory_space<vmem>>, vector<16xi32>,
        %and3A_202 = arith.constant 65535 : i32
        %and3A_203 = vector.broadcast %and3A_202 : i32 to vector<16xi32>
        %and3A_204 = arith.andi %get3A_201, %and3A_203 : vector<16xi32>
        tpu.vector_store_idx %arg7[%and3A_204], %broadcast_in_dim3A_5 {add = true} : memref<50176xf32, #tpu.memory_space<vmem>>[vector<16xi32>], vector<16xf32>,
        %mul3A_205 = arith.constant 5 : i32
        %mul3A_206 = arith.muli %scan3A_179, %mul3A_205 : i32
        %add3A_207 = arith.constant 2 : i32
        %add3A_208 = arith.addi %mul3A_206, %add3A_207 : i32
        %mul3A_209 = arith.constant 16 : i32
        %mul3A_210 = arith.muli %add3A_208, %mul3A_209 : i32
        %get3A_211 = arith.constant 0 : i32
        %get3A_212 = arith.index_cast %get3A_211 : i32 to index
        %get3A_213 = arith.index_cast %mul3A_210 : i32 to index
        %get3A_214 = tpu.vector_load %arg8[%get3A_212, %get3A_213] {strides = array<i32>} : memref<2x2000xi32, #tpu.memory_space<vmem>>, vector<16xi32>,
        %and3A_215 = arith.constant 65535 : i32
        %and3A_216 = vector.broadcast %and3A_215 : i32 to vector<16xi32>
        %and3A_217 = arith.andi %get3A_214, %and3A_216 : vector<16xi32>
        tpu.vector_store_idx %arg7[%and3A_217], %broadcast_in_dim3A_5 {add = true} : memref<50176xf32, #tpu.memory_space<vmem>>[vector<16xi32>], vector<16xf32>,
        %mul3A_218 = arith.constant 5 : i32
        %mul3A_219 = arith.muli %scan3A_179, %mul3A_218 : i32
        %add3A_220 = arith.constant 3 : i32
        %add3A_221 = arith.addi %mul3A_219, %add3A_220 : i32
        %mul3A_222 = arith.constant 16 : i32
        %mul3A_223 = arith.muli %add3A_221, %mul3A_222 : i32
        %get3A_224 = arith.constant 0 : i32
        %get3A_225 = arith.index_cast %get3A_224 : i32 to index
        %get3A_226 = arith.index_cast %mul3A_223 : i32 to index
        %get3A_227 = tpu.vector_load %arg8[%get3A_225, %get3A_226] {strides = array<i32>} : memref<2x2000xi32, #tpu.memory_space<vmem>>, vector<16xi32>,
        %and3A_228 = arith.constant 65535 : i32
        %and3A_229 = vector.broadcast %and3A_228 : i32 to vector<16xi32>
        %and3A_230 = arith.andi %get3A_227, %and3A_229 : vector<16xi32>
        tpu.vector_store_idx %arg7[%and3A_230], %broadcast_in_dim3A_5 {add = true} : memref<50176xf32, #tpu.memory_space<vmem>>[vector<16xi32>], vector<16xf32>,
        %mul3A_231 = arith.constant 5 : i32
        %mul3A_232 = arith.muli %scan3A_179, %mul3A_231 : i32
        %add3A_233 = arith.constant 4 : i32
        %add3A_234 = arith.addi %mul3A_232, %add3A_233 : i32
        %mul3A_235 = arith.constant 16 : i32
        %mul3A_236 = arith.muli %add3A_234, %mul3A_235 : i32
        %get3A_237 = arith.constant 0 : i32
        %get3A_238 = arith.index_cast %get3A_237 : i32 to index
        %get3A_239 = arith.index_cast %mul3A_236 : i32 to index
        %get3A_240 = tpu.vector_load %arg8[%get3A_238, %get3A_239] {strides = array<i32>} : memref<2x2000xi32, #tpu.memory_space<vmem>>, vector<16xi32>,
        %and3A_241 = arith.constant 65535 : i32
        %and3A_242 = vector.broadcast %and3A_241 : i32 to vector<16xi32>
        %and3A_243 = arith.andi %get3A_240, %and3A_242 : vector<16xi32>
        tpu.vector_store_idx %arg7[%and3A_243], %broadcast_in_dim3A_5 {add = true} : memref<50176xf32, #tpu.memory_space<vmem>>[vector<16xi32>], vector<16xf32>,
        %scan3A_244 = arith.constant 0 : i32
        scf.yield %scan3A_244 : i32
      }
      %scan3A_125 = arith.constant 25 : i32
      %add3A_126 = arith.constant 2 : i32
      %add3A_127 = arith.addi %mul3A_106, %add3A_126 : i32
      %min3A = arith.constant 49 : i32
      %min3A_128 = arith.minsi %add3A_127, %min3A : i32
      %mul3A_129 = arith.constant 2000 : i32
      %mul3A_130 = arith.muli %min3A_128, %mul3A_129 : i32
      %add3A_131 = arith.addi %mul3A_2, %mul3A_130 : i32
      %dma_start3A_132 = arith.constant 0 : i32
      %dma_start3A_133 = arith.constant 0 : i32
      %dma_start3A_134 = tpu.memref_slice %arg8[%dma_start3A_132, %dma_start3A_133] : memref<2x2000xi32, #tpu.memory_space<vmem>> -> memref<1x2000xi32, #tpu.memory_space<vmem>>
      %dma_start3A_135 = tpu.memref_squeeze %dma_start3A_134 : memref<1x2000xi32, #tpu.memory_space<vmem>> -> memref<2000xi32, #tpu.memory_space<vmem>>
      %dma_start3A_136 = tpu.memref_slice %arg2[%add3A_131] : memref<1600000xi32, #tpu.memory_space<hbm>> -> memref<2000xi32, #tpu.memory_space<hbm>>
      %dma_start3A_137 = arith.constant 0 : i32
      %dma_start3A_138 = tpu.memref_slice %arg8[%dma_start3A_132, %dma_start3A_137] : memref<2x2000xi32, #tpu.memory_space<vmem>> -> memref<1x2000xi32, #tpu.memory_space<vmem>>
      %dma_start3A_139 = tpu.memref_squeeze %dma_start3A_138 : memref<1x2000xi32, #tpu.memory_space<vmem>> -> memref<2000xi32, #tpu.memory_space<vmem>>
      %dma_start3A_140 = tpu.memref_slice %arg2[%add3A_131] : memref<1600000xi32, #tpu.memory_space<hbm>> -> memref<2000xi32, #tpu.memory_space<hbm>>
      tpu.enqueue_dma source(%dma_start3A_140 : memref<2000xi32, #tpu.memory_space<hbm>>) target(%dma_start3A_139 : memref<2000xi32, #tpu.memory_space<vmem>>) target_semaphore(%arg13 : memref<!tpu.dma_semaphore, #tpu.memory_space<semaphore_mem>>)
      %add3A_141 = arith.constant 1 : i32
      %add3A_142 = arith.addi %mul3A_106, %add3A_141 : i32
      %mul3A_143 = arith.constant 2000 : i32
      %mul3A_144 = arith.muli %add3A_142, %mul3A_143 : i32
      %add3A_145 = arith.addi %mul3A_2, %mul3A_144 : i32
      %dma_wait3A_146 = arith.constant 1 : i32
      %dma_wait3A_147 = arith.constant 0 : i32
      %dma_wait3A_148 = tpu.memref_slice %arg8[%dma_wait3A_146, %dma_wait3A_147] : memref<2x2000xi32, #tpu.memory_space<vmem>> -> memref<1x2000xi32, #tpu.memory_space<vmem>>
      %dma_wait3A_149 = tpu.memref_squeeze %dma_wait3A_148 : memref<1x2000xi32, #tpu.memory_space<vmem>> -> memref<2000xi32, #tpu.memory_space<vmem>>
      %dma_wait3A_150 = tpu.memref_slice %arg2[%add3A_145] : memref<1600000xi32, #tpu.memory_space<hbm>> -> memref<2000xi32, #tpu.memory_space<hbm>>
      %dma_wait3A_151 = arith.constant 0 : i32
      %dma_wait3A_152 = tpu.memref_slice %arg8[%dma_wait3A_146, %dma_wait3A_151] : memref<2x2000xi32, #tpu.memory_space<vmem>> -> memref<1x2000xi32, #tpu.memory_space<vmem>>
      %dma_wait3A_153 = tpu.memref_squeeze %dma_wait3A_152 : memref<1x2000xi32, #tpu.memory_space<vmem>> -> memref<2000xi32, #tpu.memory_space<vmem>>
      %dma_wait3A_154 = tpu.memref_slice %arg2[%add3A_145] : memref<1600000xi32, #tpu.memory_space<hbm>> -> memref<2000xi32, #tpu.memory_space<hbm>>
      tpu.wait_dma2 semaphore(%arg14 : memref<!tpu.dma_semaphore, #tpu.memory_space<semaphore_mem>>) src(%dma_wait3A_154 : memref<2000xi32, #tpu.memory_space<hbm>>) dst(%dma_wait3A_153 : memref<2000xi32, #tpu.memory_space<vmem>>)
      %scan3A_155 = arith.constant 0 : i32
      %scan3A_156 = arith.constant 0 : i32
      %scan3A_157 = arith.constant 25 : i32
      %scan3A_158 = arith.addi %scan3A_156, %scan3A_157 : i32
      %scan3A_159 = arith.constant 1 : i32
      %scan3A_160 = scf.for %scan3A_179 = %scan3A_156 to %scan3A_158 step %scan3A_159 iter_args(%scan3A_180 = %scan3A_155) -> (i32)  : i32 {
        %mul3A_181 = arith.constant 5 : i32
        %mul3A_182 = arith.muli %scan3A_179, %mul3A_181 : i32
        %add3A_183 = arith.constant 0 : i32
        %add3A_184 = arith.addi %mul3A_182, %add3A_183 : i32
        %mul3A_185 = arith.constant 16 : i32
        %mul3A_186 = arith.muli %add3A_184, %mul3A_185 : i32
        %get3A = arith.constant 1 : i32
        %get3A_187 = arith.index_cast %get3A : i32 to index
        %get3A_188 = arith.index_cast %mul3A_186 : i32 to index
        %get3A_189 = tpu.vector_load %arg8[%get3A_187, %get3A_188] {strides = array<i32>} : memref<2x2000xi32, #tpu.memory_space<vmem>>, vector<16xi32>,
        %and3A = arith.constant 65535 : i32
        %and3A_190 = vector.broadcast %and3A : i32 to vector<16xi32>
        %and3A_191 = arith.andi %get3A_189, %and3A_190 : vector<16xi32>
        tpu.vector_store_idx %arg7[%and3A_191], %broadcast_in_dim3A_5 {add = true} : memref<50176xf32, #tpu.memory_space<vmem>>[vector<16xi32>], vector<16xf32>,
        %mul3A_192 = arith.constant 5 : i32
        %mul3A_193 = arith.muli %scan3A_179, %mul3A_192 : i32
        %add3A_194 = arith.constant 1 : i32
        %add3A_195 = arith.addi %mul3A_193, %add3A_194 : i32
        %mul3A_196 = arith.constant 16 : i32
        %mul3A_197 = arith.muli %add3A_195, %mul3A_196 : i32
        %get3A_198 = arith.constant 1 : i32
        %get3A_199 = arith.index_cast %get3A_198 : i32 to index
        %get3A_200 = arith.index_cast %mul3A_197 : i32 to index
        %get3A_201 = tpu.vector_load %arg8[%get3A_199, %get3A_200] {strides = array<i32>} : memref<2x2000xi32, #tpu.memory_space<vmem>>, vector<16xi32>,
        %and3A_202 = arith.constant 65535 : i32
        %and3A_203 = vector.broadcast %and3A_202 : i32 to vector<16xi32>
        %and3A_204 = arith.andi %get3A_201, %and3A_203 : vector<16xi32>
        tpu.vector_store_idx %arg7[%and3A_204], %broadcast_in_dim3A_5 {add = true} : memref<50176xf32, #tpu.memory_space<vmem>>[vector<16xi32>], vector<16xf32>,
        %mul3A_205 = arith.constant 5 : i32
        %mul3A_206 = arith.muli %scan3A_179, %mul3A_205 : i32
        %add3A_207 = arith.constant 2 : i32
        %add3A_208 = arith.addi %mul3A_206, %add3A_207 : i32
        %mul3A_209 = arith.constant 16 : i32
        %mul3A_210 = arith.muli %add3A_208, %mul3A_209 : i32
        %get3A_211 = arith.constant 1 : i32
        %get3A_212 = arith.index_cast %get3A_211 : i32 to index
        %get3A_213 = arith.index_cast %mul3A_210 : i32 to index
        %get3A_214 = tpu.vector_load %arg8[%get3A_212, %get3A_213] {strides = array<i32>} : memref<2x2000xi32, #tpu.memory_space<vmem>>, vector<16xi32>,
        %and3A_215 = arith.constant 65535 : i32
        %and3A_216 = vector.broadcast %and3A_215 : i32 to vector<16xi32>
        %and3A_217 = arith.andi %get3A_214, %and3A_216 : vector<16xi32>
        tpu.vector_store_idx %arg7[%and3A_217], %broadcast_in_dim3A_5 {add = true} : memref<50176xf32, #tpu.memory_space<vmem>>[vector<16xi32>], vector<16xf32>,
        %mul3A_218 = arith.constant 5 : i32
        %mul3A_219 = arith.muli %scan3A_179, %mul3A_218 : i32
        %add3A_220 = arith.constant 3 : i32
        %add3A_221 = arith.addi %mul3A_219, %add3A_220 : i32
        %mul3A_222 = arith.constant 16 : i32
        %mul3A_223 = arith.muli %add3A_221, %mul3A_222 : i32
        %get3A_224 = arith.constant 1 : i32
        %get3A_225 = arith.index_cast %get3A_224 : i32 to index
        %get3A_226 = arith.index_cast %mul3A_223 : i32 to index
        %get3A_227 = tpu.vector_load %arg8[%get3A_225, %get3A_226] {strides = array<i32>} : memref<2x2000xi32, #tpu.memory_space<vmem>>, vector<16xi32>,
        %and3A_228 = arith.constant 65535 : i32
        %and3A_229 = vector.broadcast %and3A_228 : i32 to vector<16xi32>
        %and3A_230 = arith.andi %get3A_227, %and3A_229 : vector<16xi32>
        tpu.vector_store_idx %arg7[%and3A_230], %broadcast_in_dim3A_5 {add = true} : memref<50176xf32, #tpu.memory_space<vmem>>[vector<16xi32>], vector<16xf32>,
        %mul3A_231 = arith.constant 5 : i32
        %mul3A_232 = arith.muli %scan3A_179, %mul3A_231 : i32
        %add3A_233 = arith.constant 4 : i32
        %add3A_234 = arith.addi %mul3A_232, %add3A_233 : i32
        %mul3A_235 = arith.constant 16 : i32
        %mul3A_236 = arith.muli %add3A_234, %mul3A_235 : i32
        %get3A_237 = arith.constant 1 : i32
        %get3A_238 = arith.index_cast %get3A_237 : i32 to index
        %get3A_239 = arith.index_cast %mul3A_236 : i32 to index
        %get3A_240 = tpu.vector_load %arg8[%get3A_238, %get3A_239] {strides = array<i32>} : memref<2x2000xi32, #tpu.memory_space<vmem>>, vector<16xi32>,
        %and3A_241 = arith.constant 65535 : i32
        %and3A_242 = vector.broadcast %and3A_241 : i32 to vector<16xi32>
        %and3A_243 = arith.andi %get3A_240, %and3A_242 : vector<16xi32>
        tpu.vector_store_idx %arg7[%and3A_243], %broadcast_in_dim3A_5 {add = true} : memref<50176xf32, #tpu.memory_space<vmem>>[vector<16xi32>], vector<16xf32>,
        %scan3A_244 = arith.constant 0 : i32
        scf.yield %scan3A_244 : i32
      }
      %scan3A_161 = arith.constant 25 : i32
      %add3A_162 = arith.constant 3 : i32
      %add3A_163 = arith.addi %mul3A_106, %add3A_162 : i32
      %min3A_164 = arith.constant 49 : i32
      %min3A_165 = arith.minsi %add3A_163, %min3A_164 : i32
      %mul3A_166 = arith.constant 2000 : i32
      %mul3A_167 = arith.muli %min3A_165, %mul3A_166 : i32
      %add3A_168 = arith.addi %mul3A_2, %mul3A_167 : i32
      %dma_start3A_169 = arith.constant 1 : i32
      %dma_start3A_170 = arith.constant 0 : i32
      %dma_start3A_171 = tpu.memref_slice %arg8[%dma_start3A_169, %dma_start3A_170] : memref<2x2000xi32, #tpu.memory_space<vmem>> -> memref<1x2000xi32, #tpu.memory_space<vmem>>
      %dma_start3A_172 = tpu.memref_squeeze %dma_start3A_171 : memref<1x2000xi32, #tpu.memory_space<vmem>> -> memref<2000xi32, #tpu.memory_space<vmem>>
      %dma_start3A_173 = tpu.memref_slice %arg2[%add3A_168] : memref<1600000xi32, #tpu.memory_space<hbm>> -> memref<2000xi32, #tpu.memory_space<hbm>>
      %dma_start3A_174 = arith.constant 0 : i32
      %dma_start3A_175 = tpu.memref_slice %arg8[%dma_start3A_169, %dma_start3A_174] : memref<2x2000xi32, #tpu.memory_space<vmem>> -> memref<1x2000xi32, #tpu.memory_space<vmem>>
      %dma_start3A_176 = tpu.memref_squeeze %dma_start3A_175 : memref<1x2000xi32, #tpu.memory_space<vmem>> -> memref<2000xi32, #tpu.memory_space<vmem>>
      %dma_start3A_177 = tpu.memref_slice %arg2[%add3A_168] : memref<1600000xi32, #tpu.memory_space<hbm>> -> memref<2000xi32, #tpu.memory_space<hbm>>
      tpu.enqueue_dma source(%dma_start3A_177 : memref<2000xi32, #tpu.memory_space<hbm>>) target(%dma_start3A_176 : memref<2000xi32, #tpu.memory_space<vmem>>) target_semaphore(%arg14 : memref<!tpu.dma_semaphore, #tpu.memory_space<semaphore_mem>>)
      %scan3A_178 = arith.constant 0 : i32
      scf.yield %scan3A_178 : i32
    }
    %scan3A_38 = arith.constant 25 : i32
    %add3A_39 = arith.constant 98000 : i32
    %add3A_40 = arith.addi %mul3A_2, %add3A_39 : i32
    %dma_wait3A = arith.constant 0 : i32
    %dma_wait3A_41 = arith.constant 0 : i32
    %dma_wait3A_42 = tpu.memref_slice %arg8[%dma_wait3A, %dma_wait3A_41] : memref<2x2000xi32, #tpu.memory_space<vmem>> -> memref<1x2000xi32, #tpu.memory_space<vmem>>
    %dma_wait3A_43 = tpu.memref_squeeze %dma_wait3A_42 : memref<1x2000xi32, #tpu.memory_space<vmem>> -> memref<2000xi32, #tpu.memory_space<vmem>>
    %dma_wait3A_44 = tpu.memref_slice %arg2[%add3A_40] : memref<1600000xi32, #tpu.memory_space<hbm>> -> memref<2000xi32, #tpu.memory_space<hbm>>
    %dma_wait3A_45 = arith.constant 0 : i32
    %dma_wait3A_46 = tpu.memref_slice %arg8[%dma_wait3A, %dma_wait3A_45] : memref<2x2000xi32, #tpu.memory_space<vmem>> -> memref<1x2000xi32, #tpu.memory_space<vmem>>
    %dma_wait3A_47 = tpu.memref_squeeze %dma_wait3A_46 : memref<1x2000xi32, #tpu.memory_space<vmem>> -> memref<2000xi32, #tpu.memory_space<vmem>>
    %dma_wait3A_48 = tpu.memref_slice %arg2[%add3A_40] : memref<1600000xi32, #tpu.memory_space<hbm>> -> memref<2000xi32, #tpu.memory_space<hbm>>
    tpu.wait_dma2 semaphore(%arg13 : memref<!tpu.dma_semaphore, #tpu.memory_space<semaphore_mem>>) src(%dma_wait3A_48 : memref<2000xi32, #tpu.memory_space<hbm>>) dst(%dma_wait3A_47 : memref<2000xi32, #tpu.memory_space<vmem>>)
    %add3A_49 = arith.constant 98000 : i32
    %add3A_50 = arith.addi %mul3A_2, %add3A_49 : i32
    %dma_wait3A_51 = arith.constant 1 : i32
    %dma_wait3A_52 = arith.constant 0 : i32
    %dma_wait3A_53 = tpu.memref_slice %arg8[%dma_wait3A_51, %dma_wait3A_52] : memref<2x2000xi32, #tpu.memory_space<vmem>> -> memref<1x2000xi32, #tpu.memory_space<vmem>>
    %dma_wait3A_54 = tpu.memref_squeeze %dma_wait3A_53 : memref<1x2000xi32, #tpu.memory_space<vmem>> -> memref<2000xi32, #tpu.memory_space<vmem>>
    %dma_wait3A_55 = tpu.memref_slice %arg2[%add3A_50] : memref<1600000xi32, #tpu.memory_space<hbm>> -> memref<2000xi32, #tpu.memory_space<hbm>>
    %dma_wait3A_56 = arith.constant 0 : i32
    %dma_wait3A_57 = tpu.memref_slice %arg8[%dma_wait3A_51, %dma_wait3A_56] : memref<2x2000xi32, #tpu.memory_space<vmem>> -> memref<1x2000xi32, #tpu.memory_space<vmem>>
    %dma_wait3A_58 = tpu.memref_squeeze %dma_wait3A_57 : memref<1x2000xi32, #tpu.memory_space<vmem>> -> memref<2000xi32, #tpu.memory_space<vmem>>
    %dma_wait3A_59 = tpu.memref_slice %arg2[%add3A_50] : memref<1600000xi32, #tpu.memory_space<hbm>> -> memref<2000xi32, #tpu.memory_space<hbm>>
    tpu.wait_dma2 semaphore(%arg14 : memref<!tpu.dma_semaphore, #tpu.memory_space<semaphore_mem>>) src(%dma_wait3A_59 : memref<2000xi32, #tpu.memory_space<hbm>>) dst(%dma_wait3A_58 : memref<2000xi32, #tpu.memory_space<vmem>>)
    "tpu.region"() ({
      %run_scoped3A = tpu.sem_alloc : memref<!tpu.dma_semaphore, #tpu.memory_space<semaphore_mem>>
      %dma_start3A_103 = arith.constant 0 : i32
      %dma_start3A_104 = tpu.memref_slice %arg4[%arg0, %arg1, %dma_start3A_103] : memref<2x16x50176xf32, #tpu.memory_space<hbm>> -> memref<1x1x50176xf32, #tpu.memory_space<hbm>>
      %dma_start3A_105 = tpu.memref_squeeze %dma_start3A_104 : memref<1x1x50176xf32, #tpu.memory_space<hbm>> -> memref<50176xf32, #tpu.memory_space<hbm>>
      %dma_start3A_106 = arith.constant 0 : i32
      %dma_start3A_107 = tpu.memref_slice %arg4[%arg0, %arg1, %dma_start3A_106] : memref<2x16x50176xf32, #tpu.memory_space<hbm>> -> memref<1x1x50176xf32, #tpu.memory_space<hbm>>
      %dma_start3A_108 = tpu.memref_squeeze %dma_start3A_107 : memref<1x1x50176xf32, #tpu.memory_space<hbm>> -> memref<50176xf32, #tpu.memory_space<hbm>>
      tpu.enqueue_dma source(%arg7 : memref<50176xf32, #tpu.memory_space<vmem>>) target(%dma_start3A_108 : memref<50176xf32, #tpu.memory_space<hbm>>) target_semaphore(%run_scoped3A : memref<!tpu.dma_semaphore, #tpu.memory_space<semaphore_mem>>)
      %dma_wait3A_109 = arith.constant 0 : i32
      %dma_wait3A_110 = tpu.memref_slice %arg4[%arg0, %arg1, %dma_wait3A_109] : memref<2x16x50176xf32, #tpu.memory_space<hbm>> -> memref<1x1x50176xf32, #tpu.memory_space<hbm>>
      %dma_wait3A_111 = tpu.memref_squeeze %dma_wait3A_110 : memref<1x1x50176xf32, #tpu.memory_space<hbm>> -> memref<50176xf32, #tpu.memory_space<hbm>>
      %dma_wait3A_112 = arith.constant 0 : i32
      %dma_wait3A_113 = tpu.memref_slice %arg4[%arg0, %arg1, %dma_wait3A_112] : memref<2x16x50176xf32, #tpu.memory_space<hbm>> -> memref<1x1x50176xf32, #tpu.memory_space<hbm>>
      %dma_wait3A_114 = tpu.memref_squeeze %dma_wait3A_113 : memref<1x1x50176xf32, #tpu.memory_space<hbm>> -> memref<50176xf32, #tpu.memory_space<hbm>>
      tpu.wait_dma2 semaphore(%run_scoped3A : memref<!tpu.dma_semaphore, #tpu.memory_space<semaphore_mem>>) src(%arg7 : memref<50176xf32, #tpu.memory_space<vmem>>) dst(%dma_wait3A_114 : memref<50176xf32, #tpu.memory_space<hbm>>)
      tpu.yield
    }) : () -> ()
    %barrier3A = arith.constant 0 : index
    tpu.barrier barrier_id(%barrier3A)
    "tpu.region"() ({
      %run_scoped3A = tpu.sem_alloc : memref<!tpu.dma_semaphore, #tpu.memory_space<semaphore_mem>>
      %dma_start3A_103 = arith.constant 0 : i32
      %dma_start3A_104 = tpu.memref_slice %arg4[%arg0, %dma_start3A_103, %mul3A_0] : memref<2x16x50176xf32, #tpu.memory_space<hbm>> -> memref<1x4x3136xf32, #tpu.memory_space<hbm>>
      %dma_start3A_105 = tpu.memref_squeeze %dma_start3A_104 : memref<1x4x3136xf32, #tpu.memory_space<hbm>> -> memref<4x3136xf32, #tpu.memory_space<hbm>>
      %dma_start3A_106 = arith.constant 0 : i32
      %dma_start3A_107 = tpu.memref_slice %arg4[%arg0, %dma_start3A_106, %mul3A_0] : memref<2x16x50176xf32, #tpu.memory_space<hbm>> -> memref<1x4x3136xf32, #tpu.memory_space<hbm>>
      %dma_start3A_108 = tpu.memref_squeeze %dma_start3A_107 : memref<1x4x3136xf32, #tpu.memory_space<hbm>> -> memref<4x3136xf32, #tpu.memory_space<hbm>>
      tpu.enqueue_dma source(%dma_start3A_108 : memref<4x3136xf32, #tpu.memory_space<hbm>>) target(%arg9 : memref<4x3136xf32, #tpu.memory_space<vmem>>) target_semaphore(%run_scoped3A : memref<!tpu.dma_semaphore, #tpu.memory_space<semaphore_mem>>)
      %dma_wait3A_109 = arith.constant 0 : i32
      %dma_wait3A_110 = tpu.memref_slice %arg4[%arg0, %dma_wait3A_109, %mul3A_0] : memref<2x16x50176xf32, #tpu.memory_space<hbm>> -> memref<1x4x3136xf32, #tpu.memory_space<hbm>>
      %dma_wait3A_111 = tpu.memref_squeeze %dma_wait3A_110 : memref<1x4x3136xf32, #tpu.memory_space<hbm>> -> memref<4x3136xf32, #tpu.memory_space<hbm>>
      %dma_wait3A_112 = arith.constant 0 : i32
      %dma_wait3A_113 = tpu.memref_slice %arg4[%arg0, %dma_wait3A_112, %mul3A_0] : memref<2x16x50176xf32, #tpu.memory_space<hbm>> -> memref<1x4x3136xf32, #tpu.memory_space<hbm>>
      %dma_wait3A_114 = tpu.memref_squeeze %dma_wait3A_113 : memref<1x4x3136xf32, #tpu.memory_space<hbm>> -> memref<4x3136xf32, #tpu.memory_space<hbm>>
      tpu.wait_dma2 semaphore(%run_scoped3A : memref<!tpu.dma_semaphore, #tpu.memory_space<semaphore_mem>>) src(%dma_wait3A_114 : memref<4x3136xf32, #tpu.memory_space<hbm>>) dst(%arg9 : memref<4x3136xf32, #tpu.memory_space<vmem>>)
      tpu.yield
    }) : () -> ()
    %scan3A_60 = arith.constant 0 : i32
    %scan3A_61 = arith.constant 0 : i32
    %scan3A_62 = arith.constant 49 : i32
    %scan3A_63 = arith.addi %scan3A_61, %scan3A_62 : i32
    %scan3A_64 = arith.constant 1 : i32
    %scan3A_65 = scf.for %scan3A_103 = %scan3A_61 to %scan3A_63 step %scan3A_64 iter_args(%scan3A_104 = %scan3A_60) -> (i32)  : i32 {
      %mul3A_105 = arith.constant 4 : i32
      %mul3A_106 = arith.muli %scan3A_103, %mul3A_105 : i32
      %add3A_107 = arith.constant 0 : i32
      %add3A_108 = arith.addi %mul3A_106, %add3A_107 : i32
      %mul3A_109 = arith.constant 16 : i32
      %mul3A_110 = arith.muli %add3A_108, %mul3A_109 : i32
      %get3A = arith.constant 0 : i32
      %get3A_111 = arith.index_cast %get3A : i32 to index
      %get3A_112 = arith.index_cast %mul3A_110 : i32 to index
      %get3A_113 = tpu.vector_load %arg9[%get3A_111, %get3A_112] {strides = array<i32>} : memref<4x3136xf32, #tpu.memory_space<vmem>>, vector<16xf32>,
      %get3A_114 = arith.constant 1 : i32
      %get3A_115 = arith.index_cast %get3A_114 : i32 to index
      %get3A_116 = arith.index_cast %mul3A_110 : i32 to index
      %get3A_117 = tpu.vector_load %arg9[%get3A_115, %get3A_116] {strides = array<i32>} : memref<4x3136xf32, #tpu.memory_space<vmem>>, vector<16xf32>,
      %add3A_118 = arith.addf %get3A_113, %get3A_117 : vector<16xf32>
      %get3A_119 = arith.constant 2 : i32
      %get3A_120 = arith.index_cast %get3A_119 : i32 to index
      %get3A_121 = arith.index_cast %mul3A_110 : i32 to index
      %get3A_122 = tpu.vector_load %arg9[%get3A_120, %get3A_121] {strides = array<i32>} : memref<4x3136xf32, #tpu.memory_space<vmem>>, vector<16xf32>,
      %get3A_123 = arith.constant 3 : i32
      %get3A_124 = arith.index_cast %get3A_123 : i32 to index
      %get3A_125 = arith.index_cast %mul3A_110 : i32 to index
      %get3A_126 = tpu.vector_load %arg9[%get3A_124, %get3A_125] {strides = array<i32>} : memref<4x3136xf32, #tpu.memory_space<vmem>>, vector<16xf32>,
      %add3A_127 = arith.addf %get3A_122, %get3A_126 : vector<16xf32>
      %add3A_128 = arith.addf %add3A_118, %add3A_127 : vector<16xf32>
      %swap3A = arith.index_cast %mul3A_110 : i32 to index
      %swap3A_129 = tpu.vector_load %arg10[%swap3A] {strides = array<i32>} : memref<3136xf32, #tpu.memory_space<vmem>>, vector<16xf32>,
      tpu.vector_store %arg10[%swap3A], %add3A_128 {strides = array<i32>} : memref<3136xf32, #tpu.memory_space<vmem>>, vector<16xf32>,
      %mul3A_130 = arith.constant 4 : i32
      %mul3A_131 = arith.muli %scan3A_103, %mul3A_130 : i32
      %add3A_132 = arith.constant 1 : i32
      %add3A_133 = arith.addi %mul3A_131, %add3A_132 : i32
      %mul3A_134 = arith.constant 16 : i32
      %mul3A_135 = arith.muli %add3A_133, %mul3A_134 : i32
      %get3A_136 = arith.constant 0 : i32
      %get3A_137 = arith.index_cast %get3A_136 : i32 to index
      %get3A_138 = arith.index_cast %mul3A_135 : i32 to index
      %get3A_139 = tpu.vector_load %arg9[%get3A_137, %get3A_138] {strides = array<i32>} : memref<4x3136xf32, #tpu.memory_space<vmem>>, vector<16xf32>,
      %get3A_140 = arith.constant 1 : i32
      %get3A_141 = arith.index_cast %get3A_140 : i32 to index
      %get3A_142 = arith.index_cast %mul3A_135 : i32 to index
      %get3A_143 = tpu.vector_load %arg9[%get3A_141, %get3A_142] {strides = array<i32>} : memref<4x3136xf32, #tpu.memory_space<vmem>>, vector<16xf32>,
      %add3A_144 = arith.addf %get3A_139, %get3A_143 : vector<16xf32>
      %get3A_145 = arith.constant 2 : i32
      %get3A_146 = arith.index_cast %get3A_145 : i32 to index
      %get3A_147 = arith.index_cast %mul3A_135 : i32 to index
      %get3A_148 = tpu.vector_load %arg9[%get3A_146, %get3A_147] {strides = array<i32>} : memref<4x3136xf32, #tpu.memory_space<vmem>>, vector<16xf32>,
      %get3A_149 = arith.constant 3 : i32
      %get3A_150 = arith.index_cast %get3A_149 : i32 to index
      %get3A_151 = arith.index_cast %mul3A_135 : i32 to index
      %get3A_152 = tpu.vector_load %arg9[%get3A_150, %get3A_151] {strides = array<i32>} : memref<4x3136xf32, #tpu.memory_space<vmem>>, vector<16xf32>,
      %add3A_153 = arith.addf %get3A_148, %get3A_152 : vector<16xf32>
      %add3A_154 = arith.addf %add3A_144, %add3A_153 : vector<16xf32>
      %swap3A_155 = arith.index_cast %mul3A_135 : i32 to index
      %swap3A_156 = tpu.vector_load %arg10[%swap3A_155] {strides = array<i32>} : memref<3136xf32, #tpu.memory_space<vmem>>, vector<16xf32>,
      tpu.vector_store %arg10[%swap3A_155], %add3A_154 {strides = array<i32>} : memref<3136xf32, #tpu.memory_space<vmem>>, vector<16xf32>,
      %mul3A_157 = arith.constant 4 : i32
      %mul3A_158 = arith.muli %scan3A_103, %mul3A_157 : i32
      %add3A_159 = arith.constant 2 : i32
      %add3A_160 = arith.addi %mul3A_158, %add3A_159 : i32
      %mul3A_161 = arith.constant 16 : i32
      %mul3A_162 = arith.muli %add3A_160, %mul3A_161 : i32
      %get3A_163 = arith.constant 0 : i32
      %get3A_164 = arith.index_cast %get3A_163 : i32 to index
      %get3A_165 = arith.index_cast %mul3A_162 : i32 to index
      %get3A_166 = tpu.vector_load %arg9[%get3A_164, %get3A_165] {strides = array<i32>} : memref<4x3136xf32, #tpu.memory_space<vmem>>, vector<16xf32>,
      %get3A_167 = arith.constant 1 : i32
      %get3A_168 = arith.index_cast %get3A_167 : i32 to index
      %get3A_169 = arith.index_cast %mul3A_162 : i32 to index
      %get3A_170 = tpu.vector_load %arg9[%get3A_168, %get3A_169] {strides = array<i32>} : memref<4x3136xf32, #tpu.memory_space<vmem>>, vector<16xf32>,
      %add3A_171 = arith.addf %get3A_166, %get3A_170 : vector<16xf32>
      %get3A_172 = arith.constant 2 : i32
      %get3A_173 = arith.index_cast %get3A_172 : i32 to index
      %get3A_174 = arith.index_cast %mul3A_162 : i32 to index
      %get3A_175 = tpu.vector_load %arg9[%get3A_173, %get3A_174] {strides = array<i32>} : memref<4x3136xf32, #tpu.memory_space<vmem>>, vector<16xf32>,
      %get3A_176 = arith.constant 3 : i32
      %get3A_177 = arith.index_cast %get3A_176 : i32 to index
      %get3A_178 = arith.index_cast %mul3A_162 : i32 to index
      %get3A_179 = tpu.vector_load %arg9[%get3A_177, %get3A_178] {strides = array<i32>} : memref<4x3136xf32, #tpu.memory_space<vmem>>, vector<16xf32>,
      %add3A_180 = arith.addf %get3A_175, %get3A_179 : vector<16xf32>
      %add3A_181 = arith.addf %add3A_171, %add3A_180 : vector<16xf32>
      %swap3A_182 = arith.index_cast %mul3A_162 : i32 to index
      %swap3A_183 = tpu.vector_load %arg10[%swap3A_182] {strides = array<i32>} : memref<3136xf32, #tpu.memory_space<vmem>>, vector<16xf32>,
      tpu.vector_store %arg10[%swap3A_182], %add3A_181 {strides = array<i32>} : memref<3136xf32, #tpu.memory_space<vmem>>, vector<16xf32>,
      %mul3A_184 = arith.constant 4 : i32
      %mul3A_185 = arith.muli %scan3A_103, %mul3A_184 : i32
      %add3A_186 = arith.constant 3 : i32
      %add3A_187 = arith.addi %mul3A_185, %add3A_186 : i32
      %mul3A_188 = arith.constant 16 : i32
      %mul3A_189 = arith.muli %add3A_187, %mul3A_188 : i32
      %get3A_190 = arith.constant 0 : i32
      %get3A_191 = arith.index_cast %get3A_190 : i32 to index
      %get3A_192 = arith.index_cast %mul3A_189 : i32 to index
      %get3A_193 = tpu.vector_load %arg9[%get3A_191, %get3A_192] {strides = array<i32>} : memref<4x3136xf32, #tpu.memory_space<vmem>>, vector<16xf32>,
      %get3A_194 = arith.constant 1 : i32
      %get3A_195 = arith.index_cast %get3A_194 : i32 to index
      %get3A_196 = arith.index_cast %mul3A_189 : i32 to index
      %get3A_197 = tpu.vector_load %arg9[%get3A_195, %get3A_196] {strides = array<i32>} : memref<4x3136xf32, #tpu.memory_space<vmem>>, vector<16xf32>,
      %add3A_198 = arith.addf %get3A_193, %get3A_197 : vector<16xf32>
      %get3A_199 = arith.constant 2 : i32
      %get3A_200 = arith.index_cast %get3A_199 : i32 to index
      %get3A_201 = arith.index_cast %mul3A_189 : i32 to index
      %get3A_202 = tpu.vector_load %arg9[%get3A_200, %get3A_201] {strides = array<i32>} : memref<4x3136xf32, #tpu.memory_space<vmem>>, vector<16xf32>,
      %get3A_203 = arith.constant 3 : i32
      %get3A_204 = arith.index_cast %get3A_203 : i32 to index
      %get3A_205 = arith.index_cast %mul3A_189 : i32 to index
      %get3A_206 = tpu.vector_load %arg9[%get3A_204, %get3A_205] {strides = array<i32>} : memref<4x3136xf32, #tpu.memory_space<vmem>>, vector<16xf32>,
      %add3A_207 = arith.addf %get3A_202, %get3A_206 : vector<16xf32>
      %add3A_208 = arith.addf %add3A_198, %add3A_207 : vector<16xf32>
      %swap3A_209 = arith.index_cast %mul3A_189 : i32 to index
      %swap3A_210 = tpu.vector_load %arg10[%swap3A_209] {strides = array<i32>} : memref<3136xf32, #tpu.memory_space<vmem>>, vector<16xf32>,
      tpu.vector_store %arg10[%swap3A_209], %add3A_208 {strides = array<i32>} : memref<3136xf32, #tpu.memory_space<vmem>>, vector<16xf32>,
      %scan3A_211 = arith.constant 0 : i32
      scf.yield %scan3A_211 : i32
    }
    %scan3A_66 = arith.constant 49 : i32
    "tpu.region"() ({
      %run_scoped3A = tpu.sem_alloc : memref<!tpu.dma_semaphore, #tpu.memory_space<semaphore_mem>>
      %dma_start3A_103 = arith.constant 4 : i32
      %dma_start3A_104 = tpu.memref_slice %arg4[%arg0, %dma_start3A_103, %mul3A_0] : memref<2x16x50176xf32, #tpu.memory_space<hbm>> -> memref<1x4x3136xf32, #tpu.memory_space<hbm>>
      %dma_start3A_105 = tpu.memref_squeeze %dma_start3A_104 : memref<1x4x3136xf32, #tpu.memory_space<hbm>> -> memref<4x3136xf32, #tpu.memory_space<hbm>>
      %dma_start3A_106 = arith.constant 4 : i32
      %dma_start3A_107 = tpu.memref_slice %arg4[%arg0, %dma_start3A_106, %mul3A_0] : memref<2x16x50176xf32, #tpu.memory_space<hbm>> -> memref<1x4x3136xf32, #tpu.memory_space<hbm>>
      %dma_start3A_108 = tpu.memref_squeeze %dma_start3A_107 : memref<1x4x3136xf32, #tpu.memory_space<hbm>> -> memref<4x3136xf32, #tpu.memory_space<hbm>>
      tpu.enqueue_dma source(%dma_start3A_108 : memref<4x3136xf32, #tpu.memory_space<hbm>>) target(%arg9 : memref<4x3136xf32, #tpu.memory_space<vmem>>) target_semaphore(%run_scoped3A : memref<!tpu.dma_semaphore, #tpu.memory_space<semaphore_mem>>)
      %dma_wait3A_109 = arith.constant 4 : i32
      %dma_wait3A_110 = tpu.memref_slice %arg4[%arg0, %dma_wait3A_109, %mul3A_0] : memref<2x16x50176xf32, #tpu.memory_space<hbm>> -> memref<1x4x3136xf32, #tpu.memory_space<hbm>>
      %dma_wait3A_111 = tpu.memref_squeeze %dma_wait3A_110 : memref<1x4x3136xf32, #tpu.memory_space<hbm>> -> memref<4x3136xf32, #tpu.memory_space<hbm>>
      %dma_wait3A_112 = arith.constant 4 : i32
      %dma_wait3A_113 = tpu.memref_slice %arg4[%arg0, %dma_wait3A_112, %mul3A_0] : memref<2x16x50176xf32, #tpu.memory_space<hbm>> -> memref<1x4x3136xf32, #tpu.memory_space<hbm>>
      %dma_wait3A_114 = tpu.memref_squeeze %dma_wait3A_113 : memref<1x4x3136xf32, #tpu.memory_space<hbm>> -> memref<4x3136xf32, #tpu.memory_space<hbm>>
      tpu.wait_dma2 semaphore(%run_scoped3A : memref<!tpu.dma_semaphore, #tpu.memory_space<semaphore_mem>>) src(%dma_wait3A_114 : memref<4x3136xf32, #tpu.memory_space<hbm>>) dst(%arg9 : memref<4x3136xf32, #tpu.memory_space<vmem>>)
      tpu.yield
    }) : () -> ()
    %scan3A_67 = arith.constant 0 : i32
    %scan3A_68 = arith.constant 0 : i32
    %scan3A_69 = arith.constant 49 : i32
    %scan3A_70 = arith.addi %scan3A_68, %scan3A_69 : i32
    %scan3A_71 = arith.constant 1 : i32
    %scan3A_72 = scf.for %scan3A_103 = %scan3A_68 to %scan3A_70 step %scan3A_71 iter_args(%scan3A_104 = %scan3A_67) -> (i32)  : i32 {
      %mul3A_105 = arith.constant 4 : i32
      %mul3A_106 = arith.muli %scan3A_103, %mul3A_105 : i32
      %add3A_107 = arith.constant 0 : i32
      %add3A_108 = arith.addi %mul3A_106, %add3A_107 : i32
      %mul3A_109 = arith.constant 16 : i32
      %mul3A_110 = arith.muli %add3A_108, %mul3A_109 : i32
      %get3A = arith.constant 0 : i32
      %get3A_111 = arith.index_cast %get3A : i32 to index
      %get3A_112 = arith.index_cast %mul3A_110 : i32 to index
      %get3A_113 = tpu.vector_load %arg9[%get3A_111, %get3A_112] {strides = array<i32>} : memref<4x3136xf32, #tpu.memory_space<vmem>>, vector<16xf32>,
      %get3A_114 = arith.constant 1 : i32
      %get3A_115 = arith.index_cast %get3A_114 : i32 to index
      %get3A_116 = arith.index_cast %mul3A_110 : i32 to index
      %get3A_117 = tpu.vector_load %arg9[%get3A_115, %get3A_116] {strides = array<i32>} : memref<4x3136xf32, #tpu.memory_space<vmem>>, vector<16xf32>,
      %add3A_118 = arith.addf %get3A_113, %get3A_117 : vector<16xf32>
      %get3A_119 = arith.constant 2 : i32
      %get3A_120 = arith.index_cast %get3A_119 : i32 to index
      %get3A_121 = arith.index_cast %mul3A_110 : i32 to index
      %get3A_122 = tpu.vector_load %arg9[%get3A_120, %get3A_121] {strides = array<i32>} : memref<4x3136xf32, #tpu.memory_space<vmem>>, vector<16xf32>,
      %get3A_123 = arith.constant 3 : i32
      %get3A_124 = arith.index_cast %get3A_123 : i32 to index
      %get3A_125 = arith.index_cast %mul3A_110 : i32 to index
      %get3A_126 = tpu.vector_load %arg9[%get3A_124, %get3A_125] {strides = array<i32>} : memref<4x3136xf32, #tpu.memory_space<vmem>>, vector<16xf32>,
      %add3A_127 = arith.addf %get3A_122, %get3A_126 : vector<16xf32>
      %add3A_128 = arith.addf %add3A_118, %add3A_127 : vector<16xf32>
      %get3A_129 = arith.index_cast %mul3A_110 : i32 to index
      %get3A_130 = tpu.vector_load %arg10[%get3A_129] {strides = array<i32>} : memref<3136xf32, #tpu.memory_space<vmem>>, vector<16xf32>,
      %add3A_131 = arith.addf %add3A_128, %get3A_130 : vector<16xf32>
      %swap3A = arith.index_cast %mul3A_110 : i32 to index
      %swap3A_132 = tpu.vector_load %arg10[%swap3A] {strides = array<i32>} : memref<3136xf32, #tpu.memory_space<vmem>>, vector<16xf32>,
      tpu.vector_store %arg10[%swap3A], %add3A_131 {strides = array<i32>} : memref<3136xf32, #tpu.memory_space<vmem>>, vector<16xf32>,
      %mul3A_133 = arith.constant 4 : i32
      %mul3A_134 = arith.muli %scan3A_103, %mul3A_133 : i32
      %add3A_135 = arith.constant 1 : i32
      %add3A_136 = arith.addi %mul3A_134, %add3A_135 : i32
      %mul3A_137 = arith.constant 16 : i32
      %mul3A_138 = arith.muli %add3A_136, %mul3A_137 : i32
      %get3A_139 = arith.constant 0 : i32
      %get3A_140 = arith.index_cast %get3A_139 : i32 to index
      %get3A_141 = arith.index_cast %mul3A_138 : i32 to index
      %get3A_142 = tpu.vector_load %arg9[%get3A_140, %get3A_141] {strides = array<i32>} : memref<4x3136xf32, #tpu.memory_space<vmem>>, vector<16xf32>,
      %get3A_143 = arith.constant 1 : i32
      %get3A_144 = arith.index_cast %get3A_143 : i32 to index
      %get3A_145 = arith.index_cast %mul3A_138 : i32 to index
      %get3A_146 = tpu.vector_load %arg9[%get3A_144, %get3A_145] {strides = array<i32>} : memref<4x3136xf32, #tpu.memory_space<vmem>>, vector<16xf32>,
      %add3A_147 = arith.addf %get3A_142, %get3A_146 : vector<16xf32>
      %get3A_148 = arith.constant 2 : i32
      %get3A_149 = arith.index_cast %get3A_148 : i32 to index
      %get3A_150 = arith.index_cast %mul3A_138 : i32 to index
      %get3A_151 = tpu.vector_load %arg9[%get3A_149, %get3A_150] {strides = array<i32>} : memref<4x3136xf32, #tpu.memory_space<vmem>>, vector<16xf32>,
      %get3A_152 = arith.constant 3 : i32
      %get3A_153 = arith.index_cast %get3A_152 : i32 to index
      %get3A_154 = arith.index_cast %mul3A_138 : i32 to index
      %get3A_155 = tpu.vector_load %arg9[%get3A_153, %get3A_154] {strides = array<i32>} : memref<4x3136xf32, #tpu.memory_space<vmem>>, vector<16xf32>,
      %add3A_156 = arith.addf %get3A_151, %get3A_155 : vector<16xf32>
      %add3A_157 = arith.addf %add3A_147, %add3A_156 : vector<16xf32>
      %get3A_158 = arith.index_cast %mul3A_138 : i32 to index
      %get3A_159 = tpu.vector_load %arg10[%get3A_158] {strides = array<i32>} : memref<3136xf32, #tpu.memory_space<vmem>>, vector<16xf32>,
      %add3A_160 = arith.addf %add3A_157, %get3A_159 : vector<16xf32>
      %swap3A_161 = arith.index_cast %mul3A_138 : i32 to index
      %swap3A_162 = tpu.vector_load %arg10[%swap3A_161] {strides = array<i32>} : memref<3136xf32, #tpu.memory_space<vmem>>, vector<16xf32>,
      tpu.vector_store %arg10[%swap3A_161], %add3A_160 {strides = array<i32>} : memref<3136xf32, #tpu.memory_space<vmem>>, vector<16xf32>,
      %mul3A_163 = arith.constant 4 : i32
      %mul3A_164 = arith.muli %scan3A_103, %mul3A_163 : i32
      %add3A_165 = arith.constant 2 : i32
      %add3A_166 = arith.addi %mul3A_164, %add3A_165 : i32
      %mul3A_167 = arith.constant 16 : i32
      %mul3A_168 = arith.muli %add3A_166, %mul3A_167 : i32
      %get3A_169 = arith.constant 0 : i32
      %get3A_170 = arith.index_cast %get3A_169 : i32 to index
      %get3A_171 = arith.index_cast %mul3A_168 : i32 to index
      %get3A_172 = tpu.vector_load %arg9[%get3A_170, %get3A_171] {strides = array<i32>} : memref<4x3136xf32, #tpu.memory_space<vmem>>, vector<16xf32>,
      %get3A_173 = arith.constant 1 : i32
      %get3A_174 = arith.index_cast %get3A_173 : i32 to index
      %get3A_175 = arith.index_cast %mul3A_168 : i32 to index
      %get3A_176 = tpu.vector_load %arg9[%get3A_174, %get3A_175] {strides = array<i32>} : memref<4x3136xf32, #tpu.memory_space<vmem>>, vector<16xf32>,
      %add3A_177 = arith.addf %get3A_172, %get3A_176 : vector<16xf32>
      %get3A_178 = arith.constant 2 : i32
      %get3A_179 = arith.index_cast %get3A_178 : i32 to index
      %get3A_180 = arith.index_cast %mul3A_168 : i32 to index
      %get3A_181 = tpu.vector_load %arg9[%get3A_179, %get3A_180] {strides = array<i32>} : memref<4x3136xf32, #tpu.memory_space<vmem>>, vector<16xf32>,
      %get3A_182 = arith.constant 3 : i32
      %get3A_183 = arith.index_cast %get3A_182 : i32 to index
      %get3A_184 = arith.index_cast %mul3A_168 : i32 to index
      %get3A_185 = tpu.vector_load %arg9[%get3A_183, %get3A_184] {strides = array<i32>} : memref<4x3136xf32, #tpu.memory_space<vmem>>, vector<16xf32>,
      %add3A_186 = arith.addf %get3A_181, %get3A_185 : vector<16xf32>
      %add3A_187 = arith.addf %add3A_177, %add3A_186 : vector<16xf32>
      %get3A_188 = arith.index_cast %mul3A_168 : i32 to index
      %get3A_189 = tpu.vector_load %arg10[%get3A_188] {strides = array<i32>} : memref<3136xf32, #tpu.memory_space<vmem>>, vector<16xf32>,
      %add3A_190 = arith.addf %add3A_187, %get3A_189 : vector<16xf32>
      %swap3A_191 = arith.index_cast %mul3A_168 : i32 to index
      %swap3A_192 = tpu.vector_load %arg10[%swap3A_191] {strides = array<i32>} : memref<3136xf32, #tpu.memory_space<vmem>>, vector<16xf32>,
      tpu.vector_store %arg10[%swap3A_191], %add3A_190 {strides = array<i32>} : memref<3136xf32, #tpu.memory_space<vmem>>, vector<16xf32>,
      %mul3A_193 = arith.constant 4 : i32
      %mul3A_194 = arith.muli %scan3A_103, %mul3A_193 : i32
      %add3A_195 = arith.constant 3 : i32
      %add3A_196 = arith.addi %mul3A_194, %add3A_195 : i32
      %mul3A_197 = arith.constant 16 : i32
      %mul3A_198 = arith.muli %add3A_196, %mul3A_197 : i32
      %get3A_199 = arith.constant 0 : i32
      %get3A_200 = arith.index_cast %get3A_199 : i32 to index
      %get3A_201 = arith.index_cast %mul3A_198 : i32 to index
      %get3A_202 = tpu.vector_load %arg9[%get3A_200, %get3A_201] {strides = array<i32>} : memref<4x3136xf32, #tpu.memory_space<vmem>>, vector<16xf32>,
      %get3A_203 = arith.constant 1 : i32
      %get3A_204 = arith.index_cast %get3A_203 : i32 to index
      %get3A_205 = arith.index_cast %mul3A_198 : i32 to index
      %get3A_206 = tpu.vector_load %arg9[%get3A_204, %get3A_205] {strides = array<i32>} : memref<4x3136xf32, #tpu.memory_space<vmem>>, vector<16xf32>,
      %add3A_207 = arith.addf %get3A_202, %get3A_206 : vector<16xf32>
      %get3A_208 = arith.constant 2 : i32
      %get3A_209 = arith.index_cast %get3A_208 : i32 to index
      %get3A_210 = arith.index_cast %mul3A_198 : i32 to index
      %get3A_211 = tpu.vector_load %arg9[%get3A_209, %get3A_210] {strides = array<i32>} : memref<4x3136xf32, #tpu.memory_space<vmem>>, vector<16xf32>,
      %get3A_212 = arith.constant 3 : i32
      %get3A_213 = arith.index_cast %get3A_212 : i32 to index
      %get3A_214 = arith.index_cast %mul3A_198 : i32 to index
      %get3A_215 = tpu.vector_load %arg9[%get3A_213, %get3A_214] {strides = array<i32>} : memref<4x3136xf32, #tpu.memory_space<vmem>>, vector<16xf32>,
      %add3A_216 = arith.addf %get3A_211, %get3A_215 : vector<16xf32>
      %add3A_217 = arith.addf %add3A_207, %add3A_216 : vector<16xf32>
      %get3A_218 = arith.index_cast %mul3A_198 : i32 to index
      %get3A_219 = tpu.vector_load %arg10[%get3A_218] {strides = array<i32>} : memref<3136xf32, #tpu.memory_space<vmem>>, vector<16xf32>,
      %add3A_220 = arith.addf %add3A_217, %get3A_219 : vector<16xf32>
      %swap3A_221 = arith.index_cast %mul3A_198 : i32 to index
      %swap3A_222 = tpu.vector_load %arg10[%swap3A_221] {strides = array<i32>} : memref<3136xf32, #tpu.memory_space<vmem>>, vector<16xf32>,
      tpu.vector_store %arg10[%swap3A_221], %add3A_220 {strides = array<i32>} : memref<3136xf32, #tpu.memory_space<vmem>>, vector<16xf32>,
      %scan3A_223 = arith.constant 0 : i32
      scf.yield %scan3A_223 : i32
    }
    %scan3A_73 = arith.constant 49 : i32
    "tpu.region"() ({
      %run_scoped3A = tpu.sem_alloc : memref<!tpu.dma_semaphore, #tpu.memory_space<semaphore_mem>>
      %dma_start3A_103 = arith.constant 8 : i32
      %dma_start3A_104 = tpu.memref_slice %arg4[%arg0, %dma_start3A_103, %mul3A_0] : memref<2x16x50176xf32, #tpu.memory_space<hbm>> -> memref<1x4x3136xf32, #tpu.memory_space<hbm>>
      %dma_start3A_105 = tpu.memref_squeeze %dma_start3A_104 : memref<1x4x3136xf32, #tpu.memory_space<hbm>> -> memref<4x3136xf32, #tpu.memory_space<hbm>>
      %dma_start3A_106 = arith.constant 8 : i32
      %dma_start3A_107 = tpu.memref_slice %arg4[%arg0, %dma_start3A_106, %mul3A_0] : memref<2x16x50176xf32, #tpu.memory_space<hbm>> -> memref<1x4x3136xf32, #tpu.memory_space<hbm>>
      %dma_start3A_108 = tpu.memref_squeeze %dma_start3A_107 : memref<1x4x3136xf32, #tpu.memory_space<hbm>> -> memref<4x3136xf32, #tpu.memory_space<hbm>>
      tpu.enqueue_dma source(%dma_start3A_108 : memref<4x3136xf32, #tpu.memory_space<hbm>>) target(%arg9 : memref<4x3136xf32, #tpu.memory_space<vmem>>) target_semaphore(%run_scoped3A : memref<!tpu.dma_semaphore, #tpu.memory_space<semaphore_mem>>)
      %dma_wait3A_109 = arith.constant 8 : i32
      %dma_wait3A_110 = tpu.memref_slice %arg4[%arg0, %dma_wait3A_109, %mul3A_0] : memref<2x16x50176xf32, #tpu.memory_space<hbm>> -> memref<1x4x3136xf32, #tpu.memory_space<hbm>>
      %dma_wait3A_111 = tpu.memref_squeeze %dma_wait3A_110 : memref<1x4x3136xf32, #tpu.memory_space<hbm>> -> memref<4x3136xf32, #tpu.memory_space<hbm>>
      %dma_wait3A_112 = arith.constant 8 : i32
      %dma_wait3A_113 = tpu.memref_slice %arg4[%arg0, %dma_wait3A_112, %mul3A_0] : memref<2x16x50176xf32, #tpu.memory_space<hbm>> -> memref<1x4x3136xf32, #tpu.memory_space<hbm>>
      %dma_wait3A_114 = tpu.memref_squeeze %dma_wait3A_113 : memref<1x4x3136xf32, #tpu.memory_space<hbm>> -> memref<4x3136xf32, #tpu.memory_space<hbm>>
      tpu.wait_dma2 semaphore(%run_scoped3A : memref<!tpu.dma_semaphore, #tpu.memory_space<semaphore_mem>>) src(%dma_wait3A_114 : memref<4x3136xf32, #tpu.memory_space<hbm>>) dst(%arg9 : memref<4x3136xf32, #tpu.memory_space<vmem>>)
      tpu.yield
    }) : () -> ()
    %scan3A_74 = arith.constant 0 : i32
    %scan3A_75 = arith.constant 0 : i32
    %scan3A_76 = arith.constant 49 : i32
    %scan3A_77 = arith.addi %scan3A_75, %scan3A_76 : i32
    %scan3A_78 = arith.constant 1 : i32
    %scan3A_79 = scf.for %scan3A_103 = %scan3A_75 to %scan3A_77 step %scan3A_78 iter_args(%scan3A_104 = %scan3A_74) -> (i32)  : i32 {
      %mul3A_105 = arith.constant 4 : i32
      %mul3A_106 = arith.muli %scan3A_103, %mul3A_105 : i32
      %add3A_107 = arith.constant 0 : i32
      %add3A_108 = arith.addi %mul3A_106, %add3A_107 : i32
      %mul3A_109 = arith.constant 16 : i32
      %mul3A_110 = arith.muli %add3A_108, %mul3A_109 : i32
      %get3A = arith.constant 0 : i32
      %get3A_111 = arith.index_cast %get3A : i32 to index
      %get3A_112 = arith.index_cast %mul3A_110 : i32 to index
      %get3A_113 = tpu.vector_load %arg9[%get3A_111, %get3A_112] {strides = array<i32>} : memref<4x3136xf32, #tpu.memory_space<vmem>>, vector<16xf32>,
      %get3A_114 = arith.constant 1 : i32
      %get3A_115 = arith.index_cast %get3A_114 : i32 to index
      %get3A_116 = arith.index_cast %mul3A_110 : i32 to index
      %get3A_117 = tpu.vector_load %arg9[%get3A_115, %get3A_116] {strides = array<i32>} : memref<4x3136xf32, #tpu.memory_space<vmem>>, vector<16xf32>,
      %add3A_118 = arith.addf %get3A_113, %get3A_117 : vector<16xf32>
      %get3A_119 = arith.constant 2 : i32
      %get3A_120 = arith.index_cast %get3A_119 : i32 to index
      %get3A_121 = arith.index_cast %mul3A_110 : i32 to index
      %get3A_122 = tpu.vector_load %arg9[%get3A_120, %get3A_121] {strides = array<i32>} : memref<4x3136xf32, #tpu.memory_space<vmem>>, vector<16xf32>,
      %get3A_123 = arith.constant 3 : i32
      %get3A_124 = arith.index_cast %get3A_123 : i32 to index
      %get3A_125 = arith.index_cast %mul3A_110 : i32 to index
      %get3A_126 = tpu.vector_load %arg9[%get3A_124, %get3A_125] {strides = array<i32>} : memref<4x3136xf32, #tpu.memory_space<vmem>>, vector<16xf32>,
      %add3A_127 = arith.addf %get3A_122, %get3A_126 : vector<16xf32>
      %add3A_128 = arith.addf %add3A_118, %add3A_127 : vector<16xf32>
      %get3A_129 = arith.index_cast %mul3A_110 : i32 to index
      %get3A_130 = tpu.vector_load %arg10[%get3A_129] {strides = array<i32>} : memref<3136xf32, #tpu.memory_space<vmem>>, vector<16xf32>,
      %add3A_131 = arith.addf %add3A_128, %get3A_130 : vector<16xf32>
      %swap3A = arith.index_cast %mul3A_110 : i32 to index
      %swap3A_132 = tpu.vector_load %arg10[%swap3A] {strides = array<i32>} : memref<3136xf32, #tpu.memory_space<vmem>>, vector<16xf32>,
      tpu.vector_store %arg10[%swap3A], %add3A_131 {strides = array<i32>} : memref<3136xf32, #tpu.memory_space<vmem>>, vector<16xf32>,
      %mul3A_133 = arith.constant 4 : i32
      %mul3A_134 = arith.muli %scan3A_103, %mul3A_133 : i32
      %add3A_135 = arith.constant 1 : i32
      %add3A_136 = arith.addi %mul3A_134, %add3A_135 : i32
      %mul3A_137 = arith.constant 16 : i32
      %mul3A_138 = arith.muli %add3A_136, %mul3A_137 : i32
      %get3A_139 = arith.constant 0 : i32
      %get3A_140 = arith.index_cast %get3A_139 : i32 to index
      %get3A_141 = arith.index_cast %mul3A_138 : i32 to index
      %get3A_142 = tpu.vector_load %arg9[%get3A_140, %get3A_141] {strides = array<i32>} : memref<4x3136xf32, #tpu.memory_space<vmem>>, vector<16xf32>,
      %get3A_143 = arith.constant 1 : i32
      %get3A_144 = arith.index_cast %get3A_143 : i32 to index
      %get3A_145 = arith.index_cast %mul3A_138 : i32 to index
      %get3A_146 = tpu.vector_load %arg9[%get3A_144, %get3A_145] {strides = array<i32>} : memref<4x3136xf32, #tpu.memory_space<vmem>>, vector<16xf32>,
      %add3A_147 = arith.addf %get3A_142, %get3A_146 : vector<16xf32>
      %get3A_148 = arith.constant 2 : i32
      %get3A_149 = arith.index_cast %get3A_148 : i32 to index
      %get3A_150 = arith.index_cast %mul3A_138 : i32 to index
      %get3A_151 = tpu.vector_load %arg9[%get3A_149, %get3A_150] {strides = array<i32>} : memref<4x3136xf32, #tpu.memory_space<vmem>>, vector<16xf32>,
      %get3A_152 = arith.constant 3 : i32
      %get3A_153 = arith.index_cast %get3A_152 : i32 to index
      %get3A_154 = arith.index_cast %mul3A_138 : i32 to index
      %get3A_155 = tpu.vector_load %arg9[%get3A_153, %get3A_154] {strides = array<i32>} : memref<4x3136xf32, #tpu.memory_space<vmem>>, vector<16xf32>,
      %add3A_156 = arith.addf %get3A_151, %get3A_155 : vector<16xf32>
      %add3A_157 = arith.addf %add3A_147, %add3A_156 : vector<16xf32>
      %get3A_158 = arith.index_cast %mul3A_138 : i32 to index
      %get3A_159 = tpu.vector_load %arg10[%get3A_158] {strides = array<i32>} : memref<3136xf32, #tpu.memory_space<vmem>>, vector<16xf32>,
      %add3A_160 = arith.addf %add3A_157, %get3A_159 : vector<16xf32>
      %swap3A_161 = arith.index_cast %mul3A_138 : i32 to index
      %swap3A_162 = tpu.vector_load %arg10[%swap3A_161] {strides = array<i32>} : memref<3136xf32, #tpu.memory_space<vmem>>, vector<16xf32>,
      tpu.vector_store %arg10[%swap3A_161], %add3A_160 {strides = array<i32>} : memref<3136xf32, #tpu.memory_space<vmem>>, vector<16xf32>,
      %mul3A_163 = arith.constant 4 : i32
      %mul3A_164 = arith.muli %scan3A_103, %mul3A_163 : i32
      %add3A_165 = arith.constant 2 : i32
      %add3A_166 = arith.addi %mul3A_164, %add3A_165 : i32
      %mul3A_167 = arith.constant 16 : i32
      %mul3A_168 = arith.muli %add3A_166, %mul3A_167 : i32
      %get3A_169 = arith.constant 0 : i32
      %get3A_170 = arith.index_cast %get3A_169 : i32 to index
      %get3A_171 = arith.index_cast %mul3A_168 : i32 to index
      %get3A_172 = tpu.vector_load %arg9[%get3A_170, %get3A_171] {strides = array<i32>} : memref<4x3136xf32, #tpu.memory_space<vmem>>, vector<16xf32>,
      %get3A_173 = arith.constant 1 : i32
      %get3A_174 = arith.index_cast %get3A_173 : i32 to index
      %get3A_175 = arith.index_cast %mul3A_168 : i32 to index
      %get3A_176 = tpu.vector_load %arg9[%get3A_174, %get3A_175] {strides = array<i32>} : memref<4x3136xf32, #tpu.memory_space<vmem>>, vector<16xf32>,
      %add3A_177 = arith.addf %get3A_172, %get3A_176 : vector<16xf32>
      %get3A_178 = arith.constant 2 : i32
      %get3A_179 = arith.index_cast %get3A_178 : i32 to index
      %get3A_180 = arith.index_cast %mul3A_168 : i32 to index
      %get3A_181 = tpu.vector_load %arg9[%get3A_179, %get3A_180] {strides = array<i32>} : memref<4x3136xf32, #tpu.memory_space<vmem>>, vector<16xf32>,
      %get3A_182 = arith.constant 3 : i32
      %get3A_183 = arith.index_cast %get3A_182 : i32 to index
      %get3A_184 = arith.index_cast %mul3A_168 : i32 to index
      %get3A_185 = tpu.vector_load %arg9[%get3A_183, %get3A_184] {strides = array<i32>} : memref<4x3136xf32, #tpu.memory_space<vmem>>, vector<16xf32>,
      %add3A_186 = arith.addf %get3A_181, %get3A_185 : vector<16xf32>
      %add3A_187 = arith.addf %add3A_177, %add3A_186 : vector<16xf32>
      %get3A_188 = arith.index_cast %mul3A_168 : i32 to index
      %get3A_189 = tpu.vector_load %arg10[%get3A_188] {strides = array<i32>} : memref<3136xf32, #tpu.memory_space<vmem>>, vector<16xf32>,
      %add3A_190 = arith.addf %add3A_187, %get3A_189 : vector<16xf32>
      %swap3A_191 = arith.index_cast %mul3A_168 : i32 to index
      %swap3A_192 = tpu.vector_load %arg10[%swap3A_191] {strides = array<i32>} : memref<3136xf32, #tpu.memory_space<vmem>>, vector<16xf32>,
      tpu.vector_store %arg10[%swap3A_191], %add3A_190 {strides = array<i32>} : memref<3136xf32, #tpu.memory_space<vmem>>, vector<16xf32>,
      %mul3A_193 = arith.constant 4 : i32
      %mul3A_194 = arith.muli %scan3A_103, %mul3A_193 : i32
      %add3A_195 = arith.constant 3 : i32
      %add3A_196 = arith.addi %mul3A_194, %add3A_195 : i32
      %mul3A_197 = arith.constant 16 : i32
      %mul3A_198 = arith.muli %add3A_196, %mul3A_197 : i32
      %get3A_199 = arith.constant 0 : i32
      %get3A_200 = arith.index_cast %get3A_199 : i32 to index
      %get3A_201 = arith.index_cast %mul3A_198 : i32 to index
      %get3A_202 = tpu.vector_load %arg9[%get3A_200, %get3A_201] {strides = array<i32>} : memref<4x3136xf32, #tpu.memory_space<vmem>>, vector<16xf32>,
      %get3A_203 = arith.constant 1 : i32
      %get3A_204 = arith.index_cast %get3A_203 : i32 to index
      %get3A_205 = arith.index_cast %mul3A_198 : i32 to index
      %get3A_206 = tpu.vector_load %arg9[%get3A_204, %get3A_205] {strides = array<i32>} : memref<4x3136xf32, #tpu.memory_space<vmem>>, vector<16xf32>,
      %add3A_207 = arith.addf %get3A_202, %get3A_206 : vector<16xf32>
      %get3A_208 = arith.constant 2 : i32
      %get3A_209 = arith.index_cast %get3A_208 : i32 to index
      %get3A_210 = arith.index_cast %mul3A_198 : i32 to index
      %get3A_211 = tpu.vector_load %arg9[%get3A_209, %get3A_210] {strides = array<i32>} : memref<4x3136xf32, #tpu.memory_space<vmem>>, vector<16xf32>,
      %get3A_212 = arith.constant 3 : i32
      %get3A_213 = arith.index_cast %get3A_212 : i32 to index
      %get3A_214 = arith.index_cast %mul3A_198 : i32 to index
      %get3A_215 = tpu.vector_load %arg9[%get3A_213, %get3A_214] {strides = array<i32>} : memref<4x3136xf32, #tpu.memory_space<vmem>>, vector<16xf32>,
      %add3A_216 = arith.addf %get3A_211, %get3A_215 : vector<16xf32>
      %add3A_217 = arith.addf %add3A_207, %add3A_216 : vector<16xf32>
      %get3A_218 = arith.index_cast %mul3A_198 : i32 to index
      %get3A_219 = tpu.vector_load %arg10[%get3A_218] {strides = array<i32>} : memref<3136xf32, #tpu.memory_space<vmem>>, vector<16xf32>,
      %add3A_220 = arith.addf %add3A_217, %get3A_219 : vector<16xf32>
      %swap3A_221 = arith.index_cast %mul3A_198 : i32 to index
      %swap3A_222 = tpu.vector_load %arg10[%swap3A_221] {strides = array<i32>} : memref<3136xf32, #tpu.memory_space<vmem>>, vector<16xf32>,
      tpu.vector_store %arg10[%swap3A_221], %add3A_220 {strides = array<i32>} : memref<3136xf32, #tpu.memory_space<vmem>>, vector<16xf32>,
      %scan3A_223 = arith.constant 0 : i32
      scf.yield %scan3A_223 : i32
    }
    %scan3A_80 = arith.constant 49 : i32
    "tpu.region"() ({
      %run_scoped3A = tpu.sem_alloc : memref<!tpu.dma_semaphore, #tpu.memory_space<semaphore_mem>>
      %dma_start3A_103 = arith.constant 12 : i32
      %dma_start3A_104 = tpu.memref_slice %arg4[%arg0, %dma_start3A_103, %mul3A_0] : memref<2x16x50176xf32, #tpu.memory_space<hbm>> -> memref<1x4x3136xf32, #tpu.memory_space<hbm>>
      %dma_start3A_105 = tpu.memref_squeeze %dma_start3A_104 : memref<1x4x3136xf32, #tpu.memory_space<hbm>> -> memref<4x3136xf32, #tpu.memory_space<hbm>>
      %dma_start3A_106 = arith.constant 12 : i32
      %dma_start3A_107 = tpu.memref_slice %arg4[%arg0, %dma_start3A_106, %mul3A_0] : memref<2x16x50176xf32, #tpu.memory_space<hbm>> -> memref<1x4x3136xf32, #tpu.memory_space<hbm>>
      %dma_start3A_108 = tpu.memref_squeeze %dma_start3A_107 : memref<1x4x3136xf32, #tpu.memory_space<hbm>> -> memref<4x3136xf32, #tpu.memory_space<hbm>>
      tpu.enqueue_dma source(%dma_start3A_108 : memref<4x3136xf32, #tpu.memory_space<hbm>>) target(%arg9 : memref<4x3136xf32, #tpu.memory_space<vmem>>) target_semaphore(%run_scoped3A : memref<!tpu.dma_semaphore, #tpu.memory_space<semaphore_mem>>)
      %dma_wait3A_109 = arith.constant 12 : i32
      %dma_wait3A_110 = tpu.memref_slice %arg4[%arg0, %dma_wait3A_109, %mul3A_0] : memref<2x16x50176xf32, #tpu.memory_space<hbm>> -> memref<1x4x3136xf32, #tpu.memory_space<hbm>>
      %dma_wait3A_111 = tpu.memref_squeeze %dma_wait3A_110 : memref<1x4x3136xf32, #tpu.memory_space<hbm>> -> memref<4x3136xf32, #tpu.memory_space<hbm>>
      %dma_wait3A_112 = arith.constant 12 : i32
      %dma_wait3A_113 = tpu.memref_slice %arg4[%arg0, %dma_wait3A_112, %mul3A_0] : memref<2x16x50176xf32, #tpu.memory_space<hbm>> -> memref<1x4x3136xf32, #tpu.memory_space<hbm>>
      %dma_wait3A_114 = tpu.memref_squeeze %dma_wait3A_113 : memref<1x4x3136xf32, #tpu.memory_space<hbm>> -> memref<4x3136xf32, #tpu.memory_space<hbm>>
      tpu.wait_dma2 semaphore(%run_scoped3A : memref<!tpu.dma_semaphore, #tpu.memory_space<semaphore_mem>>) src(%dma_wait3A_114 : memref<4x3136xf32, #tpu.memory_space<hbm>>) dst(%arg9 : memref<4x3136xf32, #tpu.memory_space<vmem>>)
      tpu.yield
    }) : () -> ()
    %scan3A_81 = arith.constant 0 : i32
    %scan3A_82 = arith.constant 0 : i32
    %scan3A_83 = arith.constant 49 : i32
    %scan3A_84 = arith.addi %scan3A_82, %scan3A_83 : i32
    %scan3A_85 = arith.constant 1 : i32
    %scan3A_86 = scf.for %scan3A_103 = %scan3A_82 to %scan3A_84 step %scan3A_85 iter_args(%scan3A_104 = %scan3A_81) -> (i32)  : i32 {
      %mul3A_105 = arith.constant 4 : i32
      %mul3A_106 = arith.muli %scan3A_103, %mul3A_105 : i32
      %add3A_107 = arith.constant 0 : i32
      %add3A_108 = arith.addi %mul3A_106, %add3A_107 : i32
      %mul3A_109 = arith.constant 16 : i32
      %mul3A_110 = arith.muli %add3A_108, %mul3A_109 : i32
      %get3A = arith.constant 0 : i32
      %get3A_111 = arith.index_cast %get3A : i32 to index
      %get3A_112 = arith.index_cast %mul3A_110 : i32 to index
      %get3A_113 = tpu.vector_load %arg9[%get3A_111, %get3A_112] {strides = array<i32>} : memref<4x3136xf32, #tpu.memory_space<vmem>>, vector<16xf32>,
      %get3A_114 = arith.constant 1 : i32
      %get3A_115 = arith.index_cast %get3A_114 : i32 to index
      %get3A_116 = arith.index_cast %mul3A_110 : i32 to index
      %get3A_117 = tpu.vector_load %arg9[%get3A_115, %get3A_116] {strides = array<i32>} : memref<4x3136xf32, #tpu.memory_space<vmem>>, vector<16xf32>,
      %add3A_118 = arith.addf %get3A_113, %get3A_117 : vector<16xf32>
      %get3A_119 = arith.constant 2 : i32
      %get3A_120 = arith.index_cast %get3A_119 : i32 to index
      %get3A_121 = arith.index_cast %mul3A_110 : i32 to index
      %get3A_122 = tpu.vector_load %arg9[%get3A_120, %get3A_121] {strides = array<i32>} : memref<4x3136xf32, #tpu.memory_space<vmem>>, vector<16xf32>,
      %get3A_123 = arith.constant 3 : i32
      %get3A_124 = arith.index_cast %get3A_123 : i32 to index
      %get3A_125 = arith.index_cast %mul3A_110 : i32 to index
      %get3A_126 = tpu.vector_load %arg9[%get3A_124, %get3A_125] {strides = array<i32>} : memref<4x3136xf32, #tpu.memory_space<vmem>>, vector<16xf32>,
      %add3A_127 = arith.addf %get3A_122, %get3A_126 : vector<16xf32>
      %add3A_128 = arith.addf %add3A_118, %add3A_127 : vector<16xf32>
      %get3A_129 = arith.index_cast %mul3A_110 : i32 to index
      %get3A_130 = tpu.vector_load %arg10[%get3A_129] {strides = array<i32>} : memref<3136xf32, #tpu.memory_space<vmem>>, vector<16xf32>,
      %add3A_131 = arith.addf %add3A_128, %get3A_130 : vector<16xf32>
      %swap3A = arith.index_cast %mul3A_110 : i32 to index
      %swap3A_132 = tpu.vector_load %arg10[%swap3A] {strides = array<i32>} : memref<3136xf32, #tpu.memory_space<vmem>>, vector<16xf32>,
      tpu.vector_store %arg10[%swap3A], %add3A_131 {strides = array<i32>} : memref<3136xf32, #tpu.memory_space<vmem>>, vector<16xf32>,
      %mul3A_133 = arith.constant 4 : i32
      %mul3A_134 = arith.muli %scan3A_103, %mul3A_133 : i32
      %add3A_135 = arith.constant 1 : i32
      %add3A_136 = arith.addi %mul3A_134, %add3A_135 : i32
      %mul3A_137 = arith.constant 16 : i32
      %mul3A_138 = arith.muli %add3A_136, %mul3A_137 : i32
      %get3A_139 = arith.constant 0 : i32
      %get3A_140 = arith.index_cast %get3A_139 : i32 to index
      %get3A_141 = arith.index_cast %mul3A_138 : i32 to index
      %get3A_142 = tpu.vector_load %arg9[%get3A_140, %get3A_141] {strides = array<i32>} : memref<4x3136xf32, #tpu.memory_space<vmem>>, vector<16xf32>,
      %get3A_143 = arith.constant 1 : i32
      %get3A_144 = arith.index_cast %get3A_143 : i32 to index
      %get3A_145 = arith.index_cast %mul3A_138 : i32 to index
      %get3A_146 = tpu.vector_load %arg9[%get3A_144, %get3A_145] {strides = array<i32>} : memref<4x3136xf32, #tpu.memory_space<vmem>>, vector<16xf32>,
      %add3A_147 = arith.addf %get3A_142, %get3A_146 : vector<16xf32>
      %get3A_148 = arith.constant 2 : i32
      %get3A_149 = arith.index_cast %get3A_148 : i32 to index
      %get3A_150 = arith.index_cast %mul3A_138 : i32 to index
      %get3A_151 = tpu.vector_load %arg9[%get3A_149, %get3A_150] {strides = array<i32>} : memref<4x3136xf32, #tpu.memory_space<vmem>>, vector<16xf32>,
      %get3A_152 = arith.constant 3 : i32
      %get3A_153 = arith.index_cast %get3A_152 : i32 to index
      %get3A_154 = arith.index_cast %mul3A_138 : i32 to index
      %get3A_155 = tpu.vector_load %arg9[%get3A_153, %get3A_154] {strides = array<i32>} : memref<4x3136xf32, #tpu.memory_space<vmem>>, vector<16xf32>,
      %add3A_156 = arith.addf %get3A_151, %get3A_155 : vector<16xf32>
      %add3A_157 = arith.addf %add3A_147, %add3A_156 : vector<16xf32>
      %get3A_158 = arith.index_cast %mul3A_138 : i32 to index
      %get3A_159 = tpu.vector_load %arg10[%get3A_158] {strides = array<i32>} : memref<3136xf32, #tpu.memory_space<vmem>>, vector<16xf32>,
      %add3A_160 = arith.addf %add3A_157, %get3A_159 : vector<16xf32>
      %swap3A_161 = arith.index_cast %mul3A_138 : i32 to index
      %swap3A_162 = tpu.vector_load %arg10[%swap3A_161] {strides = array<i32>} : memref<3136xf32, #tpu.memory_space<vmem>>, vector<16xf32>,
      tpu.vector_store %arg10[%swap3A_161], %add3A_160 {strides = array<i32>} : memref<3136xf32, #tpu.memory_space<vmem>>, vector<16xf32>,
      %mul3A_163 = arith.constant 4 : i32
      %mul3A_164 = arith.muli %scan3A_103, %mul3A_163 : i32
      %add3A_165 = arith.constant 2 : i32
      %add3A_166 = arith.addi %mul3A_164, %add3A_165 : i32
      %mul3A_167 = arith.constant 16 : i32
      %mul3A_168 = arith.muli %add3A_166, %mul3A_167 : i32
      %get3A_169 = arith.constant 0 : i32
      %get3A_170 = arith.index_cast %get3A_169 : i32 to index
      %get3A_171 = arith.index_cast %mul3A_168 : i32 to index
      %get3A_172 = tpu.vector_load %arg9[%get3A_170, %get3A_171] {strides = array<i32>} : memref<4x3136xf32, #tpu.memory_space<vmem>>, vector<16xf32>,
      %get3A_173 = arith.constant 1 : i32
      %get3A_174 = arith.index_cast %get3A_173 : i32 to index
      %get3A_175 = arith.index_cast %mul3A_168 : i32 to index
      %get3A_176 = tpu.vector_load %arg9[%get3A_174, %get3A_175] {strides = array<i32>} : memref<4x3136xf32, #tpu.memory_space<vmem>>, vector<16xf32>,
      %add3A_177 = arith.addf %get3A_172, %get3A_176 : vector<16xf32>
      %get3A_178 = arith.constant 2 : i32
      %get3A_179 = arith.index_cast %get3A_178 : i32 to index
      %get3A_180 = arith.index_cast %mul3A_168 : i32 to index
      %get3A_181 = tpu.vector_load %arg9[%get3A_179, %get3A_180] {strides = array<i32>} : memref<4x3136xf32, #tpu.memory_space<vmem>>, vector<16xf32>,
      %get3A_182 = arith.constant 3 : i32
      %get3A_183 = arith.index_cast %get3A_182 : i32 to index
      %get3A_184 = arith.index_cast %mul3A_168 : i32 to index
      %get3A_185 = tpu.vector_load %arg9[%get3A_183, %get3A_184] {strides = array<i32>} : memref<4x3136xf32, #tpu.memory_space<vmem>>, vector<16xf32>,
      %add3A_186 = arith.addf %get3A_181, %get3A_185 : vector<16xf32>
      %add3A_187 = arith.addf %add3A_177, %add3A_186 : vector<16xf32>
      %get3A_188 = arith.index_cast %mul3A_168 : i32 to index
      %get3A_189 = tpu.vector_load %arg10[%get3A_188] {strides = array<i32>} : memref<3136xf32, #tpu.memory_space<vmem>>, vector<16xf32>,
      %add3A_190 = arith.addf %add3A_187, %get3A_189 : vector<16xf32>
      %swap3A_191 = arith.index_cast %mul3A_168 : i32 to index
      %swap3A_192 = tpu.vector_load %arg10[%swap3A_191] {strides = array<i32>} : memref<3136xf32, #tpu.memory_space<vmem>>, vector<16xf32>,
      tpu.vector_store %arg10[%swap3A_191], %add3A_190 {strides = array<i32>} : memref<3136xf32, #tpu.memory_space<vmem>>, vector<16xf32>,
      %mul3A_193 = arith.constant 4 : i32
      %mul3A_194 = arith.muli %scan3A_103, %mul3A_193 : i32
      %add3A_195 = arith.constant 3 : i32
      %add3A_196 = arith.addi %mul3A_194, %add3A_195 : i32
      %mul3A_197 = arith.constant 16 : i32
      %mul3A_198 = arith.muli %add3A_196, %mul3A_197 : i32
      %get3A_199 = arith.constant 0 : i32
      %get3A_200 = arith.index_cast %get3A_199 : i32 to index
      %get3A_201 = arith.index_cast %mul3A_198 : i32 to index
      %get3A_202 = tpu.vector_load %arg9[%get3A_200, %get3A_201] {strides = array<i32>} : memref<4x3136xf32, #tpu.memory_space<vmem>>, vector<16xf32>,
      %get3A_203 = arith.constant 1 : i32
      %get3A_204 = arith.index_cast %get3A_203 : i32 to index
      %get3A_205 = arith.index_cast %mul3A_198 : i32 to index
      %get3A_206 = tpu.vector_load %arg9[%get3A_204, %get3A_205] {strides = array<i32>} : memref<4x3136xf32, #tpu.memory_space<vmem>>, vector<16xf32>,
      %add3A_207 = arith.addf %get3A_202, %get3A_206 : vector<16xf32>
      %get3A_208 = arith.constant 2 : i32
      %get3A_209 = arith.index_cast %get3A_208 : i32 to index
      %get3A_210 = arith.index_cast %mul3A_198 : i32 to index
      %get3A_211 = tpu.vector_load %arg9[%get3A_209, %get3A_210] {strides = array<i32>} : memref<4x3136xf32, #tpu.memory_space<vmem>>, vector<16xf32>,
      %get3A_212 = arith.constant 3 : i32
      %get3A_213 = arith.index_cast %get3A_212 : i32 to index
      %get3A_214 = arith.index_cast %mul3A_198 : i32 to index
      %get3A_215 = tpu.vector_load %arg9[%get3A_213, %get3A_214] {strides = array<i32>} : memref<4x3136xf32, #tpu.memory_space<vmem>>, vector<16xf32>,
      %add3A_216 = arith.addf %get3A_211, %get3A_215 : vector<16xf32>
      %add3A_217 = arith.addf %add3A_207, %add3A_216 : vector<16xf32>
      %get3A_218 = arith.index_cast %mul3A_198 : i32 to index
      %get3A_219 = tpu.vector_load %arg10[%get3A_218] {strides = array<i32>} : memref<3136xf32, #tpu.memory_space<vmem>>, vector<16xf32>,
      %add3A_220 = arith.addf %add3A_217, %get3A_219 : vector<16xf32>
      %swap3A_221 = arith.index_cast %mul3A_198 : i32 to index
      %swap3A_222 = tpu.vector_load %arg10[%swap3A_221] {strides = array<i32>} : memref<3136xf32, #tpu.memory_space<vmem>>, vector<16xf32>,
      tpu.vector_store %arg10[%swap3A_221], %add3A_220 {strides = array<i32>} : memref<3136xf32, #tpu.memory_space<vmem>>, vector<16xf32>,
      %scan3A_223 = arith.constant 0 : i32
      scf.yield %scan3A_223 : i32
    }
    %scan3A_87 = arith.constant 49 : i32
    %scan3A_88 = arith.constant 0 : i32
    %scan3A_89 = arith.constant 0 : i32
    %scan3A_90 = arith.constant 49 : i32
    %scan3A_91 = arith.addi %scan3A_89, %scan3A_90 : i32
    %scan3A_92 = arith.constant 1 : i32
    %scan3A_93 = scf.for %scan3A_103 = %scan3A_89 to %scan3A_91 step %scan3A_92 iter_args(%scan3A_104 = %scan3A_88) -> (i32)  : i32 {
      %mul3A_105 = arith.constant 4 : i32
      %mul3A_106 = arith.muli %scan3A_103, %mul3A_105 : i32
      %add3A_107 = arith.constant 0 : i32
      %add3A_108 = arith.addi %mul3A_106, %add3A_107 : i32
      %mul3A_109 = arith.constant 16 : i32
      %mul3A_110 = arith.muli %add3A_108, %mul3A_109 : i32
      %get3A = arith.index_cast %mul3A_110 : i32 to index
      %get3A_111 = tpu.vector_load %arg10[%get3A] {strides = array<i32>} : memref<3136xf32, #tpu.memory_space<vmem>>, vector<16xf32>,
      %add3A_112 = arith.constant 1.000000e+00 : f32
      %add3A_113 = vector.broadcast %add3A_112 : f32 to vector<16xf32>
      %add3A_114 = arith.addf %get3A_111, %add3A_113 : vector<16xf32>
      %add3A_115 = arith.addi %mul3A_0, %mul3A_110 : i32
      %add3A_116 = vector.broadcast %add3A_115 : i32 to vector<16xi32>
      %add3A_117 = arith.addi %add3A_116, %iota3A : vector<16xi32>
      %lt3A = arith.constant 50000 : i32
      %lt3A_118 = vector.broadcast %lt3A : i32 to vector<16xi32>
      %lt3A_119 = arith.cmpi slt, %add3A_117, %lt3A_118 : vector<16xi32>
      %max3A = arith.constant 9.99999993E-9 : f32
      %max3A_120 = vector.broadcast %max3A : f32 to vector<16xf32>
      %max3A_121 = arith.maximumf %add3A_114, %max3A_120 : vector<16xf32>
      %div3A = arith.constant 1.000000e+00 : f32
      %div3A_122 = vector.broadcast %div3A : f32 to vector<16xf32>
      %div3A_123 = arith.divf %div3A_122, %max3A_121 : vector<16xf32>
      %jit3A = arith.constant 0.000000e+00 : f32
      %broadcast_in_dim3A_124 = vector.broadcast %jit3A : f32 to vector<16xf32>
      %select_n3A = arith.select %lt3A_119, %div3A_123, %broadcast_in_dim3A_124 : vector<16xi1>, vector<16xf32>
      %swap3A = arith.index_cast %mul3A_110 : i32 to index
      %swap3A_125 = tpu.vector_load %arg12[%swap3A] {strides = array<i32>} : memref<3136xf32, #tpu.memory_space<vmem>>, vector<16xf32>,
      tpu.vector_store %arg12[%swap3A], %select_n3A {strides = array<i32>} : memref<3136xf32, #tpu.memory_space<vmem>>, vector<16xf32>,
      %mul3A_126 = arith.constant 4 : i32
      %mul3A_127 = arith.muli %scan3A_103, %mul3A_126 : i32
      %add3A_128 = arith.constant 1 : i32
      %add3A_129 = arith.addi %mul3A_127, %add3A_128 : i32
      %mul3A_130 = arith.constant 16 : i32
      %mul3A_131 = arith.muli %add3A_129, %mul3A_130 : i32
      %get3A_132 = arith.index_cast %mul3A_131 : i32 to index
      %get3A_133 = tpu.vector_load %arg10[%get3A_132] {strides = array<i32>} : memref<3136xf32, #tpu.memory_space<vmem>>, vector<16xf32>,
      %add3A_134 = arith.constant 1.000000e+00 : f32
      %add3A_135 = vector.broadcast %add3A_134 : f32 to vector<16xf32>
      %add3A_136 = arith.addf %get3A_133, %add3A_135 : vector<16xf32>
      %add3A_137 = arith.addi %mul3A_0, %mul3A_131 : i32
      %add3A_138 = vector.broadcast %add3A_137 : i32 to vector<16xi32>
      %add3A_139 = arith.addi %add3A_138, %iota3A : vector<16xi32>
      %lt3A_140 = arith.constant 50000 : i32
      %lt3A_141 = vector.broadcast %lt3A_140 : i32 to vector<16xi32>
      %lt3A_142 = arith.cmpi slt, %add3A_139, %lt3A_141 : vector<16xi32>
      %max3A_143 = arith.constant 9.99999993E-9 : f32
      %max3A_144 = vector.broadcast %max3A_143 : f32 to vector<16xf32>
      %max3A_145 = arith.maximumf %add3A_136, %max3A_144 : vector<16xf32>
      %div3A_146 = arith.constant 1.000000e+00 : f32
      %div3A_147 = vector.broadcast %div3A_146 : f32 to vector<16xf32>
      %div3A_148 = arith.divf %div3A_147, %max3A_145 : vector<16xf32>
      %jit3A_149 = arith.constant 0.000000e+00 : f32
      %broadcast_in_dim3A_150 = vector.broadcast %jit3A_149 : f32 to vector<16xf32>
      %select_n3A_151 = arith.select %lt3A_142, %div3A_148, %broadcast_in_dim3A_150 : vector<16xi1>, vector<16xf32>
      %swap3A_152 = arith.index_cast %mul3A_131 : i32 to index
      %swap3A_153 = tpu.vector_load %arg12[%swap3A_152] {strides = array<i32>} : memref<3136xf32, #tpu.memory_space<vmem>>, vector<16xf32>,
      tpu.vector_store %arg12[%swap3A_152], %select_n3A_151 {strides = array<i32>} : memref<3136xf32, #tpu.memory_space<vmem>>, vector<16xf32>,
      %mul3A_154 = arith.constant 4 : i32
      %mul3A_155 = arith.muli %scan3A_103, %mul3A_154 : i32
      %add3A_156 = arith.constant 2 : i32
      %add3A_157 = arith.addi %mul3A_155, %add3A_156 : i32
      %mul3A_158 = arith.constant 16 : i32
      %mul3A_159 = arith.muli %add3A_157, %mul3A_158 : i32
      %get3A_160 = arith.index_cast %mul3A_159 : i32 to index
      %get3A_161 = tpu.vector_load %arg10[%get3A_160] {strides = array<i32>} : memref<3136xf32, #tpu.memory_space<vmem>>, vector<16xf32>,
      %add3A_162 = arith.constant 1.000000e+00 : f32
      %add3A_163 = vector.broadcast %add3A_162 : f32 to vector<16xf32>
      %add3A_164 = arith.addf %get3A_161, %add3A_163 : vector<16xf32>
      %add3A_165 = arith.addi %mul3A_0, %mul3A_159 : i32
      %add3A_166 = vector.broadcast %add3A_165 : i32 to vector<16xi32>
      %add3A_167 = arith.addi %add3A_166, %iota3A : vector<16xi32>
      %lt3A_168 = arith.constant 50000 : i32
      %lt3A_169 = vector.broadcast %lt3A_168 : i32 to vector<16xi32>
      %lt3A_170 = arith.cmpi slt, %add3A_167, %lt3A_169 : vector<16xi32>
      %max3A_171 = arith.constant 9.99999993E-9 : f32
      %max3A_172 = vector.broadcast %max3A_171 : f32 to vector<16xf32>
      %max3A_173 = arith.maximumf %add3A_164, %max3A_172 : vector<16xf32>
      %div3A_174 = arith.constant 1.000000e+00 : f32
      %div3A_175 = vector.broadcast %div3A_174 : f32 to vector<16xf32>
      %div3A_176 = arith.divf %div3A_175, %max3A_173 : vector<16xf32>
      %jit3A_177 = arith.constant 0.000000e+00 : f32
      %broadcast_in_dim3A_178 = vector.broadcast %jit3A_177 : f32 to vector<16xf32>
      %select_n3A_179 = arith.select %lt3A_170, %div3A_176, %broadcast_in_dim3A_178 : vector<16xi1>, vector<16xf32>
      %swap3A_180 = arith.index_cast %mul3A_159 : i32 to index
      %swap3A_181 = tpu.vector_load %arg12[%swap3A_180] {strides = array<i32>} : memref<3136xf32, #tpu.memory_space<vmem>>, vector<16xf32>,
      tpu.vector_store %arg12[%swap3A_180], %select_n3A_179 {strides = array<i32>} : memref<3136xf32, #tpu.memory_space<vmem>>, vector<16xf32>,
      %mul3A_182 = arith.constant 4 : i32
      %mul3A_183 = arith.muli %scan3A_103, %mul3A_182 : i32
      %add3A_184 = arith.constant 3 : i32
      %add3A_185 = arith.addi %mul3A_183, %add3A_184 : i32
      %mul3A_186 = arith.constant 16 : i32
      %mul3A_187 = arith.muli %add3A_185, %mul3A_186 : i32
      %get3A_188 = arith.index_cast %mul3A_187 : i32 to index
      %get3A_189 = tpu.vector_load %arg10[%get3A_188] {strides = array<i32>} : memref<3136xf32, #tpu.memory_space<vmem>>, vector<16xf32>,
      %add3A_190 = arith.constant 1.000000e+00 : f32
      %add3A_191 = vector.broadcast %add3A_190 : f32 to vector<16xf32>
      %add3A_192 = arith.addf %get3A_189, %add3A_191 : vector<16xf32>
      %add3A_193 = arith.addi %mul3A_0, %mul3A_187 : i32
      %add3A_194 = vector.broadcast %add3A_193 : i32 to vector<16xi32>
      %add3A_195 = arith.addi %add3A_194, %iota3A : vector<16xi32>
      %lt3A_196 = arith.constant 50000 : i32
      %lt3A_197 = vector.broadcast %lt3A_196 : i32 to vector<16xi32>
      %lt3A_198 = arith.cmpi slt, %add3A_195, %lt3A_197 : vector<16xi32>
      %max3A_199 = arith.constant 9.99999993E-9 : f32
      %max3A_200 = vector.broadcast %max3A_199 : f32 to vector<16xf32>
      %max3A_201 = arith.maximumf %add3A_192, %max3A_200 : vector<16xf32>
      %div3A_202 = arith.constant 1.000000e+00 : f32
      %div3A_203 = vector.broadcast %div3A_202 : f32 to vector<16xf32>
      %div3A_204 = arith.divf %div3A_203, %max3A_201 : vector<16xf32>
      %jit3A_205 = arith.constant 0.000000e+00 : f32
      %broadcast_in_dim3A_206 = vector.broadcast %jit3A_205 : f32 to vector<16xf32>
      %select_n3A_207 = arith.select %lt3A_198, %div3A_204, %broadcast_in_dim3A_206 : vector<16xi1>, vector<16xf32>
      %swap3A_208 = arith.index_cast %mul3A_187 : i32 to index
      %swap3A_209 = tpu.vector_load %arg12[%swap3A_208] {strides = array<i32>} : memref<3136xf32, #tpu.memory_space<vmem>>, vector<16xf32>,
      tpu.vector_store %arg12[%swap3A_208], %select_n3A_207 {strides = array<i32>} : memref<3136xf32, #tpu.memory_space<vmem>>, vector<16xf32>,
      %scan3A_210 = arith.constant 0 : i32
      scf.yield %scan3A_210 : i32
    }
    %scan3A_94 = arith.constant 49 : i32
    "tpu.region"() ({
      %run_scoped3A = tpu.sem_alloc : memref<!tpu.dma_semaphore, #tpu.memory_space<semaphore_mem>>
      %dma_start3A_103 = tpu.memref_slice %arg5[%arg0, %mul3A_0] : memref<2x50176xf32, #tpu.memory_space<hbm>> -> memref<1x3136xf32, #tpu.memory_space<hbm>>
      %dma_start3A_104 = tpu.memref_squeeze %dma_start3A_103 : memref<1x3136xf32, #tpu.memory_space<hbm>> -> memref<3136xf32, #tpu.memory_space<hbm>>
      %dma_start3A_105 = tpu.memref_slice %arg5[%arg0, %mul3A_0] : memref<2x50176xf32, #tpu.memory_space<hbm>> -> memref<1x3136xf32, #tpu.memory_space<hbm>>
      %dma_start3A_106 = tpu.memref_squeeze %dma_start3A_105 : memref<1x3136xf32, #tpu.memory_space<hbm>> -> memref<3136xf32, #tpu.memory_space<hbm>>
      tpu.enqueue_dma source(%arg12 : memref<3136xf32, #tpu.memory_space<vmem>>) target(%dma_start3A_106 : memref<3136xf32, #tpu.memory_space<hbm>>) target_semaphore(%run_scoped3A : memref<!tpu.dma_semaphore, #tpu.memory_space<semaphore_mem>>)
      %dma_wait3A_107 = tpu.memref_slice %arg5[%arg0, %mul3A_0] : memref<2x50176xf32, #tpu.memory_space<hbm>> -> memref<1x3136xf32, #tpu.memory_space<hbm>>
      %dma_wait3A_108 = tpu.memref_squeeze %dma_wait3A_107 : memref<1x3136xf32, #tpu.memory_space<hbm>> -> memref<3136xf32, #tpu.memory_space<hbm>>
      %dma_wait3A_109 = tpu.memref_slice %arg5[%arg0, %mul3A_0] : memref<2x50176xf32, #tpu.memory_space<hbm>> -> memref<1x3136xf32, #tpu.memory_space<hbm>>
      %dma_wait3A_110 = tpu.memref_squeeze %dma_wait3A_109 : memref<1x3136xf32, #tpu.memory_space<hbm>> -> memref<3136xf32, #tpu.memory_space<hbm>>
      tpu.wait_dma2 semaphore(%run_scoped3A : memref<!tpu.dma_semaphore, #tpu.memory_space<semaphore_mem>>) src(%arg12 : memref<3136xf32, #tpu.memory_space<vmem>>) dst(%dma_wait3A_110 : memref<3136xf32, #tpu.memory_space<hbm>>)
      tpu.yield
    }) : () -> ()
    %barrier3A_95 = arith.constant 0 : index
    tpu.barrier barrier_id(%barrier3A_95)
    "tpu.region"() ({
      %run_scoped3A = tpu.sem_alloc : memref<!tpu.dma_semaphore, #tpu.memory_space<semaphore_mem>>
      %dma_start3A_103 = arith.constant 0 : i32
      %dma_start3A_104 = tpu.memref_slice %arg5[%arg0, %dma_start3A_103] : memref<2x50176xf32, #tpu.memory_space<hbm>> -> memref<1x50176xf32, #tpu.memory_space<hbm>>
      %dma_start3A_105 = tpu.memref_squeeze %dma_start3A_104 : memref<1x50176xf32, #tpu.memory_space<hbm>> -> memref<50176xf32, #tpu.memory_space<hbm>>
      %dma_start3A_106 = arith.constant 0 : i32
      %dma_start3A_107 = tpu.memref_slice %arg5[%arg0, %dma_start3A_106] : memref<2x50176xf32, #tpu.memory_space<hbm>> -> memref<1x50176xf32, #tpu.memory_space<hbm>>
      %dma_start3A_108 = tpu.memref_squeeze %dma_start3A_107 : memref<1x50176xf32, #tpu.memory_space<hbm>> -> memref<50176xf32, #tpu.memory_space<hbm>>
      tpu.enqueue_dma source(%dma_start3A_108 : memref<50176xf32, #tpu.memory_space<hbm>>) target(%arg6 : memref<50176xf32, #tpu.memory_space<vmem>>) target_semaphore(%run_scoped3A : memref<!tpu.dma_semaphore, #tpu.memory_space<semaphore_mem>>)
      %dma_wait3A_109 = arith.constant 0 : i32
      %dma_wait3A_110 = tpu.memref_slice %arg5[%arg0, %dma_wait3A_109] : memref<2x50176xf32, #tpu.memory_space<hbm>> -> memref<1x50176xf32, #tpu.memory_space<hbm>>
      %dma_wait3A_111 = tpu.memref_squeeze %dma_wait3A_110 : memref<1x50176xf32, #tpu.memory_space<hbm>> -> memref<50176xf32, #tpu.memory_space<hbm>>
      %dma_wait3A_112 = arith.constant 0 : i32
      %dma_wait3A_113 = tpu.memref_slice %arg5[%arg0, %dma_wait3A_112] : memref<2x50176xf32, #tpu.memory_space<hbm>> -> memref<1x50176xf32, #tpu.memory_space<hbm>>
      %dma_wait3A_114 = tpu.memref_squeeze %dma_wait3A_113 : memref<1x50176xf32, #tpu.memory_space<hbm>> -> memref<50176xf32, #tpu.memory_space<hbm>>
      tpu.wait_dma2 semaphore(%run_scoped3A : memref<!tpu.dma_semaphore, #tpu.memory_space<semaphore_mem>>) src(%dma_wait3A_114 : memref<50176xf32, #tpu.memory_space<hbm>>) dst(%arg6 : memref<50176xf32, #tpu.memory_space<vmem>>)
      tpu.yield
    }) : () -> ()
    %scan3A_96 = arith.constant 0 : i32
    %scan3A_97 = arith.constant 0 : i32
    %scan3A_98 = arith.constant 16 : i32
    %scan3A_99 = arith.addi %scan3A_97, %scan3A_98 : i32
    %scan3A_100 = arith.constant 1 : i32
    %scan3A_101 = scf.for %scan3A_103 = %scan3A_97 to %scan3A_99 step %scan3A_100 iter_args(%scan3A_104 = %scan3A_96) -> (i32)  : i32 {
      %scan3A_105 = arith.constant 0 : i32
      %scan3A_106 = arith.constant 0 : i32
      %scan3A_107 = arith.constant 392 : i32
      %scan3A_108 = arith.addi %scan3A_106, %scan3A_107 : i32
      %scan3A_109 = arith.constant 1 : i32
      %scan3A_110 = scf.for %scan3A_203 = %scan3A_106 to %scan3A_108 step %scan3A_109 iter_args(%scan3A_204 = %scan3A_105) -> (i32)  : i32 {
        %mul3A_205 = arith.constant 8 : i32
        %mul3A_206 = arith.muli %scan3A_203, %mul3A_205 : i32
        %add3A_207 = arith.constant 0 : i32
        %add3A_208 = arith.addi %mul3A_206, %add3A_207 : i32
        %mul3A_209 = arith.constant 16 : i32
        %mul3A_210 = arith.muli %add3A_208, %mul3A_209 : i32
        %swap3A = arith.index_cast %mul3A_210 : i32 to index
        %swap3A_211 = tpu.vector_load %arg7[%swap3A] {strides = array<i32>} : memref<50176xf32, #tpu.memory_space<vmem>>, vector<16xf32>,
        tpu.vector_store %arg7[%swap3A], %broadcast_in_dim3A_3 {strides = array<i32>} : memref<50176xf32, #tpu.memory_space<vmem>>, vector<16xf32>,
        %mul3A_212 = arith.constant 8 : i32
        %mul3A_213 = arith.muli %scan3A_203, %mul3A_212 : i32
        %add3A_214 = arith.constant 1 : i32
        %add3A_215 = arith.addi %mul3A_213, %add3A_214 : i32
        %mul3A_216 = arith.constant 16 : i32
        %mul3A_217 = arith.muli %add3A_215, %mul3A_216 : i32
        %swap3A_218 = arith.index_cast %mul3A_217 : i32 to index
        %swap3A_219 = tpu.vector_load %arg7[%swap3A_218] {strides = array<i32>} : memref<50176xf32, #tpu.memory_space<vmem>>, vector<16xf32>,
        tpu.vector_store %arg7[%swap3A_218], %broadcast_in_dim3A_3 {strides = array<i32>} : memref<50176xf32, #tpu.memory_space<vmem>>, vector<16xf32>,
        %mul3A_220 = arith.constant 8 : i32
        %mul3A_221 = arith.muli %scan3A_203, %mul3A_220 : i32
        %add3A_222 = arith.constant 2 : i32
        %add3A_223 = arith.addi %mul3A_221, %add3A_222 : i32
        %mul3A_224 = arith.constant 16 : i32
        %mul3A_225 = arith.muli %add3A_223, %mul3A_224 : i32
        %swap3A_226 = arith.index_cast %mul3A_225 : i32 to index
        %swap3A_227 = tpu.vector_load %arg7[%swap3A_226] {strides = array<i32>} : memref<50176xf32, #tpu.memory_space<vmem>>, vector<16xf32>,
        tpu.vector_store %arg7[%swap3A_226], %broadcast_in_dim3A_3 {strides = array<i32>} : memref<50176xf32, #tpu.memory_space<vmem>>, vector<16xf32>,
        %mul3A_228 = arith.constant 8 : i32
        %mul3A_229 = arith.muli %scan3A_203, %mul3A_228 : i32
        %add3A_230 = arith.constant 3 : i32
        %add3A_231 = arith.addi %mul3A_229, %add3A_230 : i32
        %mul3A_232 = arith.constant 16 : i32
        %mul3A_233 = arith.muli %add3A_231, %mul3A_232 : i32
        %swap3A_234 = arith.index_cast %mul3A_233 : i32 to index
        %swap3A_235 = tpu.vector_load %arg7[%swap3A_234] {strides = array<i32>} : memref<50176xf32, #tpu.memory_space<vmem>>, vector<16xf32>,
        tpu.vector_store %arg7[%swap3A_234], %broadcast_in_dim3A_3 {strides = array<i32>} : memref<50176xf32, #tpu.memory_space<vmem>>, vector<16xf32>,
        %mul3A_236 = arith.constant 8 : i32
        %mul3A_237 = arith.muli %scan3A_203, %mul3A_236 : i32
        %add3A_238 = arith.constant 4 : i32
        %add3A_239 = arith.addi %mul3A_237, %add3A_238 : i32
        %mul3A_240 = arith.constant 16 : i32
        %mul3A_241 = arith.muli %add3A_239, %mul3A_240 : i32
        %swap3A_242 = arith.index_cast %mul3A_241 : i32 to index
        %swap3A_243 = tpu.vector_load %arg7[%swap3A_242] {strides = array<i32>} : memref<50176xf32, #tpu.memory_space<vmem>>, vector<16xf32>,
        tpu.vector_store %arg7[%swap3A_242], %broadcast_in_dim3A_3 {strides = array<i32>} : memref<50176xf32, #tpu.memory_space<vmem>>, vector<16xf32>,
        %mul3A_244 = arith.constant 8 : i32
        %mul3A_245 = arith.muli %scan3A_203, %mul3A_244 : i32
        %add3A_246 = arith.constant 5 : i32
        %add3A_247 = arith.addi %mul3A_245, %add3A_246 : i32
        %mul3A_248 = arith.constant 16 : i32
        %mul3A_249 = arith.muli %add3A_247, %mul3A_248 : i32
        %swap3A_250 = arith.index_cast %mul3A_249 : i32 to index
        %swap3A_251 = tpu.vector_load %arg7[%swap3A_250] {strides = array<i32>} : memref<50176xf32, #tpu.memory_space<vmem>>, vector<16xf32>,
        tpu.vector_store %arg7[%swap3A_250], %broadcast_in_dim3A_3 {strides = array<i32>} : memref<50176xf32, #tpu.memory_space<vmem>>, vector<16xf32>,
        %mul3A_252 = arith.constant 8 : i32
        %mul3A_253 = arith.muli %scan3A_203, %mul3A_252 : i32
        %add3A_254 = arith.constant 6 : i32
        %add3A_255 = arith.addi %mul3A_253, %add3A_254 : i32
        %mul3A_256 = arith.constant 16 : i32
        %mul3A_257 = arith.muli %add3A_255, %mul3A_256 : i32
        %swap3A_258 = arith.index_cast %mul3A_257 : i32 to index
        %swap3A_259 = tpu.vector_load %arg7[%swap3A_258] {strides = array<i32>} : memref<50176xf32, #tpu.memory_space<vmem>>, vector<16xf32>,
        tpu.vector_store %arg7[%swap3A_258], %broadcast_in_dim3A_3 {strides = array<i32>} : memref<50176xf32, #tpu.memory_space<vmem>>, vector<16xf32>,
        %mul3A_260 = arith.constant 8 : i32
        %mul3A_261 = arith.muli %scan3A_203, %mul3A_260 : i32
        %add3A_262 = arith.constant 7 : i32
        %add3A_263 = arith.addi %mul3A_261, %add3A_262 : i32
        %mul3A_264 = arith.constant 16 : i32
        %mul3A_265 = arith.muli %add3A_263, %mul3A_264 : i32
        %swap3A_266 = arith.index_cast %mul3A_265 : i32 to index
        %swap3A_267 = tpu.vector_load %arg7[%swap3A_266] {strides = array<i32>} : memref<50176xf32, #tpu.memory_space<vmem>>, vector<16xf32>,
        tpu.vector_store %arg7[%swap3A_266], %broadcast_in_dim3A_3 {strides = array<i32>} : memref<50176xf32, #tpu.memory_space<vmem>>, vector<16xf32>,
        %scan3A_268 = arith.constant 0 : i32
        scf.yield %scan3A_268 : i32
      }
      %scan3A_111 = arith.constant 392 : i32
      %add3A_112 = arith.constant 0 : i32
      %add3A_113 = arith.addi %mul3A_2, %add3A_112 : i32
      %dma_start3A_114 = arith.constant 0 : i32
      %dma_start3A_115 = arith.constant 0 : i32
      %dma_start3A_116 = tpu.memref_slice %arg8[%dma_start3A_114, %dma_start3A_115] : memref<2x2000xi32, #tpu.memory_space<vmem>> -> memref<1x2000xi32, #tpu.memory_space<vmem>>
      %dma_start3A_117 = tpu.memref_squeeze %dma_start3A_116 : memref<1x2000xi32, #tpu.memory_space<vmem>> -> memref<2000xi32, #tpu.memory_space<vmem>>
      %dma_start3A_118 = tpu.memref_slice %arg2[%add3A_113] : memref<1600000xi32, #tpu.memory_space<hbm>> -> memref<2000xi32, #tpu.memory_space<hbm>>
      %dma_start3A_119 = arith.constant 0 : i32
      %dma_start3A_120 = tpu.memref_slice %arg8[%dma_start3A_114, %dma_start3A_119] : memref<2x2000xi32, #tpu.memory_space<vmem>> -> memref<1x2000xi32, #tpu.memory_space<vmem>>
      %dma_start3A_121 = tpu.memref_squeeze %dma_start3A_120 : memref<1x2000xi32, #tpu.memory_space<vmem>> -> memref<2000xi32, #tpu.memory_space<vmem>>
      %dma_start3A_122 = tpu.memref_slice %arg2[%add3A_113] : memref<1600000xi32, #tpu.memory_space<hbm>> -> memref<2000xi32, #tpu.memory_space<hbm>>
      tpu.enqueue_dma source(%dma_start3A_122 : memref<2000xi32, #tpu.memory_space<hbm>>) target(%dma_start3A_121 : memref<2000xi32, #tpu.memory_space<vmem>>) target_semaphore(%arg13 : memref<!tpu.dma_semaphore, #tpu.memory_space<semaphore_mem>>)
      %add3A_123 = arith.constant 2000 : i32
      %add3A_124 = arith.addi %mul3A_2, %add3A_123 : i32
      %dma_start3A_125 = arith.constant 1 : i32
      %dma_start3A_126 = arith.constant 0 : i32
      %dma_start3A_127 = tpu.memref_slice %arg8[%dma_start3A_125, %dma_start3A_126] : memref<2x2000xi32, #tpu.memory_space<vmem>> -> memref<1x2000xi32, #tpu.memory_space<vmem>>
      %dma_start3A_128 = tpu.memref_squeeze %dma_start3A_127 : memref<1x2000xi32, #tpu.memory_space<vmem>> -> memref<2000xi32, #tpu.memory_space<vmem>>
      %dma_start3A_129 = tpu.memref_slice %arg2[%add3A_124] : memref<1600000xi32, #tpu.memory_space<hbm>> -> memref<2000xi32, #tpu.memory_space<hbm>>
      %dma_start3A_130 = arith.constant 0 : i32
      %dma_start3A_131 = tpu.memref_slice %arg8[%dma_start3A_125, %dma_start3A_130] : memref<2x2000xi32, #tpu.memory_space<vmem>> -> memref<1x2000xi32, #tpu.memory_space<vmem>>
      %dma_start3A_132 = tpu.memref_squeeze %dma_start3A_131 : memref<1x2000xi32, #tpu.memory_space<vmem>> -> memref<2000xi32, #tpu.memory_space<vmem>>
      %dma_start3A_133 = tpu.memref_slice %arg2[%add3A_124] : memref<1600000xi32, #tpu.memory_space<hbm>> -> memref<2000xi32, #tpu.memory_space<hbm>>
      tpu.enqueue_dma source(%dma_start3A_133 : memref<2000xi32, #tpu.memory_space<hbm>>) target(%dma_start3A_132 : memref<2000xi32, #tpu.memory_space<vmem>>) target_semaphore(%arg14 : memref<!tpu.dma_semaphore, #tpu.memory_space<semaphore_mem>>)
      %scan3A_134 = arith.constant 0 : i32
      %scan3A_135 = arith.constant 0 : i32
      %scan3A_136 = arith.constant 25 : i32
      %scan3A_137 = arith.addi %scan3A_135, %scan3A_136 : i32
      %scan3A_138 = arith.constant 1 : i32
      %scan3A_139 = scf.for %scan3A_203 = %scan3A_135 to %scan3A_137 step %scan3A_138 iter_args(%scan3A_204 = %scan3A_134) -> (i32)  : i32 {
        %mul3A_205 = arith.constant 2 : i32
        %mul3A_206 = arith.muli %mul3A_205, %scan3A_203 : i32
        %mul3A_207 = arith.constant 2000 : i32
        %mul3A_208 = arith.muli %mul3A_206, %mul3A_207 : i32
        %add3A_209 = arith.addi %mul3A_2, %mul3A_208 : i32
        %dma_wait3A_210 = arith.constant 0 : i32
        %dma_wait3A_211 = arith.constant 0 : i32
        %dma_wait3A_212 = tpu.memref_slice %arg8[%dma_wait3A_210, %dma_wait3A_211] : memref<2x2000xi32, #tpu.memory_space<vmem>> -> memref<1x2000xi32, #tpu.memory_space<vmem>>
        %dma_wait3A_213 = tpu.memref_squeeze %dma_wait3A_212 : memref<1x2000xi32, #tpu.memory_space<vmem>> -> memref<2000xi32, #tpu.memory_space<vmem>>
        %dma_wait3A_214 = tpu.memref_slice %arg2[%add3A_209] : memref<1600000xi32, #tpu.memory_space<hbm>> -> memref<2000xi32, #tpu.memory_space<hbm>>
        %dma_wait3A_215 = arith.constant 0 : i32
        %dma_wait3A_216 = tpu.memref_slice %arg8[%dma_wait3A_210, %dma_wait3A_215] : memref<2x2000xi32, #tpu.memory_space<vmem>> -> memref<1x2000xi32, #tpu.memory_space<vmem>>
        %dma_wait3A_217 = tpu.memref_squeeze %dma_wait3A_216 : memref<1x2000xi32, #tpu.memory_space<vmem>> -> memref<2000xi32, #tpu.memory_space<vmem>>
        %dma_wait3A_218 = tpu.memref_slice %arg2[%add3A_209] : memref<1600000xi32, #tpu.memory_space<hbm>> -> memref<2000xi32, #tpu.memory_space<hbm>>
        tpu.wait_dma2 semaphore(%arg13 : memref<!tpu.dma_semaphore, #tpu.memory_space<semaphore_mem>>) src(%dma_wait3A_218 : memref<2000xi32, #tpu.memory_space<hbm>>) dst(%dma_wait3A_217 : memref<2000xi32, #tpu.memory_space<vmem>>)
        %scan3A_219 = arith.constant 0 : i32
        %scan3A_220 = arith.constant 0 : i32
        %scan3A_221 = arith.constant 25 : i32
        %scan3A_222 = arith.addi %scan3A_220, %scan3A_221 : i32
        %scan3A_223 = arith.constant 1 : i32
        %scan3A_224 = scf.for %scan3A_279 = %scan3A_220 to %scan3A_222 step %scan3A_223 iter_args(%scan3A_280 = %scan3A_219) -> (i32)  : i32 {
          %mul3A_281 = arith.constant 5 : i32
          %mul3A_282 = arith.muli %scan3A_279, %mul3A_281 : i32
          %add3A_283 = arith.constant 0 : i32
          %add3A_284 = arith.addi %mul3A_282, %add3A_283 : i32
          %mul3A_285 = arith.constant 16 : i32
          %mul3A_286 = arith.muli %add3A_284, %mul3A_285 : i32
          %get3A = arith.constant 0 : i32
          %get3A_287 = arith.index_cast %get3A : i32 to index
          %get3A_288 = arith.index_cast %mul3A_286 : i32 to index
          %get3A_289 = tpu.vector_load %arg8[%get3A_287, %get3A_288] {strides = array<i32>} : memref<2x2000xi32, #tpu.memory_space<vmem>>, vector<16xi32>,
          %and3A = arith.constant 65535 : i32
          %and3A_290 = vector.broadcast %and3A : i32 to vector<16xi32>
          %and3A_291 = arith.andi %get3A_289, %and3A_290 : vector<16xi32>
          %shift_right_logical3A = arith.constant 16 : i32
          %shift_right_logical3A_292 = vector.broadcast %shift_right_logical3A : i32 to vector<16xi32>
          %shift_right_logical3A_293 = arith.shrui %get3A_289, %shift_right_logical3A_292 : vector<16xi32>
          %gather3A = tpu.vector_load_idx %arg6[%and3A_291] : memref<50176xf32, #tpu.memory_space<vmem>>[vector<16xi32>], vector<16xf32>,
          tpu.vector_store_idx %arg7[%shift_right_logical3A_293], %gather3A {add = true} : memref<50176xf32, #tpu.memory_space<vmem>>[vector<16xi32>], vector<16xf32>,
          %mul3A_294 = arith.constant 5 : i32
          %mul3A_295 = arith.muli %scan3A_279, %mul3A_294 : i32
          %add3A_296 = arith.constant 1 : i32
          %add3A_297 = arith.addi %mul3A_295, %add3A_296 : i32
          %mul3A_298 = arith.constant 16 : i32
          %mul3A_299 = arith.muli %add3A_297, %mul3A_298 : i32
          %get3A_300 = arith.constant 0 : i32
          %get3A_301 = arith.index_cast %get3A_300 : i32 to index
          %get3A_302 = arith.index_cast %mul3A_299 : i32 to index
          %get3A_303 = tpu.vector_load %arg8[%get3A_301, %get3A_302] {strides = array<i32>} : memref<2x2000xi32, #tpu.memory_space<vmem>>, vector<16xi32>,
          %and3A_304 = arith.constant 65535 : i32
          %and3A_305 = vector.broadcast %and3A_304 : i32 to vector<16xi32>
          %and3A_306 = arith.andi %get3A_303, %and3A_305 : vector<16xi32>
          %shift_right_logical3A_307 = arith.constant 16 : i32
          %shift_right_logical3A_308 = vector.broadcast %shift_right_logical3A_307 : i32 to vector<16xi32>
          %shift_right_logical3A_309 = arith.shrui %get3A_303, %shift_right_logical3A_308 : vector<16xi32>
          %gather3A_310 = tpu.vector_load_idx %arg6[%and3A_306] : memref<50176xf32, #tpu.memory_space<vmem>>[vector<16xi32>], vector<16xf32>,
          tpu.vector_store_idx %arg7[%shift_right_logical3A_309], %gather3A_310 {add = true} : memref<50176xf32, #tpu.memory_space<vmem>>[vector<16xi32>], vector<16xf32>,
          %mul3A_311 = arith.constant 5 : i32
          %mul3A_312 = arith.muli %scan3A_279, %mul3A_311 : i32
          %add3A_313 = arith.constant 2 : i32
          %add3A_314 = arith.addi %mul3A_312, %add3A_313 : i32
          %mul3A_315 = arith.constant 16 : i32
          %mul3A_316 = arith.muli %add3A_314, %mul3A_315 : i32
          %get3A_317 = arith.constant 0 : i32
          %get3A_318 = arith.index_cast %get3A_317 : i32 to index
          %get3A_319 = arith.index_cast %mul3A_316 : i32 to index
          %get3A_320 = tpu.vector_load %arg8[%get3A_318, %get3A_319] {strides = array<i32>} : memref<2x2000xi32, #tpu.memory_space<vmem>>, vector<16xi32>,
          %and3A_321 = arith.constant 65535 : i32
          %and3A_322 = vector.broadcast %and3A_321 : i32 to vector<16xi32>
          %and3A_323 = arith.andi %get3A_320, %and3A_322 : vector<16xi32>
          %shift_right_logical3A_324 = arith.constant 16 : i32
          %shift_right_logical3A_325 = vector.broadcast %shift_right_logical3A_324 : i32 to vector<16xi32>
          %shift_right_logical3A_326 = arith.shrui %get3A_320, %shift_right_logical3A_325 : vector<16xi32>
          %gather3A_327 = tpu.vector_load_idx %arg6[%and3A_323] : memref<50176xf32, #tpu.memory_space<vmem>>[vector<16xi32>], vector<16xf32>,
          tpu.vector_store_idx %arg7[%shift_right_logical3A_326], %gather3A_327 {add = true} : memref<50176xf32, #tpu.memory_space<vmem>>[vector<16xi32>], vector<16xf32>,
          %mul3A_328 = arith.constant 5 : i32
          %mul3A_329 = arith.muli %scan3A_279, %mul3A_328 : i32
          %add3A_330 = arith.constant 3 : i32
          %add3A_331 = arith.addi %mul3A_329, %add3A_330 : i32
          %mul3A_332 = arith.constant 16 : i32
          %mul3A_333 = arith.muli %add3A_331, %mul3A_332 : i32
          %get3A_334 = arith.constant 0 : i32
          %get3A_335 = arith.index_cast %get3A_334 : i32 to index
          %get3A_336 = arith.index_cast %mul3A_333 : i32 to index
          %get3A_337 = tpu.vector_load %arg8[%get3A_335, %get3A_336] {strides = array<i32>} : memref<2x2000xi32, #tpu.memory_space<vmem>>, vector<16xi32>,
          %and3A_338 = arith.constant 65535 : i32
          %and3A_339 = vector.broadcast %and3A_338 : i32 to vector<16xi32>
          %and3A_340 = arith.andi %get3A_337, %and3A_339 : vector<16xi32>
          %shift_right_logical3A_341 = arith.constant 16 : i32
          %shift_right_logical3A_342 = vector.broadcast %shift_right_logical3A_341 : i32 to vector<16xi32>
          %shift_right_logical3A_343 = arith.shrui %get3A_337, %shift_right_logical3A_342 : vector<16xi32>
          %gather3A_344 = tpu.vector_load_idx %arg6[%and3A_340] : memref<50176xf32, #tpu.memory_space<vmem>>[vector<16xi32>], vector<16xf32>,
          tpu.vector_store_idx %arg7[%shift_right_logical3A_343], %gather3A_344 {add = true} : memref<50176xf32, #tpu.memory_space<vmem>>[vector<16xi32>], vector<16xf32>,
          %mul3A_345 = arith.constant 5 : i32
          %mul3A_346 = arith.muli %scan3A_279, %mul3A_345 : i32
          %add3A_347 = arith.constant 4 : i32
          %add3A_348 = arith.addi %mul3A_346, %add3A_347 : i32
          %mul3A_349 = arith.constant 16 : i32
          %mul3A_350 = arith.muli %add3A_348, %mul3A_349 : i32
          %get3A_351 = arith.constant 0 : i32
          %get3A_352 = arith.index_cast %get3A_351 : i32 to index
          %get3A_353 = arith.index_cast %mul3A_350 : i32 to index
          %get3A_354 = tpu.vector_load %arg8[%get3A_352, %get3A_353] {strides = array<i32>} : memref<2x2000xi32, #tpu.memory_space<vmem>>, vector<16xi32>,
          %and3A_355 = arith.constant 65535 : i32
          %and3A_356 = vector.broadcast %and3A_355 : i32 to vector<16xi32>
          %and3A_357 = arith.andi %get3A_354, %and3A_356 : vector<16xi32>
          %shift_right_logical3A_358 = arith.constant 16 : i32
          %shift_right_logical3A_359 = vector.broadcast %shift_right_logical3A_358 : i32 to vector<16xi32>
          %shift_right_logical3A_360 = arith.shrui %get3A_354, %shift_right_logical3A_359 : vector<16xi32>
          %gather3A_361 = tpu.vector_load_idx %arg6[%and3A_357] : memref<50176xf32, #tpu.memory_space<vmem>>[vector<16xi32>], vector<16xf32>,
          tpu.vector_store_idx %arg7[%shift_right_logical3A_360], %gather3A_361 {add = true} : memref<50176xf32, #tpu.memory_space<vmem>>[vector<16xi32>], vector<16xf32>,
          %scan3A_362 = arith.constant 0 : i32
          scf.yield %scan3A_362 : i32
        }
        %scan3A_225 = arith.constant 25 : i32
        %add3A_226 = arith.constant 2 : i32
        %add3A_227 = arith.addi %mul3A_206, %add3A_226 : i32
        %min3A = arith.constant 49 : i32
        %min3A_228 = arith.minsi %add3A_227, %min3A : i32
        %mul3A_229 = arith.constant 2000 : i32
        %mul3A_230 = arith.muli %min3A_228, %mul3A_229 : i32
        %add3A_231 = arith.addi %mul3A_2, %mul3A_230 : i32
        %dma_start3A_232 = arith.constant 0 : i32
        %dma_start3A_233 = arith.constant 0 : i32
        %dma_start3A_234 = tpu.memref_slice %arg8[%dma_start3A_232, %dma_start3A_233] : memref<2x2000xi32, #tpu.memory_space<vmem>> -> memref<1x2000xi32, #tpu.memory_space<vmem>>
        %dma_start3A_235 = tpu.memref_squeeze %dma_start3A_234 : memref<1x2000xi32, #tpu.memory_space<vmem>> -> memref<2000xi32, #tpu.memory_space<vmem>>
        %dma_start3A_236 = tpu.memref_slice %arg2[%add3A_231] : memref<1600000xi32, #tpu.memory_space<hbm>> -> memref<2000xi32, #tpu.memory_space<hbm>>
        %dma_start3A_237 = arith.constant 0 : i32
        %dma_start3A_238 = tpu.memref_slice %arg8[%dma_start3A_232, %dma_start3A_237] : memref<2x2000xi32, #tpu.memory_space<vmem>> -> memref<1x2000xi32, #tpu.memory_space<vmem>>
        %dma_start3A_239 = tpu.memref_squeeze %dma_start3A_238 : memref<1x2000xi32, #tpu.memory_space<vmem>> -> memref<2000xi32, #tpu.memory_space<vmem>>
        %dma_start3A_240 = tpu.memref_slice %arg2[%add3A_231] : memref<1600000xi32, #tpu.memory_space<hbm>> -> memref<2000xi32, #tpu.memory_space<hbm>>
        tpu.enqueue_dma source(%dma_start3A_240 : memref<2000xi32, #tpu.memory_space<hbm>>) target(%dma_start3A_239 : memref<2000xi32, #tpu.memory_space<vmem>>) target_semaphore(%arg13 : memref<!tpu.dma_semaphore, #tpu.memory_space<semaphore_mem>>)
        %add3A_241 = arith.constant 1 : i32
        %add3A_242 = arith.addi %mul3A_206, %add3A_241 : i32
        %mul3A_243 = arith.constant 2000 : i32
        %mul3A_244 = arith.muli %add3A_242, %mul3A_243 : i32
        %add3A_245 = arith.addi %mul3A_2, %mul3A_244 : i32
        %dma_wait3A_246 = arith.constant 1 : i32
        %dma_wait3A_247 = arith.constant 0 : i32
        %dma_wait3A_248 = tpu.memref_slice %arg8[%dma_wait3A_246, %dma_wait3A_247] : memref<2x2000xi32, #tpu.memory_space<vmem>> -> memref<1x2000xi32, #tpu.memory_space<vmem>>
        %dma_wait3A_249 = tpu.memref_squeeze %dma_wait3A_248 : memref<1x2000xi32, #tpu.memory_space<vmem>> -> memref<2000xi32, #tpu.memory_space<vmem>>
        %dma_wait3A_250 = tpu.memref_slice %arg2[%add3A_245] : memref<1600000xi32, #tpu.memory_space<hbm>> -> memref<2000xi32, #tpu.memory_space<hbm>>
        %dma_wait3A_251 = arith.constant 0 : i32
        %dma_wait3A_252 = tpu.memref_slice %arg8[%dma_wait3A_246, %dma_wait3A_251] : memref<2x2000xi32, #tpu.memory_space<vmem>> -> memref<1x2000xi32, #tpu.memory_space<vmem>>
        %dma_wait3A_253 = tpu.memref_squeeze %dma_wait3A_252 : memref<1x2000xi32, #tpu.memory_space<vmem>> -> memref<2000xi32, #tpu.memory_space<vmem>>
        %dma_wait3A_254 = tpu.memref_slice %arg2[%add3A_245] : memref<1600000xi32, #tpu.memory_space<hbm>> -> memref<2000xi32, #tpu.memory_space<hbm>>
        tpu.wait_dma2 semaphore(%arg14 : memref<!tpu.dma_semaphore, #tpu.memory_space<semaphore_mem>>) src(%dma_wait3A_254 : memref<2000xi32, #tpu.memory_space<hbm>>) dst(%dma_wait3A_253 : memref<2000xi32, #tpu.memory_space<vmem>>)
        %scan3A_255 = arith.constant 0 : i32
        %scan3A_256 = arith.constant 0 : i32
        %scan3A_257 = arith.constant 25 : i32
        %scan3A_258 = arith.addi %scan3A_256, %scan3A_257 : i32
        %scan3A_259 = arith.constant 1 : i32
        %scan3A_260 = scf.for %scan3A_279 = %scan3A_256 to %scan3A_258 step %scan3A_259 iter_args(%scan3A_280 = %scan3A_255) -> (i32)  : i32 {
          %mul3A_281 = arith.constant 5 : i32
          %mul3A_282 = arith.muli %scan3A_279, %mul3A_281 : i32
          %add3A_283 = arith.constant 0 : i32
          %add3A_284 = arith.addi %mul3A_282, %add3A_283 : i32
          %mul3A_285 = arith.constant 16 : i32
          %mul3A_286 = arith.muli %add3A_284, %mul3A_285 : i32
          %get3A = arith.constant 1 : i32
          %get3A_287 = arith.index_cast %get3A : i32 to index
          %get3A_288 = arith.index_cast %mul3A_286 : i32 to index
          %get3A_289 = tpu.vector_load %arg8[%get3A_287, %get3A_288] {strides = array<i32>} : memref<2x2000xi32, #tpu.memory_space<vmem>>, vector<16xi32>,
          %and3A = arith.constant 65535 : i32
          %and3A_290 = vector.broadcast %and3A : i32 to vector<16xi32>
          %and3A_291 = arith.andi %get3A_289, %and3A_290 : vector<16xi32>
          %shift_right_logical3A = arith.constant 16 : i32
          %shift_right_logical3A_292 = vector.broadcast %shift_right_logical3A : i32 to vector<16xi32>
          %shift_right_logical3A_293 = arith.shrui %get3A_289, %shift_right_logical3A_292 : vector<16xi32>
          %gather3A = tpu.vector_load_idx %arg6[%and3A_291] : memref<50176xf32, #tpu.memory_space<vmem>>[vector<16xi32>], vector<16xf32>,
          tpu.vector_store_idx %arg7[%shift_right_logical3A_293], %gather3A {add = true} : memref<50176xf32, #tpu.memory_space<vmem>>[vector<16xi32>], vector<16xf32>,
          %mul3A_294 = arith.constant 5 : i32
          %mul3A_295 = arith.muli %scan3A_279, %mul3A_294 : i32
          %add3A_296 = arith.constant 1 : i32
          %add3A_297 = arith.addi %mul3A_295, %add3A_296 : i32
          %mul3A_298 = arith.constant 16 : i32
          %mul3A_299 = arith.muli %add3A_297, %mul3A_298 : i32
          %get3A_300 = arith.constant 1 : i32
          %get3A_301 = arith.index_cast %get3A_300 : i32 to index
          %get3A_302 = arith.index_cast %mul3A_299 : i32 to index
          %get3A_303 = tpu.vector_load %arg8[%get3A_301, %get3A_302] {strides = array<i32>} : memref<2x2000xi32, #tpu.memory_space<vmem>>, vector<16xi32>,
          %and3A_304 = arith.constant 65535 : i32
          %and3A_305 = vector.broadcast %and3A_304 : i32 to vector<16xi32>
          %and3A_306 = arith.andi %get3A_303, %and3A_305 : vector<16xi32>
          %shift_right_logical3A_307 = arith.constant 16 : i32
          %shift_right_logical3A_308 = vector.broadcast %shift_right_logical3A_307 : i32 to vector<16xi32>
          %shift_right_logical3A_309 = arith.shrui %get3A_303, %shift_right_logical3A_308 : vector<16xi32>
          %gather3A_310 = tpu.vector_load_idx %arg6[%and3A_306] : memref<50176xf32, #tpu.memory_space<vmem>>[vector<16xi32>], vector<16xf32>,
          tpu.vector_store_idx %arg7[%shift_right_logical3A_309], %gather3A_310 {add = true} : memref<50176xf32, #tpu.memory_space<vmem>>[vector<16xi32>], vector<16xf32>,
          %mul3A_311 = arith.constant 5 : i32
          %mul3A_312 = arith.muli %scan3A_279, %mul3A_311 : i32
          %add3A_313 = arith.constant 2 : i32
          %add3A_314 = arith.addi %mul3A_312, %add3A_313 : i32
          %mul3A_315 = arith.constant 16 : i32
          %mul3A_316 = arith.muli %add3A_314, %mul3A_315 : i32
          %get3A_317 = arith.constant 1 : i32
          %get3A_318 = arith.index_cast %get3A_317 : i32 to index
          %get3A_319 = arith.index_cast %mul3A_316 : i32 to index
          %get3A_320 = tpu.vector_load %arg8[%get3A_318, %get3A_319] {strides = array<i32>} : memref<2x2000xi32, #tpu.memory_space<vmem>>, vector<16xi32>,
          %and3A_321 = arith.constant 65535 : i32
          %and3A_322 = vector.broadcast %and3A_321 : i32 to vector<16xi32>
          %and3A_323 = arith.andi %get3A_320, %and3A_322 : vector<16xi32>
          %shift_right_logical3A_324 = arith.constant 16 : i32
          %shift_right_logical3A_325 = vector.broadcast %shift_right_logical3A_324 : i32 to vector<16xi32>
          %shift_right_logical3A_326 = arith.shrui %get3A_320, %shift_right_logical3A_325 : vector<16xi32>
          %gather3A_327 = tpu.vector_load_idx %arg6[%and3A_323] : memref<50176xf32, #tpu.memory_space<vmem>>[vector<16xi32>], vector<16xf32>,
          tpu.vector_store_idx %arg7[%shift_right_logical3A_326], %gather3A_327 {add = true} : memref<50176xf32, #tpu.memory_space<vmem>>[vector<16xi32>], vector<16xf32>,
          %mul3A_328 = arith.constant 5 : i32
          %mul3A_329 = arith.muli %scan3A_279, %mul3A_328 : i32
          %add3A_330 = arith.constant 3 : i32
          %add3A_331 = arith.addi %mul3A_329, %add3A_330 : i32
          %mul3A_332 = arith.constant 16 : i32
          %mul3A_333 = arith.muli %add3A_331, %mul3A_332 : i32
          %get3A_334 = arith.constant 1 : i32
          %get3A_335 = arith.index_cast %get3A_334 : i32 to index
          %get3A_336 = arith.index_cast %mul3A_333 : i32 to index
          %get3A_337 = tpu.vector_load %arg8[%get3A_335, %get3A_336] {strides = array<i32>} : memref<2x2000xi32, #tpu.memory_space<vmem>>, vector<16xi32>,
          %and3A_338 = arith.constant 65535 : i32
          %and3A_339 = vector.broadcast %and3A_338 : i32 to vector<16xi32>
          %and3A_340 = arith.andi %get3A_337, %and3A_339 : vector<16xi32>
          %shift_right_logical3A_341 = arith.constant 16 : i32
          %shift_right_logical3A_342 = vector.broadcast %shift_right_logical3A_341 : i32 to vector<16xi32>
          %shift_right_logical3A_343 = arith.shrui %get3A_337, %shift_right_logical3A_342 : vector<16xi32>
          %gather3A_344 = tpu.vector_load_idx %arg6[%and3A_340] : memref<50176xf32, #tpu.memory_space<vmem>>[vector<16xi32>], vector<16xf32>,
          tpu.vector_store_idx %arg7[%shift_right_logical3A_343], %gather3A_344 {add = true} : memref<50176xf32, #tpu.memory_space<vmem>>[vector<16xi32>], vector<16xf32>,
          %mul3A_345 = arith.constant 5 : i32
          %mul3A_346 = arith.muli %scan3A_279, %mul3A_345 : i32
          %add3A_347 = arith.constant 4 : i32
          %add3A_348 = arith.addi %mul3A_346, %add3A_347 : i32
          %mul3A_349 = arith.constant 16 : i32
          %mul3A_350 = arith.muli %add3A_348, %mul3A_349 : i32
          %get3A_351 = arith.constant 1 : i32
          %get3A_352 = arith.index_cast %get3A_351 : i32 to index
          %get3A_353 = arith.index_cast %mul3A_350 : i32 to index
          %get3A_354 = tpu.vector_load %arg8[%get3A_352, %get3A_353] {strides = array<i32>} : memref<2x2000xi32, #tpu.memory_space<vmem>>, vector<16xi32>,
          %and3A_355 = arith.constant 65535 : i32
          %and3A_356 = vector.broadcast %and3A_355 : i32 to vector<16xi32>
          %and3A_357 = arith.andi %get3A_354, %and3A_356 : vector<16xi32>
          %shift_right_logical3A_358 = arith.constant 16 : i32
          %shift_right_logical3A_359 = vector.broadcast %shift_right_logical3A_358 : i32 to vector<16xi32>
          %shift_right_logical3A_360 = arith.shrui %get3A_354, %shift_right_logical3A_359 : vector<16xi32>
          %gather3A_361 = tpu.vector_load_idx %arg6[%and3A_357] : memref<50176xf32, #tpu.memory_space<vmem>>[vector<16xi32>], vector<16xf32>,
          tpu.vector_store_idx %arg7[%shift_right_logical3A_360], %gather3A_361 {add = true} : memref<50176xf32, #tpu.memory_space<vmem>>[vector<16xi32>], vector<16xf32>,
          %scan3A_362 = arith.constant 0 : i32
          scf.yield %scan3A_362 : i32
        }
        %scan3A_261 = arith.constant 25 : i32
        %add3A_262 = arith.constant 3 : i32
        %add3A_263 = arith.addi %mul3A_206, %add3A_262 : i32
        %min3A_264 = arith.constant 49 : i32
        %min3A_265 = arith.minsi %add3A_263, %min3A_264 : i32
        %mul3A_266 = arith.constant 2000 : i32
        %mul3A_267 = arith.muli %min3A_265, %mul3A_266 : i32
        %add3A_268 = arith.addi %mul3A_2, %mul3A_267 : i32
        %dma_start3A_269 = arith.constant 1 : i32
        %dma_start3A_270 = arith.constant 0 : i32
        %dma_start3A_271 = tpu.memref_slice %arg8[%dma_start3A_269, %dma_start3A_270] : memref<2x2000xi32, #tpu.memory_space<vmem>> -> memref<1x2000xi32, #tpu.memory_space<vmem>>
        %dma_start3A_272 = tpu.memref_squeeze %dma_start3A_271 : memref<1x2000xi32, #tpu.memory_space<vmem>> -> memref<2000xi32, #tpu.memory_space<vmem>>
        %dma_start3A_273 = tpu.memref_slice %arg2[%add3A_268] : memref<1600000xi32, #tpu.memory_space<hbm>> -> memref<2000xi32, #tpu.memory_space<hbm>>
        %dma_start3A_274 = arith.constant 0 : i32
        %dma_start3A_275 = tpu.memref_slice %arg8[%dma_start3A_269, %dma_start3A_274] : memref<2x2000xi32, #tpu.memory_space<vmem>> -> memref<1x2000xi32, #tpu.memory_space<vmem>>
        %dma_start3A_276 = tpu.memref_squeeze %dma_start3A_275 : memref<1x2000xi32, #tpu.memory_space<vmem>> -> memref<2000xi32, #tpu.memory_space<vmem>>
        %dma_start3A_277 = tpu.memref_slice %arg2[%add3A_268] : memref<1600000xi32, #tpu.memory_space<hbm>> -> memref<2000xi32, #tpu.memory_space<hbm>>
        tpu.enqueue_dma source(%dma_start3A_277 : memref<2000xi32, #tpu.memory_space<hbm>>) target(%dma_start3A_276 : memref<2000xi32, #tpu.memory_space<vmem>>) target_semaphore(%arg14 : memref<!tpu.dma_semaphore, #tpu.memory_space<semaphore_mem>>)
        %scan3A_278 = arith.constant 0 : i32
        scf.yield %scan3A_278 : i32
      }
      %scan3A_140 = arith.constant 25 : i32
      %add3A_141 = arith.constant 98000 : i32
      %add3A_142 = arith.addi %mul3A_2, %add3A_141 : i32
      %dma_wait3A_143 = arith.constant 0 : i32
      %dma_wait3A_144 = arith.constant 0 : i32
      %dma_wait3A_145 = tpu.memref_slice %arg8[%dma_wait3A_143, %dma_wait3A_144] : memref<2x2000xi32, #tpu.memory_space<vmem>> -> memref<1x2000xi32, #tpu.memory_space<vmem>>
      %dma_wait3A_146 = tpu.memref_squeeze %dma_wait3A_145 : memref<1x2000xi32, #tpu.memory_space<vmem>> -> memref<2000xi32, #tpu.memory_space<vmem>>
      %dma_wait3A_147 = tpu.memref_slice %arg2[%add3A_142] : memref<1600000xi32, #tpu.memory_space<hbm>> -> memref<2000xi32, #tpu.memory_space<hbm>>
      %dma_wait3A_148 = arith.constant 0 : i32
      %dma_wait3A_149 = tpu.memref_slice %arg8[%dma_wait3A_143, %dma_wait3A_148] : memref<2x2000xi32, #tpu.memory_space<vmem>> -> memref<1x2000xi32, #tpu.memory_space<vmem>>
      %dma_wait3A_150 = tpu.memref_squeeze %dma_wait3A_149 : memref<1x2000xi32, #tpu.memory_space<vmem>> -> memref<2000xi32, #tpu.memory_space<vmem>>
      %dma_wait3A_151 = tpu.memref_slice %arg2[%add3A_142] : memref<1600000xi32, #tpu.memory_space<hbm>> -> memref<2000xi32, #tpu.memory_space<hbm>>
      tpu.wait_dma2 semaphore(%arg13 : memref<!tpu.dma_semaphore, #tpu.memory_space<semaphore_mem>>) src(%dma_wait3A_151 : memref<2000xi32, #tpu.memory_space<hbm>>) dst(%dma_wait3A_150 : memref<2000xi32, #tpu.memory_space<vmem>>)
      %add3A_152 = arith.constant 98000 : i32
      %add3A_153 = arith.addi %mul3A_2, %add3A_152 : i32
      %dma_wait3A_154 = arith.constant 1 : i32
      %dma_wait3A_155 = arith.constant 0 : i32
      %dma_wait3A_156 = tpu.memref_slice %arg8[%dma_wait3A_154, %dma_wait3A_155] : memref<2x2000xi32, #tpu.memory_space<vmem>> -> memref<1x2000xi32, #tpu.memory_space<vmem>>
      %dma_wait3A_157 = tpu.memref_squeeze %dma_wait3A_156 : memref<1x2000xi32, #tpu.memory_space<vmem>> -> memref<2000xi32, #tpu.memory_space<vmem>>
      %dma_wait3A_158 = tpu.memref_slice %arg2[%add3A_153] : memref<1600000xi32, #tpu.memory_space<hbm>> -> memref<2000xi32, #tpu.memory_space<hbm>>
      %dma_wait3A_159 = arith.constant 0 : i32
      %dma_wait3A_160 = tpu.memref_slice %arg8[%dma_wait3A_154, %dma_wait3A_159] : memref<2x2000xi32, #tpu.memory_space<vmem>> -> memref<1x2000xi32, #tpu.memory_space<vmem>>
      %dma_wait3A_161 = tpu.memref_squeeze %dma_wait3A_160 : memref<1x2000xi32, #tpu.memory_space<vmem>> -> memref<2000xi32, #tpu.memory_space<vmem>>
      %dma_wait3A_162 = tpu.memref_slice %arg2[%add3A_153] : memref<1600000xi32, #tpu.memory_space<hbm>> -> memref<2000xi32, #tpu.memory_space<hbm>>
      tpu.wait_dma2 semaphore(%arg14 : memref<!tpu.dma_semaphore, #tpu.memory_space<semaphore_mem>>) src(%dma_wait3A_162 : memref<2000xi32, #tpu.memory_space<hbm>>) dst(%dma_wait3A_161 : memref<2000xi32, #tpu.memory_space<vmem>>)
      "tpu.region"() ({
        %run_scoped3A = tpu.sem_alloc : memref<!tpu.dma_semaphore, #tpu.memory_space<semaphore_mem>>
        %dma_start3A_203 = arith.constant 0 : i32
        %dma_start3A_204 = tpu.memref_slice %arg4[%arg0, %arg1, %dma_start3A_203] : memref<2x16x50176xf32, #tpu.memory_space<hbm>> -> memref<1x1x50176xf32, #tpu.memory_space<hbm>>
        %dma_start3A_205 = tpu.memref_squeeze %dma_start3A_204 : memref<1x1x50176xf32, #tpu.memory_space<hbm>> -> memref<50176xf32, #tpu.memory_space<hbm>>
        %dma_start3A_206 = arith.constant 0 : i32
        %dma_start3A_207 = tpu.memref_slice %arg4[%arg0, %arg1, %dma_start3A_206] : memref<2x16x50176xf32, #tpu.memory_space<hbm>> -> memref<1x1x50176xf32, #tpu.memory_space<hbm>>
        %dma_start3A_208 = tpu.memref_squeeze %dma_start3A_207 : memref<1x1x50176xf32, #tpu.memory_space<hbm>> -> memref<50176xf32, #tpu.memory_space<hbm>>
        tpu.enqueue_dma source(%arg7 : memref<50176xf32, #tpu.memory_space<vmem>>) target(%dma_start3A_208 : memref<50176xf32, #tpu.memory_space<hbm>>) target_semaphore(%run_scoped3A : memref<!tpu.dma_semaphore, #tpu.memory_space<semaphore_mem>>)
        %dma_wait3A_209 = arith.constant 0 : i32
        %dma_wait3A_210 = tpu.memref_slice %arg4[%arg0, %arg1, %dma_wait3A_209] : memref<2x16x50176xf32, #tpu.memory_space<hbm>> -> memref<1x1x50176xf32, #tpu.memory_space<hbm>>
        %dma_wait3A_211 = tpu.memref_squeeze %dma_wait3A_210 : memref<1x1x50176xf32, #tpu.memory_space<hbm>> -> memref<50176xf32, #tpu.memory_space<hbm>>
        %dma_wait3A_212 = arith.constant 0 : i32
        %dma_wait3A_213 = tpu.memref_slice %arg4[%arg0, %arg1, %dma_wait3A_212] : memref<2x16x50176xf32, #tpu.memory_space<hbm>> -> memref<1x1x50176xf32, #tpu.memory_space<hbm>>
        %dma_wait3A_214 = tpu.memref_squeeze %dma_wait3A_213 : memref<1x1x50176xf32, #tpu.memory_space<hbm>> -> memref<50176xf32, #tpu.memory_space<hbm>>
        tpu.wait_dma2 semaphore(%run_scoped3A : memref<!tpu.dma_semaphore, #tpu.memory_space<semaphore_mem>>) src(%arg7 : memref<50176xf32, #tpu.memory_space<vmem>>) dst(%dma_wait3A_214 : memref<50176xf32, #tpu.memory_space<hbm>>)
        tpu.yield
      }) : () -> ()
      %barrier3A_163 = arith.constant 0 : index
      tpu.barrier barrier_id(%barrier3A_163)
      "tpu.region"() ({
        %run_scoped3A = tpu.sem_alloc : memref<!tpu.dma_semaphore, #tpu.memory_space<semaphore_mem>>
        %dma_start3A_203 = arith.constant 0 : i32
        %dma_start3A_204 = tpu.memref_slice %arg4[%arg0, %dma_start3A_203, %mul3A_0] : memref<2x16x50176xf32, #tpu.memory_space<hbm>> -> memref<1x4x3136xf32, #tpu.memory_space<hbm>>
        %dma_start3A_205 = tpu.memref_squeeze %dma_start3A_204 : memref<1x4x3136xf32, #tpu.memory_space<hbm>> -> memref<4x3136xf32, #tpu.memory_space<hbm>>
        %dma_start3A_206 = arith.constant 0 : i32
        %dma_start3A_207 = tpu.memref_slice %arg4[%arg0, %dma_start3A_206, %mul3A_0] : memref<2x16x50176xf32, #tpu.memory_space<hbm>> -> memref<1x4x3136xf32, #tpu.memory_space<hbm>>
        %dma_start3A_208 = tpu.memref_squeeze %dma_start3A_207 : memref<1x4x3136xf32, #tpu.memory_space<hbm>> -> memref<4x3136xf32, #tpu.memory_space<hbm>>
        tpu.enqueue_dma source(%dma_start3A_208 : memref<4x3136xf32, #tpu.memory_space<hbm>>) target(%arg9 : memref<4x3136xf32, #tpu.memory_space<vmem>>) target_semaphore(%run_scoped3A : memref<!tpu.dma_semaphore, #tpu.memory_space<semaphore_mem>>)
        %dma_wait3A_209 = arith.constant 0 : i32
        %dma_wait3A_210 = tpu.memref_slice %arg4[%arg0, %dma_wait3A_209, %mul3A_0] : memref<2x16x50176xf32, #tpu.memory_space<hbm>> -> memref<1x4x3136xf32, #tpu.memory_space<hbm>>
        %dma_wait3A_211 = tpu.memref_squeeze %dma_wait3A_210 : memref<1x4x3136xf32, #tpu.memory_space<hbm>> -> memref<4x3136xf32, #tpu.memory_space<hbm>>
        %dma_wait3A_212 = arith.constant 0 : i32
        %dma_wait3A_213 = tpu.memref_slice %arg4[%arg0, %dma_wait3A_212, %mul3A_0] : memref<2x16x50176xf32, #tpu.memory_space<hbm>> -> memref<1x4x3136xf32, #tpu.memory_space<hbm>>
        %dma_wait3A_214 = tpu.memref_squeeze %dma_wait3A_213 : memref<1x4x3136xf32, #tpu.memory_space<hbm>> -> memref<4x3136xf32, #tpu.memory_space<hbm>>
        tpu.wait_dma2 semaphore(%run_scoped3A : memref<!tpu.dma_semaphore, #tpu.memory_space<semaphore_mem>>) src(%dma_wait3A_214 : memref<4x3136xf32, #tpu.memory_space<hbm>>) dst(%arg9 : memref<4x3136xf32, #tpu.memory_space<vmem>>)
        tpu.yield
      }) : () -> ()
      %scan3A_164 = arith.constant 0 : i32
      %scan3A_165 = arith.constant 0 : i32
      %scan3A_166 = arith.constant 49 : i32
      %scan3A_167 = arith.addi %scan3A_165, %scan3A_166 : i32
      %scan3A_168 = arith.constant 1 : i32
      %scan3A_169 = scf.for %scan3A_203 = %scan3A_165 to %scan3A_167 step %scan3A_168 iter_args(%scan3A_204 = %scan3A_164) -> (i32)  : i32 {
        %mul3A_205 = arith.constant 4 : i32
        %mul3A_206 = arith.muli %scan3A_203, %mul3A_205 : i32
        %add3A_207 = arith.constant 0 : i32
        %add3A_208 = arith.addi %mul3A_206, %add3A_207 : i32
        %mul3A_209 = arith.constant 16 : i32
        %mul3A_210 = arith.muli %add3A_208, %mul3A_209 : i32
        %get3A = arith.constant 0 : i32
        %get3A_211 = arith.index_cast %get3A : i32 to index
        %get3A_212 = arith.index_cast %mul3A_210 : i32 to index
        %get3A_213 = tpu.vector_load %arg9[%get3A_211, %get3A_212] {strides = array<i32>} : memref<4x3136xf32, #tpu.memory_space<vmem>>, vector<16xf32>,
        %get3A_214 = arith.constant 1 : i32
        %get3A_215 = arith.index_cast %get3A_214 : i32 to index
        %get3A_216 = arith.index_cast %mul3A_210 : i32 to index
        %get3A_217 = tpu.vector_load %arg9[%get3A_215, %get3A_216] {strides = array<i32>} : memref<4x3136xf32, #tpu.memory_space<vmem>>, vector<16xf32>,
        %add3A_218 = arith.addf %get3A_213, %get3A_217 : vector<16xf32>
        %get3A_219 = arith.constant 2 : i32
        %get3A_220 = arith.index_cast %get3A_219 : i32 to index
        %get3A_221 = arith.index_cast %mul3A_210 : i32 to index
        %get3A_222 = tpu.vector_load %arg9[%get3A_220, %get3A_221] {strides = array<i32>} : memref<4x3136xf32, #tpu.memory_space<vmem>>, vector<16xf32>,
        %get3A_223 = arith.constant 3 : i32
        %get3A_224 = arith.index_cast %get3A_223 : i32 to index
        %get3A_225 = arith.index_cast %mul3A_210 : i32 to index
        %get3A_226 = tpu.vector_load %arg9[%get3A_224, %get3A_225] {strides = array<i32>} : memref<4x3136xf32, #tpu.memory_space<vmem>>, vector<16xf32>,
        %add3A_227 = arith.addf %get3A_222, %get3A_226 : vector<16xf32>
        %add3A_228 = arith.addf %add3A_218, %add3A_227 : vector<16xf32>
        %swap3A = arith.index_cast %mul3A_210 : i32 to index
        %swap3A_229 = tpu.vector_load %arg10[%swap3A] {strides = array<i32>} : memref<3136xf32, #tpu.memory_space<vmem>>, vector<16xf32>,
        tpu.vector_store %arg10[%swap3A], %add3A_228 {strides = array<i32>} : memref<3136xf32, #tpu.memory_space<vmem>>, vector<16xf32>,
        %mul3A_230 = arith.constant 4 : i32
        %mul3A_231 = arith.muli %scan3A_203, %mul3A_230 : i32
        %add3A_232 = arith.constant 1 : i32
        %add3A_233 = arith.addi %mul3A_231, %add3A_232 : i32
        %mul3A_234 = arith.constant 16 : i32
        %mul3A_235 = arith.muli %add3A_233, %mul3A_234 : i32
        %get3A_236 = arith.constant 0 : i32
        %get3A_237 = arith.index_cast %get3A_236 : i32 to index
        %get3A_238 = arith.index_cast %mul3A_235 : i32 to index
        %get3A_239 = tpu.vector_load %arg9[%get3A_237, %get3A_238] {strides = array<i32>} : memref<4x3136xf32, #tpu.memory_space<vmem>>, vector<16xf32>,
        %get3A_240 = arith.constant 1 : i32
        %get3A_241 = arith.index_cast %get3A_240 : i32 to index
        %get3A_242 = arith.index_cast %mul3A_235 : i32 to index
        %get3A_243 = tpu.vector_load %arg9[%get3A_241, %get3A_242] {strides = array<i32>} : memref<4x3136xf32, #tpu.memory_space<vmem>>, vector<16xf32>,
        %add3A_244 = arith.addf %get3A_239, %get3A_243 : vector<16xf32>
        %get3A_245 = arith.constant 2 : i32
        %get3A_246 = arith.index_cast %get3A_245 : i32 to index
        %get3A_247 = arith.index_cast %mul3A_235 : i32 to index
        %get3A_248 = tpu.vector_load %arg9[%get3A_246, %get3A_247] {strides = array<i32>} : memref<4x3136xf32, #tpu.memory_space<vmem>>, vector<16xf32>,
        %get3A_249 = arith.constant 3 : i32
        %get3A_250 = arith.index_cast %get3A_249 : i32 to index
        %get3A_251 = arith.index_cast %mul3A_235 : i32 to index
        %get3A_252 = tpu.vector_load %arg9[%get3A_250, %get3A_251] {strides = array<i32>} : memref<4x3136xf32, #tpu.memory_space<vmem>>, vector<16xf32>,
        %add3A_253 = arith.addf %get3A_248, %get3A_252 : vector<16xf32>
        %add3A_254 = arith.addf %add3A_244, %add3A_253 : vector<16xf32>
        %swap3A_255 = arith.index_cast %mul3A_235 : i32 to index
        %swap3A_256 = tpu.vector_load %arg10[%swap3A_255] {strides = array<i32>} : memref<3136xf32, #tpu.memory_space<vmem>>, vector<16xf32>,
        tpu.vector_store %arg10[%swap3A_255], %add3A_254 {strides = array<i32>} : memref<3136xf32, #tpu.memory_space<vmem>>, vector<16xf32>,
        %mul3A_257 = arith.constant 4 : i32
        %mul3A_258 = arith.muli %scan3A_203, %mul3A_257 : i32
        %add3A_259 = arith.constant 2 : i32
        %add3A_260 = arith.addi %mul3A_258, %add3A_259 : i32
        %mul3A_261 = arith.constant 16 : i32
        %mul3A_262 = arith.muli %add3A_260, %mul3A_261 : i32
        %get3A_263 = arith.constant 0 : i32
        %get3A_264 = arith.index_cast %get3A_263 : i32 to index
        %get3A_265 = arith.index_cast %mul3A_262 : i32 to index
        %get3A_266 = tpu.vector_load %arg9[%get3A_264, %get3A_265] {strides = array<i32>} : memref<4x3136xf32, #tpu.memory_space<vmem>>, vector<16xf32>,
        %get3A_267 = arith.constant 1 : i32
        %get3A_268 = arith.index_cast %get3A_267 : i32 to index
        %get3A_269 = arith.index_cast %mul3A_262 : i32 to index
        %get3A_270 = tpu.vector_load %arg9[%get3A_268, %get3A_269] {strides = array<i32>} : memref<4x3136xf32, #tpu.memory_space<vmem>>, vector<16xf32>,
        %add3A_271 = arith.addf %get3A_266, %get3A_270 : vector<16xf32>
        %get3A_272 = arith.constant 2 : i32
        %get3A_273 = arith.index_cast %get3A_272 : i32 to index
        %get3A_274 = arith.index_cast %mul3A_262 : i32 to index
        %get3A_275 = tpu.vector_load %arg9[%get3A_273, %get3A_274] {strides = array<i32>} : memref<4x3136xf32, #tpu.memory_space<vmem>>, vector<16xf32>,
        %get3A_276 = arith.constant 3 : i32
        %get3A_277 = arith.index_cast %get3A_276 : i32 to index
        %get3A_278 = arith.index_cast %mul3A_262 : i32 to index
        %get3A_279 = tpu.vector_load %arg9[%get3A_277, %get3A_278] {strides = array<i32>} : memref<4x3136xf32, #tpu.memory_space<vmem>>, vector<16xf32>,
        %add3A_280 = arith.addf %get3A_275, %get3A_279 : vector<16xf32>
        %add3A_281 = arith.addf %add3A_271, %add3A_280 : vector<16xf32>
        %swap3A_282 = arith.index_cast %mul3A_262 : i32 to index
        %swap3A_283 = tpu.vector_load %arg10[%swap3A_282] {strides = array<i32>} : memref<3136xf32, #tpu.memory_space<vmem>>, vector<16xf32>,
        tpu.vector_store %arg10[%swap3A_282], %add3A_281 {strides = array<i32>} : memref<3136xf32, #tpu.memory_space<vmem>>, vector<16xf32>,
        %mul3A_284 = arith.constant 4 : i32
        %mul3A_285 = arith.muli %scan3A_203, %mul3A_284 : i32
        %add3A_286 = arith.constant 3 : i32
        %add3A_287 = arith.addi %mul3A_285, %add3A_286 : i32
        %mul3A_288 = arith.constant 16 : i32
        %mul3A_289 = arith.muli %add3A_287, %mul3A_288 : i32
        %get3A_290 = arith.constant 0 : i32
        %get3A_291 = arith.index_cast %get3A_290 : i32 to index
        %get3A_292 = arith.index_cast %mul3A_289 : i32 to index
        %get3A_293 = tpu.vector_load %arg9[%get3A_291, %get3A_292] {strides = array<i32>} : memref<4x3136xf32, #tpu.memory_space<vmem>>, vector<16xf32>,
        %get3A_294 = arith.constant 1 : i32
        %get3A_295 = arith.index_cast %get3A_294 : i32 to index
        %get3A_296 = arith.index_cast %mul3A_289 : i32 to index
        %get3A_297 = tpu.vector_load %arg9[%get3A_295, %get3A_296] {strides = array<i32>} : memref<4x3136xf32, #tpu.memory_space<vmem>>, vector<16xf32>,
        %add3A_298 = arith.addf %get3A_293, %get3A_297 : vector<16xf32>
        %get3A_299 = arith.constant 2 : i32
        %get3A_300 = arith.index_cast %get3A_299 : i32 to index
        %get3A_301 = arith.index_cast %mul3A_289 : i32 to index
        %get3A_302 = tpu.vector_load %arg9[%get3A_300, %get3A_301] {strides = array<i32>} : memref<4x3136xf32, #tpu.memory_space<vmem>>, vector<16xf32>,
        %get3A_303 = arith.constant 3 : i32
        %get3A_304 = arith.index_cast %get3A_303 : i32 to index
        %get3A_305 = arith.index_cast %mul3A_289 : i32 to index
        %get3A_306 = tpu.vector_load %arg9[%get3A_304, %get3A_305] {strides = array<i32>} : memref<4x3136xf32, #tpu.memory_space<vmem>>, vector<16xf32>,
        %add3A_307 = arith.addf %get3A_302, %get3A_306 : vector<16xf32>
        %add3A_308 = arith.addf %add3A_298, %add3A_307 : vector<16xf32>
        %swap3A_309 = arith.index_cast %mul3A_289 : i32 to index
        %swap3A_310 = tpu.vector_load %arg10[%swap3A_309] {strides = array<i32>} : memref<3136xf32, #tpu.memory_space<vmem>>, vector<16xf32>,
        tpu.vector_store %arg10[%swap3A_309], %add3A_308 {strides = array<i32>} : memref<3136xf32, #tpu.memory_space<vmem>>, vector<16xf32>,
        %scan3A_311 = arith.constant 0 : i32
        scf.yield %scan3A_311 : i32
      }
      %scan3A_170 = arith.constant 49 : i32
      "tpu.region"() ({
        %run_scoped3A = tpu.sem_alloc : memref<!tpu.dma_semaphore, #tpu.memory_space<semaphore_mem>>
        %dma_start3A_203 = arith.constant 4 : i32
        %dma_start3A_204 = tpu.memref_slice %arg4[%arg0, %dma_start3A_203, %mul3A_0] : memref<2x16x50176xf32, #tpu.memory_space<hbm>> -> memref<1x4x3136xf32, #tpu.memory_space<hbm>>
        %dma_start3A_205 = tpu.memref_squeeze %dma_start3A_204 : memref<1x4x3136xf32, #tpu.memory_space<hbm>> -> memref<4x3136xf32, #tpu.memory_space<hbm>>
        %dma_start3A_206 = arith.constant 4 : i32
        %dma_start3A_207 = tpu.memref_slice %arg4[%arg0, %dma_start3A_206, %mul3A_0] : memref<2x16x50176xf32, #tpu.memory_space<hbm>> -> memref<1x4x3136xf32, #tpu.memory_space<hbm>>
        %dma_start3A_208 = tpu.memref_squeeze %dma_start3A_207 : memref<1x4x3136xf32, #tpu.memory_space<hbm>> -> memref<4x3136xf32, #tpu.memory_space<hbm>>
        tpu.enqueue_dma source(%dma_start3A_208 : memref<4x3136xf32, #tpu.memory_space<hbm>>) target(%arg9 : memref<4x3136xf32, #tpu.memory_space<vmem>>) target_semaphore(%run_scoped3A : memref<!tpu.dma_semaphore, #tpu.memory_space<semaphore_mem>>)
        %dma_wait3A_209 = arith.constant 4 : i32
        %dma_wait3A_210 = tpu.memref_slice %arg4[%arg0, %dma_wait3A_209, %mul3A_0] : memref<2x16x50176xf32, #tpu.memory_space<hbm>> -> memref<1x4x3136xf32, #tpu.memory_space<hbm>>
        %dma_wait3A_211 = tpu.memref_squeeze %dma_wait3A_210 : memref<1x4x3136xf32, #tpu.memory_space<hbm>> -> memref<4x3136xf32, #tpu.memory_space<hbm>>
        %dma_wait3A_212 = arith.constant 4 : i32
        %dma_wait3A_213 = tpu.memref_slice %arg4[%arg0, %dma_wait3A_212, %mul3A_0] : memref<2x16x50176xf32, #tpu.memory_space<hbm>> -> memref<1x4x3136xf32, #tpu.memory_space<hbm>>
        %dma_wait3A_214 = tpu.memref_squeeze %dma_wait3A_213 : memref<1x4x3136xf32, #tpu.memory_space<hbm>> -> memref<4x3136xf32, #tpu.memory_space<hbm>>
        tpu.wait_dma2 semaphore(%run_scoped3A : memref<!tpu.dma_semaphore, #tpu.memory_space<semaphore_mem>>) src(%dma_wait3A_214 : memref<4x3136xf32, #tpu.memory_space<hbm>>) dst(%arg9 : memref<4x3136xf32, #tpu.memory_space<vmem>>)
        tpu.yield
      }) : () -> ()
      %scan3A_171 = arith.constant 0 : i32
      %scan3A_172 = arith.constant 0 : i32
      %scan3A_173 = arith.constant 49 : i32
      %scan3A_174 = arith.addi %scan3A_172, %scan3A_173 : i32
      %scan3A_175 = arith.constant 1 : i32
      %scan3A_176 = scf.for %scan3A_203 = %scan3A_172 to %scan3A_174 step %scan3A_175 iter_args(%scan3A_204 = %scan3A_171) -> (i32)  : i32 {
        %mul3A_205 = arith.constant 4 : i32
        %mul3A_206 = arith.muli %scan3A_203, %mul3A_205 : i32
        %add3A_207 = arith.constant 0 : i32
        %add3A_208 = arith.addi %mul3A_206, %add3A_207 : i32
        %mul3A_209 = arith.constant 16 : i32
        %mul3A_210 = arith.muli %add3A_208, %mul3A_209 : i32
        %get3A = arith.constant 0 : i32
        %get3A_211 = arith.index_cast %get3A : i32 to index
        %get3A_212 = arith.index_cast %mul3A_210 : i32 to index
        %get3A_213 = tpu.vector_load %arg9[%get3A_211, %get3A_212] {strides = array<i32>} : memref<4x3136xf32, #tpu.memory_space<vmem>>, vector<16xf32>,
        %get3A_214 = arith.constant 1 : i32
        %get3A_215 = arith.index_cast %get3A_214 : i32 to index
        %get3A_216 = arith.index_cast %mul3A_210 : i32 to index
        %get3A_217 = tpu.vector_load %arg9[%get3A_215, %get3A_216] {strides = array<i32>} : memref<4x3136xf32, #tpu.memory_space<vmem>>, vector<16xf32>,
        %add3A_218 = arith.addf %get3A_213, %get3A_217 : vector<16xf32>
        %get3A_219 = arith.constant 2 : i32
        %get3A_220 = arith.index_cast %get3A_219 : i32 to index
        %get3A_221 = arith.index_cast %mul3A_210 : i32 to index
        %get3A_222 = tpu.vector_load %arg9[%get3A_220, %get3A_221] {strides = array<i32>} : memref<4x3136xf32, #tpu.memory_space<vmem>>, vector<16xf32>,
        %get3A_223 = arith.constant 3 : i32
        %get3A_224 = arith.index_cast %get3A_223 : i32 to index
        %get3A_225 = arith.index_cast %mul3A_210 : i32 to index
        %get3A_226 = tpu.vector_load %arg9[%get3A_224, %get3A_225] {strides = array<i32>} : memref<4x3136xf32, #tpu.memory_space<vmem>>, vector<16xf32>,
        %add3A_227 = arith.addf %get3A_222, %get3A_226 : vector<16xf32>
        %add3A_228 = arith.addf %add3A_218, %add3A_227 : vector<16xf32>
        %get3A_229 = arith.index_cast %mul3A_210 : i32 to index
        %get3A_230 = tpu.vector_load %arg10[%get3A_229] {strides = array<i32>} : memref<3136xf32, #tpu.memory_space<vmem>>, vector<16xf32>,
        %add3A_231 = arith.addf %add3A_228, %get3A_230 : vector<16xf32>
        %swap3A = arith.index_cast %mul3A_210 : i32 to index
        %swap3A_232 = tpu.vector_load %arg10[%swap3A] {strides = array<i32>} : memref<3136xf32, #tpu.memory_space<vmem>>, vector<16xf32>,
        tpu.vector_store %arg10[%swap3A], %add3A_231 {strides = array<i32>} : memref<3136xf32, #tpu.memory_space<vmem>>, vector<16xf32>,
        %mul3A_233 = arith.constant 4 : i32
        %mul3A_234 = arith.muli %scan3A_203, %mul3A_233 : i32
        %add3A_235 = arith.constant 1 : i32
        %add3A_236 = arith.addi %mul3A_234, %add3A_235 : i32
        %mul3A_237 = arith.constant 16 : i32
        %mul3A_238 = arith.muli %add3A_236, %mul3A_237 : i32
        %get3A_239 = arith.constant 0 : i32
        %get3A_240 = arith.index_cast %get3A_239 : i32 to index
        %get3A_241 = arith.index_cast %mul3A_238 : i32 to index
        %get3A_242 = tpu.vector_load %arg9[%get3A_240, %get3A_241] {strides = array<i32>} : memref<4x3136xf32, #tpu.memory_space<vmem>>, vector<16xf32>,
        %get3A_243 = arith.constant 1 : i32
        %get3A_244 = arith.index_cast %get3A_243 : i32 to index
        %get3A_245 = arith.index_cast %mul3A_238 : i32 to index
        %get3A_246 = tpu.vector_load %arg9[%get3A_244, %get3A_245] {strides = array<i32>} : memref<4x3136xf32, #tpu.memory_space<vmem>>, vector<16xf32>,
        %add3A_247 = arith.addf %get3A_242, %get3A_246 : vector<16xf32>
        %get3A_248 = arith.constant 2 : i32
        %get3A_249 = arith.index_cast %get3A_248 : i32 to index
        %get3A_250 = arith.index_cast %mul3A_238 : i32 to index
        %get3A_251 = tpu.vector_load %arg9[%get3A_249, %get3A_250] {strides = array<i32>} : memref<4x3136xf32, #tpu.memory_space<vmem>>, vector<16xf32>,
        %get3A_252 = arith.constant 3 : i32
        %get3A_253 = arith.index_cast %get3A_252 : i32 to index
        %get3A_254 = arith.index_cast %mul3A_238 : i32 to index
        %get3A_255 = tpu.vector_load %arg9[%get3A_253, %get3A_254] {strides = array<i32>} : memref<4x3136xf32, #tpu.memory_space<vmem>>, vector<16xf32>,
        %add3A_256 = arith.addf %get3A_251, %get3A_255 : vector<16xf32>
        %add3A_257 = arith.addf %add3A_247, %add3A_256 : vector<16xf32>
        %get3A_258 = arith.index_cast %mul3A_238 : i32 to index
        %get3A_259 = tpu.vector_load %arg10[%get3A_258] {strides = array<i32>} : memref<3136xf32, #tpu.memory_space<vmem>>, vector<16xf32>,
        %add3A_260 = arith.addf %add3A_257, %get3A_259 : vector<16xf32>
        %swap3A_261 = arith.index_cast %mul3A_238 : i32 to index
        %swap3A_262 = tpu.vector_load %arg10[%swap3A_261] {strides = array<i32>} : memref<3136xf32, #tpu.memory_space<vmem>>, vector<16xf32>,
        tpu.vector_store %arg10[%swap3A_261], %add3A_260 {strides = array<i32>} : memref<3136xf32, #tpu.memory_space<vmem>>, vector<16xf32>,
        %mul3A_263 = arith.constant 4 : i32
        %mul3A_264 = arith.muli %scan3A_203, %mul3A_263 : i32
        %add3A_265 = arith.constant 2 : i32
        %add3A_266 = arith.addi %mul3A_264, %add3A_265 : i32
        %mul3A_267 = arith.constant 16 : i32
        %mul3A_268 = arith.muli %add3A_266, %mul3A_267 : i32
        %get3A_269 = arith.constant 0 : i32
        %get3A_270 = arith.index_cast %get3A_269 : i32 to index
        %get3A_271 = arith.index_cast %mul3A_268 : i32 to index
        %get3A_272 = tpu.vector_load %arg9[%get3A_270, %get3A_271] {strides = array<i32>} : memref<4x3136xf32, #tpu.memory_space<vmem>>, vector<16xf32>,
        %get3A_273 = arith.constant 1 : i32
        %get3A_274 = arith.index_cast %get3A_273 : i32 to index
        %get3A_275 = arith.index_cast %mul3A_268 : i32 to index
        %get3A_276 = tpu.vector_load %arg9[%get3A_274, %get3A_275] {strides = array<i32>} : memref<4x3136xf32, #tpu.memory_space<vmem>>, vector<16xf32>,
        %add3A_277 = arith.addf %get3A_272, %get3A_276 : vector<16xf32>
        %get3A_278 = arith.constant 2 : i32
        %get3A_279 = arith.index_cast %get3A_278 : i32 to index
        %get3A_280 = arith.index_cast %mul3A_268 : i32 to index
        %get3A_281 = tpu.vector_load %arg9[%get3A_279, %get3A_280] {strides = array<i32>} : memref<4x3136xf32, #tpu.memory_space<vmem>>, vector<16xf32>,
        %get3A_282 = arith.constant 3 : i32
        %get3A_283 = arith.index_cast %get3A_282 : i32 to index
        %get3A_284 = arith.index_cast %mul3A_268 : i32 to index
        %get3A_285 = tpu.vector_load %arg9[%get3A_283, %get3A_284] {strides = array<i32>} : memref<4x3136xf32, #tpu.memory_space<vmem>>, vector<16xf32>,
        %add3A_286 = arith.addf %get3A_281, %get3A_285 : vector<16xf32>
        %add3A_287 = arith.addf %add3A_277, %add3A_286 : vector<16xf32>
        %get3A_288 = arith.index_cast %mul3A_268 : i32 to index
        %get3A_289 = tpu.vector_load %arg10[%get3A_288] {strides = array<i32>} : memref<3136xf32, #tpu.memory_space<vmem>>, vector<16xf32>,
        %add3A_290 = arith.addf %add3A_287, %get3A_289 : vector<16xf32>
        %swap3A_291 = arith.index_cast %mul3A_268 : i32 to index
        %swap3A_292 = tpu.vector_load %arg10[%swap3A_291] {strides = array<i32>} : memref<3136xf32, #tpu.memory_space<vmem>>, vector<16xf32>,
        tpu.vector_store %arg10[%swap3A_291], %add3A_290 {strides = array<i32>} : memref<3136xf32, #tpu.memory_space<vmem>>, vector<16xf32>,
        %mul3A_293 = arith.constant 4 : i32
        %mul3A_294 = arith.muli %scan3A_203, %mul3A_293 : i32
        %add3A_295 = arith.constant 3 : i32
        %add3A_296 = arith.addi %mul3A_294, %add3A_295 : i32
        %mul3A_297 = arith.constant 16 : i32
        %mul3A_298 = arith.muli %add3A_296, %mul3A_297 : i32
        %get3A_299 = arith.constant 0 : i32
        %get3A_300 = arith.index_cast %get3A_299 : i32 to index
        %get3A_301 = arith.index_cast %mul3A_298 : i32 to index
        %get3A_302 = tpu.vector_load %arg9[%get3A_300, %get3A_301] {strides = array<i32>} : memref<4x3136xf32, #tpu.memory_space<vmem>>, vector<16xf32>,
        %get3A_303 = arith.constant 1 : i32
        %get3A_304 = arith.index_cast %get3A_303 : i32 to index
        %get3A_305 = arith.index_cast %mul3A_298 : i32 to index
        %get3A_306 = tpu.vector_load %arg9[%get3A_304, %get3A_305] {strides = array<i32>} : memref<4x3136xf32, #tpu.memory_space<vmem>>, vector<16xf32>,
        %add3A_307 = arith.addf %get3A_302, %get3A_306 : vector<16xf32>
        %get3A_308 = arith.constant 2 : i32
        %get3A_309 = arith.index_cast %get3A_308 : i32 to index
        %get3A_310 = arith.index_cast %mul3A_298 : i32 to index
        %get3A_311 = tpu.vector_load %arg9[%get3A_309, %get3A_310] {strides = array<i32>} : memref<4x3136xf32, #tpu.memory_space<vmem>>, vector<16xf32>,
        %get3A_312 = arith.constant 3 : i32
        %get3A_313 = arith.index_cast %get3A_312 : i32 to index
        %get3A_314 = arith.index_cast %mul3A_298 : i32 to index
        %get3A_315 = tpu.vector_load %arg9[%get3A_313, %get3A_314] {strides = array<i32>} : memref<4x3136xf32, #tpu.memory_space<vmem>>, vector<16xf32>,
        %add3A_316 = arith.addf %get3A_311, %get3A_315 : vector<16xf32>
        %add3A_317 = arith.addf %add3A_307, %add3A_316 : vector<16xf32>
        %get3A_318 = arith.index_cast %mul3A_298 : i32 to index
        %get3A_319 = tpu.vector_load %arg10[%get3A_318] {strides = array<i32>} : memref<3136xf32, #tpu.memory_space<vmem>>, vector<16xf32>,
        %add3A_320 = arith.addf %add3A_317, %get3A_319 : vector<16xf32>
        %swap3A_321 = arith.index_cast %mul3A_298 : i32 to index
        %swap3A_322 = tpu.vector_load %arg10[%swap3A_321] {strides = array<i32>} : memref<3136xf32, #tpu.memory_space<vmem>>, vector<16xf32>,
        tpu.vector_store %arg10[%swap3A_321], %add3A_320 {strides = array<i32>} : memref<3136xf32, #tpu.memory_space<vmem>>, vector<16xf32>,
        %scan3A_323 = arith.constant 0 : i32
        scf.yield %scan3A_323 : i32
      }
      %scan3A_177 = arith.constant 49 : i32
      "tpu.region"() ({
        %run_scoped3A = tpu.sem_alloc : memref<!tpu.dma_semaphore, #tpu.memory_space<semaphore_mem>>
        %dma_start3A_203 = arith.constant 8 : i32
        %dma_start3A_204 = tpu.memref_slice %arg4[%arg0, %dma_start3A_203, %mul3A_0] : memref<2x16x50176xf32, #tpu.memory_space<hbm>> -> memref<1x4x3136xf32, #tpu.memory_space<hbm>>
        %dma_start3A_205 = tpu.memref_squeeze %dma_start3A_204 : memref<1x4x3136xf32, #tpu.memory_space<hbm>> -> memref<4x3136xf32, #tpu.memory_space<hbm>>
        %dma_start3A_206 = arith.constant 8 : i32
        %dma_start3A_207 = tpu.memref_slice %arg4[%arg0, %dma_start3A_206, %mul3A_0] : memref<2x16x50176xf32, #tpu.memory_space<hbm>> -> memref<1x4x3136xf32, #tpu.memory_space<hbm>>
        %dma_start3A_208 = tpu.memref_squeeze %dma_start3A_207 : memref<1x4x3136xf32, #tpu.memory_space<hbm>> -> memref<4x3136xf32, #tpu.memory_space<hbm>>
        tpu.enqueue_dma source(%dma_start3A_208 : memref<4x3136xf32, #tpu.memory_space<hbm>>) target(%arg9 : memref<4x3136xf32, #tpu.memory_space<vmem>>) target_semaphore(%run_scoped3A : memref<!tpu.dma_semaphore, #tpu.memory_space<semaphore_mem>>)
        %dma_wait3A_209 = arith.constant 8 : i32
        %dma_wait3A_210 = tpu.memref_slice %arg4[%arg0, %dma_wait3A_209, %mul3A_0] : memref<2x16x50176xf32, #tpu.memory_space<hbm>> -> memref<1x4x3136xf32, #tpu.memory_space<hbm>>
        %dma_wait3A_211 = tpu.memref_squeeze %dma_wait3A_210 : memref<1x4x3136xf32, #tpu.memory_space<hbm>> -> memref<4x3136xf32, #tpu.memory_space<hbm>>
        %dma_wait3A_212 = arith.constant 8 : i32
        %dma_wait3A_213 = tpu.memref_slice %arg4[%arg0, %dma_wait3A_212, %mul3A_0] : memref<2x16x50176xf32, #tpu.memory_space<hbm>> -> memref<1x4x3136xf32, #tpu.memory_space<hbm>>
        %dma_wait3A_214 = tpu.memref_squeeze %dma_wait3A_213 : memref<1x4x3136xf32, #tpu.memory_space<hbm>> -> memref<4x3136xf32, #tpu.memory_space<hbm>>
        tpu.wait_dma2 semaphore(%run_scoped3A : memref<!tpu.dma_semaphore, #tpu.memory_space<semaphore_mem>>) src(%dma_wait3A_214 : memref<4x3136xf32, #tpu.memory_space<hbm>>) dst(%arg9 : memref<4x3136xf32, #tpu.memory_space<vmem>>)
        tpu.yield
      }) : () -> ()
      %scan3A_178 = arith.constant 0 : i32
      %scan3A_179 = arith.constant 0 : i32
      %scan3A_180 = arith.constant 49 : i32
      %scan3A_181 = arith.addi %scan3A_179, %scan3A_180 : i32
      %scan3A_182 = arith.constant 1 : i32
      %scan3A_183 = scf.for %scan3A_203 = %scan3A_179 to %scan3A_181 step %scan3A_182 iter_args(%scan3A_204 = %scan3A_178) -> (i32)  : i32 {
        %mul3A_205 = arith.constant 4 : i32
        %mul3A_206 = arith.muli %scan3A_203, %mul3A_205 : i32
        %add3A_207 = arith.constant 0 : i32
        %add3A_208 = arith.addi %mul3A_206, %add3A_207 : i32
        %mul3A_209 = arith.constant 16 : i32
        %mul3A_210 = arith.muli %add3A_208, %mul3A_209 : i32
        %get3A = arith.constant 0 : i32
        %get3A_211 = arith.index_cast %get3A : i32 to index
        %get3A_212 = arith.index_cast %mul3A_210 : i32 to index
        %get3A_213 = tpu.vector_load %arg9[%get3A_211, %get3A_212] {strides = array<i32>} : memref<4x3136xf32, #tpu.memory_space<vmem>>, vector<16xf32>,
        %get3A_214 = arith.constant 1 : i32
        %get3A_215 = arith.index_cast %get3A_214 : i32 to index
        %get3A_216 = arith.index_cast %mul3A_210 : i32 to index
        %get3A_217 = tpu.vector_load %arg9[%get3A_215, %get3A_216] {strides = array<i32>} : memref<4x3136xf32, #tpu.memory_space<vmem>>, vector<16xf32>,
        %add3A_218 = arith.addf %get3A_213, %get3A_217 : vector<16xf32>
        %get3A_219 = arith.constant 2 : i32
        %get3A_220 = arith.index_cast %get3A_219 : i32 to index
        %get3A_221 = arith.index_cast %mul3A_210 : i32 to index
        %get3A_222 = tpu.vector_load %arg9[%get3A_220, %get3A_221] {strides = array<i32>} : memref<4x3136xf32, #tpu.memory_space<vmem>>, vector<16xf32>,
        %get3A_223 = arith.constant 3 : i32
        %get3A_224 = arith.index_cast %get3A_223 : i32 to index
        %get3A_225 = arith.index_cast %mul3A_210 : i32 to index
        %get3A_226 = tpu.vector_load %arg9[%get3A_224, %get3A_225] {strides = array<i32>} : memref<4x3136xf32, #tpu.memory_space<vmem>>, vector<16xf32>,
        %add3A_227 = arith.addf %get3A_222, %get3A_226 : vector<16xf32>
        %add3A_228 = arith.addf %add3A_218, %add3A_227 : vector<16xf32>
        %get3A_229 = arith.index_cast %mul3A_210 : i32 to index
        %get3A_230 = tpu.vector_load %arg10[%get3A_229] {strides = array<i32>} : memref<3136xf32, #tpu.memory_space<vmem>>, vector<16xf32>,
        %add3A_231 = arith.addf %add3A_228, %get3A_230 : vector<16xf32>
        %swap3A = arith.index_cast %mul3A_210 : i32 to index
        %swap3A_232 = tpu.vector_load %arg10[%swap3A] {strides = array<i32>} : memref<3136xf32, #tpu.memory_space<vmem>>, vector<16xf32>,
        tpu.vector_store %arg10[%swap3A], %add3A_231 {strides = array<i32>} : memref<3136xf32, #tpu.memory_space<vmem>>, vector<16xf32>,
        %mul3A_233 = arith.constant 4 : i32
        %mul3A_234 = arith.muli %scan3A_203, %mul3A_233 : i32
        %add3A_235 = arith.constant 1 : i32
        %add3A_236 = arith.addi %mul3A_234, %add3A_235 : i32
        %mul3A_237 = arith.constant 16 : i32
        %mul3A_238 = arith.muli %add3A_236, %mul3A_237 : i32
        %get3A_239 = arith.constant 0 : i32
        %get3A_240 = arith.index_cast %get3A_239 : i32 to index
        %get3A_241 = arith.index_cast %mul3A_238 : i32 to index
        %get3A_242 = tpu.vector_load %arg9[%get3A_240, %get3A_241] {strides = array<i32>} : memref<4x3136xf32, #tpu.memory_space<vmem>>, vector<16xf32>,
        %get3A_243 = arith.constant 1 : i32
        %get3A_244 = arith.index_cast %get3A_243 : i32 to index
        %get3A_245 = arith.index_cast %mul3A_238 : i32 to index
        %get3A_246 = tpu.vector_load %arg9[%get3A_244, %get3A_245] {strides = array<i32>} : memref<4x3136xf32, #tpu.memory_space<vmem>>, vector<16xf32>,
        %add3A_247 = arith.addf %get3A_242, %get3A_246 : vector<16xf32>
        %get3A_248 = arith.constant 2 : i32
        %get3A_249 = arith.index_cast %get3A_248 : i32 to index
        %get3A_250 = arith.index_cast %mul3A_238 : i32 to index
        %get3A_251 = tpu.vector_load %arg9[%get3A_249, %get3A_250] {strides = array<i32>} : memref<4x3136xf32, #tpu.memory_space<vmem>>, vector<16xf32>,
        %get3A_252 = arith.constant 3 : i32
        %get3A_253 = arith.index_cast %get3A_252 : i32 to index
        %get3A_254 = arith.index_cast %mul3A_238 : i32 to index
        %get3A_255 = tpu.vector_load %arg9[%get3A_253, %get3A_254] {strides = array<i32>} : memref<4x3136xf32, #tpu.memory_space<vmem>>, vector<16xf32>,
        %add3A_256 = arith.addf %get3A_251, %get3A_255 : vector<16xf32>
        %add3A_257 = arith.addf %add3A_247, %add3A_256 : vector<16xf32>
        %get3A_258 = arith.index_cast %mul3A_238 : i32 to index
        %get3A_259 = tpu.vector_load %arg10[%get3A_258] {strides = array<i32>} : memref<3136xf32, #tpu.memory_space<vmem>>, vector<16xf32>,
        %add3A_260 = arith.addf %add3A_257, %get3A_259 : vector<16xf32>
        %swap3A_261 = arith.index_cast %mul3A_238 : i32 to index
        %swap3A_262 = tpu.vector_load %arg10[%swap3A_261] {strides = array<i32>} : memref<3136xf32, #tpu.memory_space<vmem>>, vector<16xf32>,
        tpu.vector_store %arg10[%swap3A_261], %add3A_260 {strides = array<i32>} : memref<3136xf32, #tpu.memory_space<vmem>>, vector<16xf32>,
        %mul3A_263 = arith.constant 4 : i32
        %mul3A_264 = arith.muli %scan3A_203, %mul3A_263 : i32
        %add3A_265 = arith.constant 2 : i32
        %add3A_266 = arith.addi %mul3A_264, %add3A_265 : i32
        %mul3A_267 = arith.constant 16 : i32
        %mul3A_268 = arith.muli %add3A_266, %mul3A_267 : i32
        %get3A_269 = arith.constant 0 : i32
        %get3A_270 = arith.index_cast %get3A_269 : i32 to index
        %get3A_271 = arith.index_cast %mul3A_268 : i32 to index
        %get3A_272 = tpu.vector_load %arg9[%get3A_270, %get3A_271] {strides = array<i32>} : memref<4x3136xf32, #tpu.memory_space<vmem>>, vector<16xf32>,
        %get3A_273 = arith.constant 1 : i32
        %get3A_274 = arith.index_cast %get3A_273 : i32 to index
        %get3A_275 = arith.index_cast %mul3A_268 : i32 to index
        %get3A_276 = tpu.vector_load %arg9[%get3A_274, %get3A_275] {strides = array<i32>} : memref<4x3136xf32, #tpu.memory_space<vmem>>, vector<16xf32>,
        %add3A_277 = arith.addf %get3A_272, %get3A_276 : vector<16xf32>
        %get3A_278 = arith.constant 2 : i32
        %get3A_279 = arith.index_cast %get3A_278 : i32 to index
        %get3A_280 = arith.index_cast %mul3A_268 : i32 to index
        %get3A_281 = tpu.vector_load %arg9[%get3A_279, %get3A_280] {strides = array<i32>} : memref<4x3136xf32, #tpu.memory_space<vmem>>, vector<16xf32>,
        %get3A_282 = arith.constant 3 : i32
        %get3A_283 = arith.index_cast %get3A_282 : i32 to index
        %get3A_284 = arith.index_cast %mul3A_268 : i32 to index
        %get3A_285 = tpu.vector_load %arg9[%get3A_283, %get3A_284] {strides = array<i32>} : memref<4x3136xf32, #tpu.memory_space<vmem>>, vector<16xf32>,
        %add3A_286 = arith.addf %get3A_281, %get3A_285 : vector<16xf32>
        %add3A_287 = arith.addf %add3A_277, %add3A_286 : vector<16xf32>
        %get3A_288 = arith.index_cast %mul3A_268 : i32 to index
        %get3A_289 = tpu.vector_load %arg10[%get3A_288] {strides = array<i32>} : memref<3136xf32, #tpu.memory_space<vmem>>, vector<16xf32>,
        %add3A_290 = arith.addf %add3A_287, %get3A_289 : vector<16xf32>
        %swap3A_291 = arith.index_cast %mul3A_268 : i32 to index
        %swap3A_292 = tpu.vector_load %arg10[%swap3A_291] {strides = array<i32>} : memref<3136xf32, #tpu.memory_space<vmem>>, vector<16xf32>,
        tpu.vector_store %arg10[%swap3A_291], %add3A_290 {strides = array<i32>} : memref<3136xf32, #tpu.memory_space<vmem>>, vector<16xf32>,
        %mul3A_293 = arith.constant 4 : i32
        %mul3A_294 = arith.muli %scan3A_203, %mul3A_293 : i32
        %add3A_295 = arith.constant 3 : i32
        %add3A_296 = arith.addi %mul3A_294, %add3A_295 : i32
        %mul3A_297 = arith.constant 16 : i32
        %mul3A_298 = arith.muli %add3A_296, %mul3A_297 : i32
        %get3A_299 = arith.constant 0 : i32
        %get3A_300 = arith.index_cast %get3A_299 : i32 to index
        %get3A_301 = arith.index_cast %mul3A_298 : i32 to index
        %get3A_302 = tpu.vector_load %arg9[%get3A_300, %get3A_301] {strides = array<i32>} : memref<4x3136xf32, #tpu.memory_space<vmem>>, vector<16xf32>,
        %get3A_303 = arith.constant 1 : i32
        %get3A_304 = arith.index_cast %get3A_303 : i32 to index
        %get3A_305 = arith.index_cast %mul3A_298 : i32 to index
        %get3A_306 = tpu.vector_load %arg9[%get3A_304, %get3A_305] {strides = array<i32>} : memref<4x3136xf32, #tpu.memory_space<vmem>>, vector<16xf32>,
        %add3A_307 = arith.addf %get3A_302, %get3A_306 : vector<16xf32>
        %get3A_308 = arith.constant 2 : i32
        %get3A_309 = arith.index_cast %get3A_308 : i32 to index
        %get3A_310 = arith.index_cast %mul3A_298 : i32 to index
        %get3A_311 = tpu.vector_load %arg9[%get3A_309, %get3A_310] {strides = array<i32>} : memref<4x3136xf32, #tpu.memory_space<vmem>>, vector<16xf32>,
        %get3A_312 = arith.constant 3 : i32
        %get3A_313 = arith.index_cast %get3A_312 : i32 to index
        %get3A_314 = arith.index_cast %mul3A_298 : i32 to index
        %get3A_315 = tpu.vector_load %arg9[%get3A_313, %get3A_314] {strides = array<i32>} : memref<4x3136xf32, #tpu.memory_space<vmem>>, vector<16xf32>,
        %add3A_316 = arith.addf %get3A_311, %get3A_315 : vector<16xf32>
        %add3A_317 = arith.addf %add3A_307, %add3A_316 : vector<16xf32>
        %get3A_318 = arith.index_cast %mul3A_298 : i32 to index
        %get3A_319 = tpu.vector_load %arg10[%get3A_318] {strides = array<i32>} : memref<3136xf32, #tpu.memory_space<vmem>>, vector<16xf32>,
        %add3A_320 = arith.addf %add3A_317, %get3A_319 : vector<16xf32>
        %swap3A_321 = arith.index_cast %mul3A_298 : i32 to index
        %swap3A_322 = tpu.vector_load %arg10[%swap3A_321] {strides = array<i32>} : memref<3136xf32, #tpu.memory_space<vmem>>, vector<16xf32>,
        tpu.vector_store %arg10[%swap3A_321], %add3A_320 {strides = array<i32>} : memref<3136xf32, #tpu.memory_space<vmem>>, vector<16xf32>,
        %scan3A_323 = arith.constant 0 : i32
        scf.yield %scan3A_323 : i32
      }
      %scan3A_184 = arith.constant 49 : i32
      "tpu.region"() ({
        %run_scoped3A = tpu.sem_alloc : memref<!tpu.dma_semaphore, #tpu.memory_space<semaphore_mem>>
        %dma_start3A_203 = arith.constant 12 : i32
        %dma_start3A_204 = tpu.memref_slice %arg4[%arg0, %dma_start3A_203, %mul3A_0] : memref<2x16x50176xf32, #tpu.memory_space<hbm>> -> memref<1x4x3136xf32, #tpu.memory_space<hbm>>
        %dma_start3A_205 = tpu.memref_squeeze %dma_start3A_204 : memref<1x4x3136xf32, #tpu.memory_space<hbm>> -> memref<4x3136xf32, #tpu.memory_space<hbm>>
        %dma_start3A_206 = arith.constant 12 : i32
        %dma_start3A_207 = tpu.memref_slice %arg4[%arg0, %dma_start3A_206, %mul3A_0] : memref<2x16x50176xf32, #tpu.memory_space<hbm>> -> memref<1x4x3136xf32, #tpu.memory_space<hbm>>
        %dma_start3A_208 = tpu.memref_squeeze %dma_start3A_207 : memref<1x4x3136xf32, #tpu.memory_space<hbm>> -> memref<4x3136xf32, #tpu.memory_space<hbm>>
        tpu.enqueue_dma source(%dma_start3A_208 : memref<4x3136xf32, #tpu.memory_space<hbm>>) target(%arg9 : memref<4x3136xf32, #tpu.memory_space<vmem>>) target_semaphore(%run_scoped3A : memref<!tpu.dma_semaphore, #tpu.memory_space<semaphore_mem>>)
        %dma_wait3A_209 = arith.constant 12 : i32
        %dma_wait3A_210 = tpu.memref_slice %arg4[%arg0, %dma_wait3A_209, %mul3A_0] : memref<2x16x50176xf32, #tpu.memory_space<hbm>> -> memref<1x4x3136xf32, #tpu.memory_space<hbm>>
        %dma_wait3A_211 = tpu.memref_squeeze %dma_wait3A_210 : memref<1x4x3136xf32, #tpu.memory_space<hbm>> -> memref<4x3136xf32, #tpu.memory_space<hbm>>
        %dma_wait3A_212 = arith.constant 12 : i32
        %dma_wait3A_213 = tpu.memref_slice %arg4[%arg0, %dma_wait3A_212, %mul3A_0] : memref<2x16x50176xf32, #tpu.memory_space<hbm>> -> memref<1x4x3136xf32, #tpu.memory_space<hbm>>
        %dma_wait3A_214 = tpu.memref_squeeze %dma_wait3A_213 : memref<1x4x3136xf32, #tpu.memory_space<hbm>> -> memref<4x3136xf32, #tpu.memory_space<hbm>>
        tpu.wait_dma2 semaphore(%run_scoped3A : memref<!tpu.dma_semaphore, #tpu.memory_space<semaphore_mem>>) src(%dma_wait3A_214 : memref<4x3136xf32, #tpu.memory_space<hbm>>) dst(%arg9 : memref<4x3136xf32, #tpu.memory_space<vmem>>)
        tpu.yield
      }) : () -> ()
      %scan3A_185 = arith.constant 0 : i32
      %scan3A_186 = arith.constant 0 : i32
      %scan3A_187 = arith.constant 49 : i32
      %scan3A_188 = arith.addi %scan3A_186, %scan3A_187 : i32
      %scan3A_189 = arith.constant 1 : i32
      %scan3A_190 = scf.for %scan3A_203 = %scan3A_186 to %scan3A_188 step %scan3A_189 iter_args(%scan3A_204 = %scan3A_185) -> (i32)  : i32 {
        %mul3A_205 = arith.constant 4 : i32
        %mul3A_206 = arith.muli %scan3A_203, %mul3A_205 : i32
        %add3A_207 = arith.constant 0 : i32
        %add3A_208 = arith.addi %mul3A_206, %add3A_207 : i32
        %mul3A_209 = arith.constant 16 : i32
        %mul3A_210 = arith.muli %add3A_208, %mul3A_209 : i32
        %get3A = arith.constant 0 : i32
        %get3A_211 = arith.index_cast %get3A : i32 to index
        %get3A_212 = arith.index_cast %mul3A_210 : i32 to index
        %get3A_213 = tpu.vector_load %arg9[%get3A_211, %get3A_212] {strides = array<i32>} : memref<4x3136xf32, #tpu.memory_space<vmem>>, vector<16xf32>,
        %get3A_214 = arith.constant 1 : i32
        %get3A_215 = arith.index_cast %get3A_214 : i32 to index
        %get3A_216 = arith.index_cast %mul3A_210 : i32 to index
        %get3A_217 = tpu.vector_load %arg9[%get3A_215, %get3A_216] {strides = array<i32>} : memref<4x3136xf32, #tpu.memory_space<vmem>>, vector<16xf32>,
        %add3A_218 = arith.addf %get3A_213, %get3A_217 : vector<16xf32>
        %get3A_219 = arith.constant 2 : i32
        %get3A_220 = arith.index_cast %get3A_219 : i32 to index
        %get3A_221 = arith.index_cast %mul3A_210 : i32 to index
        %get3A_222 = tpu.vector_load %arg9[%get3A_220, %get3A_221] {strides = array<i32>} : memref<4x3136xf32, #tpu.memory_space<vmem>>, vector<16xf32>,
        %get3A_223 = arith.constant 3 : i32
        %get3A_224 = arith.index_cast %get3A_223 : i32 to index
        %get3A_225 = arith.index_cast %mul3A_210 : i32 to index
        %get3A_226 = tpu.vector_load %arg9[%get3A_224, %get3A_225] {strides = array<i32>} : memref<4x3136xf32, #tpu.memory_space<vmem>>, vector<16xf32>,
        %add3A_227 = arith.addf %get3A_222, %get3A_226 : vector<16xf32>
        %add3A_228 = arith.addf %add3A_218, %add3A_227 : vector<16xf32>
        %get3A_229 = arith.index_cast %mul3A_210 : i32 to index
        %get3A_230 = tpu.vector_load %arg10[%get3A_229] {strides = array<i32>} : memref<3136xf32, #tpu.memory_space<vmem>>, vector<16xf32>,
        %add3A_231 = arith.addf %add3A_228, %get3A_230 : vector<16xf32>
        %swap3A = arith.index_cast %mul3A_210 : i32 to index
        %swap3A_232 = tpu.vector_load %arg10[%swap3A] {strides = array<i32>} : memref<3136xf32, #tpu.memory_space<vmem>>, vector<16xf32>,
        tpu.vector_store %arg10[%swap3A], %add3A_231 {strides = array<i32>} : memref<3136xf32, #tpu.memory_space<vmem>>, vector<16xf32>,
        %mul3A_233 = arith.constant 4 : i32
        %mul3A_234 = arith.muli %scan3A_203, %mul3A_233 : i32
        %add3A_235 = arith.constant 1 : i32
        %add3A_236 = arith.addi %mul3A_234, %add3A_235 : i32
        %mul3A_237 = arith.constant 16 : i32
        %mul3A_238 = arith.muli %add3A_236, %mul3A_237 : i32
        %get3A_239 = arith.constant 0 : i32
        %get3A_240 = arith.index_cast %get3A_239 : i32 to index
        %get3A_241 = arith.index_cast %mul3A_238 : i32 to index
        %get3A_242 = tpu.vector_load %arg9[%get3A_240, %get3A_241] {strides = array<i32>} : memref<4x3136xf32, #tpu.memory_space<vmem>>, vector<16xf32>,
        %get3A_243 = arith.constant 1 : i32
        %get3A_244 = arith.index_cast %get3A_243 : i32 to index
        %get3A_245 = arith.index_cast %mul3A_238 : i32 to index
        %get3A_246 = tpu.vector_load %arg9[%get3A_244, %get3A_245] {strides = array<i32>} : memref<4x3136xf32, #tpu.memory_space<vmem>>, vector<16xf32>,
        %add3A_247 = arith.addf %get3A_242, %get3A_246 : vector<16xf32>
        %get3A_248 = arith.constant 2 : i32
        %get3A_249 = arith.index_cast %get3A_248 : i32 to index
        %get3A_250 = arith.index_cast %mul3A_238 : i32 to index
        %get3A_251 = tpu.vector_load %arg9[%get3A_249, %get3A_250] {strides = array<i32>} : memref<4x3136xf32, #tpu.memory_space<vmem>>, vector<16xf32>,
        %get3A_252 = arith.constant 3 : i32
        %get3A_253 = arith.index_cast %get3A_252 : i32 to index
        %get3A_254 = arith.index_cast %mul3A_238 : i32 to index
        %get3A_255 = tpu.vector_load %arg9[%get3A_253, %get3A_254] {strides = array<i32>} : memref<4x3136xf32, #tpu.memory_space<vmem>>, vector<16xf32>,
        %add3A_256 = arith.addf %get3A_251, %get3A_255 : vector<16xf32>
        %add3A_257 = arith.addf %add3A_247, %add3A_256 : vector<16xf32>
        %get3A_258 = arith.index_cast %mul3A_238 : i32 to index
        %get3A_259 = tpu.vector_load %arg10[%get3A_258] {strides = array<i32>} : memref<3136xf32, #tpu.memory_space<vmem>>, vector<16xf32>,
        %add3A_260 = arith.addf %add3A_257, %get3A_259 : vector<16xf32>
        %swap3A_261 = arith.index_cast %mul3A_238 : i32 to index
        %swap3A_262 = tpu.vector_load %arg10[%swap3A_261] {strides = array<i32>} : memref<3136xf32, #tpu.memory_space<vmem>>, vector<16xf32>,
        tpu.vector_store %arg10[%swap3A_261], %add3A_260 {strides = array<i32>} : memref<3136xf32, #tpu.memory_space<vmem>>, vector<16xf32>,
        %mul3A_263 = arith.constant 4 : i32
        %mul3A_264 = arith.muli %scan3A_203, %mul3A_263 : i32
        %add3A_265 = arith.constant 2 : i32
        %add3A_266 = arith.addi %mul3A_264, %add3A_265 : i32
        %mul3A_267 = arith.constant 16 : i32
        %mul3A_268 = arith.muli %add3A_266, %mul3A_267 : i32
        %get3A_269 = arith.constant 0 : i32
        %get3A_270 = arith.index_cast %get3A_269 : i32 to index
        %get3A_271 = arith.index_cast %mul3A_268 : i32 to index
        %get3A_272 = tpu.vector_load %arg9[%get3A_270, %get3A_271] {strides = array<i32>} : memref<4x3136xf32, #tpu.memory_space<vmem>>, vector<16xf32>,
        %get3A_273 = arith.constant 1 : i32
        %get3A_274 = arith.index_cast %get3A_273 : i32 to index
        %get3A_275 = arith.index_cast %mul3A_268 : i32 to index
        %get3A_276 = tpu.vector_load %arg9[%get3A_274, %get3A_275] {strides = array<i32>} : memref<4x3136xf32, #tpu.memory_space<vmem>>, vector<16xf32>,
        %add3A_277 = arith.addf %get3A_272, %get3A_276 : vector<16xf32>
        %get3A_278 = arith.constant 2 : i32
        %get3A_279 = arith.index_cast %get3A_278 : i32 to index
        %get3A_280 = arith.index_cast %mul3A_268 : i32 to index
        %get3A_281 = tpu.vector_load %arg9[%get3A_279, %get3A_280] {strides = array<i32>} : memref<4x3136xf32, #tpu.memory_space<vmem>>, vector<16xf32>,
        %get3A_282 = arith.constant 3 : i32
        %get3A_283 = arith.index_cast %get3A_282 : i32 to index
        %get3A_284 = arith.index_cast %mul3A_268 : i32 to index
        %get3A_285 = tpu.vector_load %arg9[%get3A_283, %get3A_284] {strides = array<i32>} : memref<4x3136xf32, #tpu.memory_space<vmem>>, vector<16xf32>,
        %add3A_286 = arith.addf %get3A_281, %get3A_285 : vector<16xf32>
        %add3A_287 = arith.addf %add3A_277, %add3A_286 : vector<16xf32>
        %get3A_288 = arith.index_cast %mul3A_268 : i32 to index
        %get3A_289 = tpu.vector_load %arg10[%get3A_288] {strides = array<i32>} : memref<3136xf32, #tpu.memory_space<vmem>>, vector<16xf32>,
        %add3A_290 = arith.addf %add3A_287, %get3A_289 : vector<16xf32>
        %swap3A_291 = arith.index_cast %mul3A_268 : i32 to index
        %swap3A_292 = tpu.vector_load %arg10[%swap3A_291] {strides = array<i32>} : memref<3136xf32, #tpu.memory_space<vmem>>, vector<16xf32>,
        tpu.vector_store %arg10[%swap3A_291], %add3A_290 {strides = array<i32>} : memref<3136xf32, #tpu.memory_space<vmem>>, vector<16xf32>,
        %mul3A_293 = arith.constant 4 : i32
        %mul3A_294 = arith.muli %scan3A_203, %mul3A_293 : i32
        %add3A_295 = arith.constant 3 : i32
        %add3A_296 = arith.addi %mul3A_294, %add3A_295 : i32
        %mul3A_297 = arith.constant 16 : i32
        %mul3A_298 = arith.muli %add3A_296, %mul3A_297 : i32
        %get3A_299 = arith.constant 0 : i32
        %get3A_300 = arith.index_cast %get3A_299 : i32 to index
        %get3A_301 = arith.index_cast %mul3A_298 : i32 to index
        %get3A_302 = tpu.vector_load %arg9[%get3A_300, %get3A_301] {strides = array<i32>} : memref<4x3136xf32, #tpu.memory_space<vmem>>, vector<16xf32>,
        %get3A_303 = arith.constant 1 : i32
        %get3A_304 = arith.index_cast %get3A_303 : i32 to index
        %get3A_305 = arith.index_cast %mul3A_298 : i32 to index
        %get3A_306 = tpu.vector_load %arg9[%get3A_304, %get3A_305] {strides = array<i32>} : memref<4x3136xf32, #tpu.memory_space<vmem>>, vector<16xf32>,
        %add3A_307 = arith.addf %get3A_302, %get3A_306 : vector<16xf32>
        %get3A_308 = arith.constant 2 : i32
        %get3A_309 = arith.index_cast %get3A_308 : i32 to index
        %get3A_310 = arith.index_cast %mul3A_298 : i32 to index
        %get3A_311 = tpu.vector_load %arg9[%get3A_309, %get3A_310] {strides = array<i32>} : memref<4x3136xf32, #tpu.memory_space<vmem>>, vector<16xf32>,
        %get3A_312 = arith.constant 3 : i32
        %get3A_313 = arith.index_cast %get3A_312 : i32 to index
        %get3A_314 = arith.index_cast %mul3A_298 : i32 to index
        %get3A_315 = tpu.vector_load %arg9[%get3A_313, %get3A_314] {strides = array<i32>} : memref<4x3136xf32, #tpu.memory_space<vmem>>, vector<16xf32>,
        %add3A_316 = arith.addf %get3A_311, %get3A_315 : vector<16xf32>
        %add3A_317 = arith.addf %add3A_307, %add3A_316 : vector<16xf32>
        %get3A_318 = arith.index_cast %mul3A_298 : i32 to index
        %get3A_319 = tpu.vector_load %arg10[%get3A_318] {strides = array<i32>} : memref<3136xf32, #tpu.memory_space<vmem>>, vector<16xf32>,
        %add3A_320 = arith.addf %add3A_317, %get3A_319 : vector<16xf32>
        %swap3A_321 = arith.index_cast %mul3A_298 : i32 to index
        %swap3A_322 = tpu.vector_load %arg10[%swap3A_321] {strides = array<i32>} : memref<3136xf32, #tpu.memory_space<vmem>>, vector<16xf32>,
        tpu.vector_store %arg10[%swap3A_321], %add3A_320 {strides = array<i32>} : memref<3136xf32, #tpu.memory_space<vmem>>, vector<16xf32>,
        %scan3A_323 = arith.constant 0 : i32
        scf.yield %scan3A_323 : i32
      }
      %scan3A_191 = arith.constant 49 : i32
      %scan3A_192 = arith.constant 0 : i32
      %scan3A_193 = arith.constant 0 : i32
      %scan3A_194 = arith.constant 49 : i32
      %scan3A_195 = arith.addi %scan3A_193, %scan3A_194 : i32
      %scan3A_196 = arith.constant 1 : i32
      %scan3A_197 = scf.for %scan3A_203 = %scan3A_193 to %scan3A_195 step %scan3A_196 iter_args(%scan3A_204 = %scan3A_192) -> (i32)  : i32 {
        %mul3A_205 = arith.constant 4 : i32
        %mul3A_206 = arith.muli %scan3A_203, %mul3A_205 : i32
        %add3A_207 = arith.constant 0 : i32
        %add3A_208 = arith.addi %mul3A_206, %add3A_207 : i32
        %mul3A_209 = arith.constant 16 : i32
        %mul3A_210 = arith.muli %add3A_208, %mul3A_209 : i32
        %get3A = arith.index_cast %mul3A_210 : i32 to index
        %get3A_211 = tpu.vector_load %arg10[%get3A] {strides = array<i32>} : memref<3136xf32, #tpu.memory_space<vmem>>, vector<16xf32>,
        %add3A_212 = arith.addi %mul3A_0, %mul3A_210 : i32
        %get3A_213 = arith.index_cast %add3A_212 : i32 to index
        %get3A_214 = tpu.vector_load %arg6[%get3A_213] {strides = array<i32>} : memref<50176xf32, #tpu.memory_space<vmem>>, vector<16xf32>,
        %add3A_215 = arith.addf %get3A_211, %get3A_214 : vector<16xf32>
        %swap3A = arith.index_cast %mul3A_210 : i32 to index
        %swap3A_216 = tpu.vector_load %arg10[%swap3A] {strides = array<i32>} : memref<3136xf32, #tpu.memory_space<vmem>>, vector<16xf32>,
        tpu.vector_store %arg10[%swap3A], %add3A_215 {strides = array<i32>} : memref<3136xf32, #tpu.memory_space<vmem>>, vector<16xf32>,
        %get3A_217 = arith.index_cast %mul3A_210 : i32 to index
        %get3A_218 = tpu.vector_load %arg12[%get3A_217] {strides = array<i32>} : memref<3136xf32, #tpu.memory_space<vmem>>, vector<16xf32>,
        %mul3A_219 = arith.mulf %add3A_215, %get3A_218 : vector<16xf32>
        %swap3A_220 = arith.index_cast %mul3A_210 : i32 to index
        %swap3A_221 = tpu.vector_load %arg11[%swap3A_220] {strides = array<i32>} : memref<3136xf32, #tpu.memory_space<vmem>>, vector<16xf32>,
        tpu.vector_store %arg11[%swap3A_220], %mul3A_219 {strides = array<i32>} : memref<3136xf32, #tpu.memory_space<vmem>>, vector<16xf32>,
        %mul3A_222 = arith.constant 4 : i32
        %mul3A_223 = arith.muli %scan3A_203, %mul3A_222 : i32
        %add3A_224 = arith.constant 1 : i32
        %add3A_225 = arith.addi %mul3A_223, %add3A_224 : i32
        %mul3A_226 = arith.constant 16 : i32
        %mul3A_227 = arith.muli %add3A_225, %mul3A_226 : i32
        %get3A_228 = arith.index_cast %mul3A_227 : i32 to index
        %get3A_229 = tpu.vector_load %arg10[%get3A_228] {strides = array<i32>} : memref<3136xf32, #tpu.memory_space<vmem>>, vector<16xf32>,
        %add3A_230 = arith.addi %mul3A_0, %mul3A_227 : i32
        %get3A_231 = arith.index_cast %add3A_230 : i32 to index
        %get3A_232 = tpu.vector_load %arg6[%get3A_231] {strides = array<i32>} : memref<50176xf32, #tpu.memory_space<vmem>>, vector<16xf32>,
        %add3A_233 = arith.addf %get3A_229, %get3A_232 : vector<16xf32>
        %swap3A_234 = arith.index_cast %mul3A_227 : i32 to index
        %swap3A_235 = tpu.vector_load %arg10[%swap3A_234] {strides = array<i32>} : memref<3136xf32, #tpu.memory_space<vmem>>, vector<16xf32>,
        tpu.vector_store %arg10[%swap3A_234], %add3A_233 {strides = array<i32>} : memref<3136xf32, #tpu.memory_space<vmem>>, vector<16xf32>,
        %get3A_236 = arith.index_cast %mul3A_227 : i32 to index
        %get3A_237 = tpu.vector_load %arg12[%get3A_236] {strides = array<i32>} : memref<3136xf32, #tpu.memory_space<vmem>>, vector<16xf32>,
        %mul3A_238 = arith.mulf %add3A_233, %get3A_237 : vector<16xf32>
        %swap3A_239 = arith.index_cast %mul3A_227 : i32 to index
        %swap3A_240 = tpu.vector_load %arg11[%swap3A_239] {strides = array<i32>} : memref<3136xf32, #tpu.memory_space<vmem>>, vector<16xf32>,
        tpu.vector_store %arg11[%swap3A_239], %mul3A_238 {strides = array<i32>} : memref<3136xf32, #tpu.memory_space<vmem>>, vector<16xf32>,
        %mul3A_241 = arith.constant 4 : i32
        %mul3A_242 = arith.muli %scan3A_203, %mul3A_241 : i32
        %add3A_243 = arith.constant 2 : i32
        %add3A_244 = arith.addi %mul3A_242, %add3A_243 : i32
        %mul3A_245 = arith.constant 16 : i32
        %mul3A_246 = arith.muli %add3A_244, %mul3A_245 : i32
        %get3A_247 = arith.index_cast %mul3A_246 : i32 to index
        %get3A_248 = tpu.vector_load %arg10[%get3A_247] {strides = array<i32>} : memref<3136xf32, #tpu.memory_space<vmem>>, vector<16xf32>,
        %add3A_249 = arith.addi %mul3A_0, %mul3A_246 : i32
        %get3A_250 = arith.index_cast %add3A_249 : i32 to index
        %get3A_251 = tpu.vector_load %arg6[%get3A_250] {strides = array<i32>} : memref<50176xf32, #tpu.memory_space<vmem>>, vector<16xf32>,
        %add3A_252 = arith.addf %get3A_248, %get3A_251 : vector<16xf32>
        %swap3A_253 = arith.index_cast %mul3A_246 : i32 to index
        %swap3A_254 = tpu.vector_load %arg10[%swap3A_253] {strides = array<i32>} : memref<3136xf32, #tpu.memory_space<vmem>>, vector<16xf32>,
        tpu.vector_store %arg10[%swap3A_253], %add3A_252 {strides = array<i32>} : memref<3136xf32, #tpu.memory_space<vmem>>, vector<16xf32>,
        %get3A_255 = arith.index_cast %mul3A_246 : i32 to index
        %get3A_256 = tpu.vector_load %arg12[%get3A_255] {strides = array<i32>} : memref<3136xf32, #tpu.memory_space<vmem>>, vector<16xf32>,
        %mul3A_257 = arith.mulf %add3A_252, %get3A_256 : vector<16xf32>
        %swap3A_258 = arith.index_cast %mul3A_246 : i32 to index
        %swap3A_259 = tpu.vector_load %arg11[%swap3A_258] {strides = array<i32>} : memref<3136xf32, #tpu.memory_space<vmem>>, vector<16xf32>,
        tpu.vector_store %arg11[%swap3A_258], %mul3A_257 {strides = array<i32>} : memref<3136xf32, #tpu.memory_space<vmem>>, vector<16xf32>,
        %mul3A_260 = arith.constant 4 : i32
        %mul3A_261 = arith.muli %scan3A_203, %mul3A_260 : i32
        %add3A_262 = arith.constant 3 : i32
        %add3A_263 = arith.addi %mul3A_261, %add3A_262 : i32
        %mul3A_264 = arith.constant 16 : i32
        %mul3A_265 = arith.muli %add3A_263, %mul3A_264 : i32
        %get3A_266 = arith.index_cast %mul3A_265 : i32 to index
        %get3A_267 = tpu.vector_load %arg10[%get3A_266] {strides = array<i32>} : memref<3136xf32, #tpu.memory_space<vmem>>, vector<16xf32>,
        %add3A_268 = arith.addi %mul3A_0, %mul3A_265 : i32
        %get3A_269 = arith.index_cast %add3A_268 : i32 to index
        %get3A_270 = tpu.vector_load %arg6[%get3A_269] {strides = array<i32>} : memref<50176xf32, #tpu.memory_space<vmem>>, vector<16xf32>,
        %add3A_271 = arith.addf %get3A_267, %get3A_270 : vector<16xf32>
        %swap3A_272 = arith.index_cast %mul3A_265 : i32 to index
        %swap3A_273 = tpu.vector_load %arg10[%swap3A_272] {strides = array<i32>} : memref<3136xf32, #tpu.memory_space<vmem>>, vector<16xf32>,
        tpu.vector_store %arg10[%swap3A_272], %add3A_271 {strides = array<i32>} : memref<3136xf32, #tpu.memory_space<vmem>>, vector<16xf32>,
        %get3A_274 = arith.index_cast %mul3A_265 : i32 to index
        %get3A_275 = tpu.vector_load %arg12[%get3A_274] {strides = array<i32>} : memref<3136xf32, #tpu.memory_space<vmem>>, vector<16xf32>,
        %mul3A_276 = arith.mulf %add3A_271, %get3A_275 : vector<16xf32>
        %swap3A_277 = arith.index_cast %mul3A_265 : i32 to index
        %swap3A_278 = tpu.vector_load %arg11[%swap3A_277] {strides = array<i32>} : memref<3136xf32, #tpu.memory_space<vmem>>, vector<16xf32>,
        tpu.vector_store %arg11[%swap3A_277], %mul3A_276 {strides = array<i32>} : memref<3136xf32, #tpu.memory_space<vmem>>, vector<16xf32>,
        %scan3A_279 = arith.constant 0 : i32
        scf.yield %scan3A_279 : i32
      }
      %scan3A_198 = arith.constant 49 : i32
      %eq3A = arith.constant 0 : i32
      %eq3A_199 = arith.cmpi eq, %arg0, %eq3A : i32
      %convert_element_type3A = arith.extui %eq3A_199 : i1 to i32
      %cond3A = arith.constant 0 : i32
      %cond3A_200 = arith.cmpi ne, %convert_element_type3A, %cond3A : i32
      scf.if %cond3A_200 {
        "tpu.region"() ({
          %run_scoped3A = tpu.sem_alloc : memref<!tpu.dma_semaphore, #tpu.memory_space<semaphore_mem>>
          %dma_start3A_203 = tpu.memref_slice %arg3[%scan3A_103, %mul3A_0] : memref<16x50176xf32, #tpu.memory_space<hbm>> -> memref<1x3136xf32, #tpu.memory_space<hbm>>
          %dma_start3A_204 = tpu.memref_squeeze %dma_start3A_203 : memref<1x3136xf32, #tpu.memory_space<hbm>> -> memref<3136xf32, #tpu.memory_space<hbm>>
          %dma_start3A_205 = tpu.memref_slice %arg3[%scan3A_103, %mul3A_0] : memref<16x50176xf32, #tpu.memory_space<hbm>> -> memref<1x3136xf32, #tpu.memory_space<hbm>>
          %dma_start3A_206 = tpu.memref_squeeze %dma_start3A_205 : memref<1x3136xf32, #tpu.memory_space<hbm>> -> memref<3136xf32, #tpu.memory_space<hbm>>
          tpu.enqueue_dma source(%arg10 : memref<3136xf32, #tpu.memory_space<vmem>>) target(%dma_start3A_206 : memref<3136xf32, #tpu.memory_space<hbm>>) target_semaphore(%run_scoped3A : memref<!tpu.dma_semaphore, #tpu.memory_space<semaphore_mem>>)
          %dma_wait3A_207 = tpu.memref_slice %arg3[%scan3A_103, %mul3A_0] : memref<16x50176xf32, #tpu.memory_space<hbm>> -> memref<1x3136xf32, #tpu.memory_space<hbm>>
          %dma_wait3A_208 = tpu.memref_squeeze %dma_wait3A_207 : memref<1x3136xf32, #tpu.memory_space<hbm>> -> memref<3136xf32, #tpu.memory_space<hbm>>
          %dma_wait3A_209 = tpu.memref_slice %arg3[%scan3A_103, %mul3A_0] : memref<16x50176xf32, #tpu.memory_space<hbm>> -> memref<1x3136xf32, #tpu.memory_space<hbm>>
          %dma_wait3A_210 = tpu.memref_squeeze %dma_wait3A_209 : memref<1x3136xf32, #tpu.memory_space<hbm>> -> memref<3136xf32, #tpu.memory_space<hbm>>
          tpu.wait_dma2 semaphore(%run_scoped3A : memref<!tpu.dma_semaphore, #tpu.memory_space<semaphore_mem>>) src(%arg10 : memref<3136xf32, #tpu.memory_space<vmem>>) dst(%dma_wait3A_210 : memref<3136xf32, #tpu.memory_space<hbm>>)
          tpu.yield
        }) : () -> ()
      } else {
      }
      "tpu.region"() ({
        %run_scoped3A = tpu.sem_alloc : memref<!tpu.dma_semaphore, #tpu.memory_space<semaphore_mem>>
        %dma_start3A_203 = tpu.memref_slice %arg5[%arg0, %mul3A_0] : memref<2x50176xf32, #tpu.memory_space<hbm>> -> memref<1x3136xf32, #tpu.memory_space<hbm>>
        %dma_start3A_204 = tpu.memref_squeeze %dma_start3A_203 : memref<1x3136xf32, #tpu.memory_space<hbm>> -> memref<3136xf32, #tpu.memory_space<hbm>>
        %dma_start3A_205 = tpu.memref_slice %arg5[%arg0, %mul3A_0] : memref<2x50176xf32, #tpu.memory_space<hbm>> -> memref<1x3136xf32, #tpu.memory_space<hbm>>
        %dma_start3A_206 = tpu.memref_squeeze %dma_start3A_205 : memref<1x3136xf32, #tpu.memory_space<hbm>> -> memref<3136xf32, #tpu.memory_space<hbm>>
        tpu.enqueue_dma source(%arg11 : memref<3136xf32, #tpu.memory_space<vmem>>) target(%dma_start3A_206 : memref<3136xf32, #tpu.memory_space<hbm>>) target_semaphore(%run_scoped3A : memref<!tpu.dma_semaphore, #tpu.memory_space<semaphore_mem>>)
        %dma_wait3A_207 = tpu.memref_slice %arg5[%arg0, %mul3A_0] : memref<2x50176xf32, #tpu.memory_space<hbm>> -> memref<1x3136xf32, #tpu.memory_space<hbm>>
        %dma_wait3A_208 = tpu.memref_squeeze %dma_wait3A_207 : memref<1x3136xf32, #tpu.memory_space<hbm>> -> memref<3136xf32, #tpu.memory_space<hbm>>
        %dma_wait3A_209 = tpu.memref_slice %arg5[%arg0, %mul3A_0] : memref<2x50176xf32, #tpu.memory_space<hbm>> -> memref<1x3136xf32, #tpu.memory_space<hbm>>
        %dma_wait3A_210 = tpu.memref_squeeze %dma_wait3A_209 : memref<1x3136xf32, #tpu.memory_space<hbm>> -> memref<3136xf32, #tpu.memory_space<hbm>>
        tpu.wait_dma2 semaphore(%run_scoped3A : memref<!tpu.dma_semaphore, #tpu.memory_space<semaphore_mem>>) src(%arg11 : memref<3136xf32, #tpu.memory_space<vmem>>) dst(%dma_wait3A_210 : memref<3136xf32, #tpu.memory_space<hbm>>)
        tpu.yield
      }) : () -> ()
      %barrier3A_201 = arith.constant 0 : index
      tpu.barrier barrier_id(%barrier3A_201)
      "tpu.region"() ({
        %run_scoped3A = tpu.sem_alloc : memref<!tpu.dma_semaphore, #tpu.memory_space<semaphore_mem>>
        %dma_start3A_203 = arith.constant 0 : i32
        %dma_start3A_204 = tpu.memref_slice %arg5[%arg0, %dma_start3A_203] : memref<2x50176xf32, #tpu.memory_space<hbm>> -> memref<1x50176xf32, #tpu.memory_space<hbm>>
        %dma_start3A_205 = tpu.memref_squeeze %dma_start3A_204 : memref<1x50176xf32, #tpu.memory_space<hbm>> -> memref<50176xf32, #tpu.memory_space<hbm>>
        %dma_start3A_206 = arith.constant 0 : i32
        %dma_start3A_207 = tpu.memref_slice %arg5[%arg0, %dma_start3A_206] : memref<2x50176xf32, #tpu.memory_space<hbm>> -> memref<1x50176xf32, #tpu.memory_space<hbm>>
        %dma_start3A_208 = tpu.memref_squeeze %dma_start3A_207 : memref<1x50176xf32, #tpu.memory_space<hbm>> -> memref<50176xf32, #tpu.memory_space<hbm>>
        tpu.enqueue_dma source(%dma_start3A_208 : memref<50176xf32, #tpu.memory_space<hbm>>) target(%arg6 : memref<50176xf32, #tpu.memory_space<vmem>>) target_semaphore(%run_scoped3A : memref<!tpu.dma_semaphore, #tpu.memory_space<semaphore_mem>>)
        %dma_wait3A_209 = arith.constant 0 : i32
        %dma_wait3A_210 = tpu.memref_slice %arg5[%arg0, %dma_wait3A_209] : memref<2x50176xf32, #tpu.memory_space<hbm>> -> memref<1x50176xf32, #tpu.memory_space<hbm>>
        %dma_wait3A_211 = tpu.memref_squeeze %dma_wait3A_210 : memref<1x50176xf32, #tpu.memory_space<hbm>> -> memref<50176xf32, #tpu.memory_space<hbm>>
        %dma_wait3A_212 = arith.constant 0 : i32
        %dma_wait3A_213 = tpu.memref_slice %arg5[%arg0, %dma_wait3A_212] : memref<2x50176xf32, #tpu.memory_space<hbm>> -> memref<1x50176xf32, #tpu.memory_space<hbm>>
        %dma_wait3A_214 = tpu.memref_squeeze %dma_wait3A_213 : memref<1x50176xf32, #tpu.memory_space<hbm>> -> memref<50176xf32, #tpu.memory_space<hbm>>
        tpu.wait_dma2 semaphore(%run_scoped3A : memref<!tpu.dma_semaphore, #tpu.memory_space<semaphore_mem>>) src(%dma_wait3A_214 : memref<50176xf32, #tpu.memory_space<hbm>>) dst(%arg6 : memref<50176xf32, #tpu.memory_space<vmem>>)
        tpu.yield
      }) : () -> ()
      %scan3A_202 = arith.constant 0 : i32
      scf.yield %scan3A_202 : i32
    }
    %scan3A_102 = arith.constant 16 : i32
    return
  }
}

module attributes {stable_mosaic.version = 14 : i64} {
  func.func @_mlp_body(%arg0: i32, %arg1: memref<16x6272xf32, #tpu.memory_space<vmem>>, %arg2: memref<16x64xf32, #tpu.memory_space<vmem>>, %arg3: memref<1x64xf32, #tpu.memory_space<vmem>>, %arg4: memref<64x64xf32, #tpu.memory_space<vmem>>, %arg5: memref<1x64xf32, #tpu.memory_space<vmem>>, %arg6: memref<6272x64xf32, #tpu.memory_space<vmem>>) attributes {dimension_semantics = [#tpu.dimension_semantics<arbitrary>], iteration_bounds = array<i64: 8>, scalar_prefetch = 0 : i64, scratch_operands = 0 : i64, tpu.core_type = #tpu.core_type<tc>, window_params = [{transform_indices = @transform_0, window_bounds = array<i64: 16, 6272>}, {pipeline_mode = #tpu.pipeline_mode<synchronous>, transform_indices = @transform_1, window_bounds = array<i64: 16, 64>}, {pipeline_mode = #tpu.pipeline_mode<synchronous>, transform_indices = @transform_2, window_bounds = array<i64: 1, 64>}, {pipeline_mode = #tpu.pipeline_mode<synchronous>, transform_indices = @transform_3, window_bounds = array<i64: 64, 64>}, {pipeline_mode = #tpu.pipeline_mode<synchronous>, transform_indices = @transform_4, window_bounds = array<i64: 1, 64>}, {transform_indices = @transform_5, window_bounds = array<i64: 6272, 64>}]} {
    %get3A = arith.constant 0 : index
    %get3A_0 = arith.constant 0 : index
    %get3A_1 = vector.load %arg1[%get3A, %get3A_0] : memref<16x6272xf32, #tpu.memory_space<vmem>>, vector<16x6272xf32>
    %get3A_2 = arith.constant 0 : index
    %get3A_3 = arith.constant 0 : index
    %get3A_4 = vector.load %arg2[%get3A_2, %get3A_3] : memref<16x64xf32, #tpu.memory_space<vmem>>, vector<16x64xf32>
    %dot_general3A = arith.constant dense<0.000000e+00> : vector<6272x64xf32>
    %dot_general3A_5 = tpu.matmul %get3A_1, %get3A_4, %dot_general3A {dimension_numbers = #tpu.dot_dimension_numbers<[0], [0], [1], [1], [0, 1, 1, 1], [], []>, precision = #tpu.contract_precision<fp32>, transpose_lhs_hint = false} : vector<16x6272xf32>, vector<16x64xf32>, vector<6272x64xf32> -> vector<6272x64xf32>
    %get3A_6 = arith.constant 0 : index
    %get3A_7 = arith.constant 0 : index
    %get3A_8 = vector.load %arg3[%get3A_6, %get3A_7] : memref<1x64xf32, #tpu.memory_space<vmem>>, vector<1x64xf32>
    %add3A = vector.broadcast %get3A_8 : vector<1x64xf32> to vector<6272x64xf32>
    %add3A_9 = arith.addf %dot_general3A_5, %add3A : vector<6272x64xf32>
    %max3A = arith.constant 0.000000e+00 : f32
    %max3A_10 = vector.broadcast %max3A : f32 to vector<6272x64xf32>
    %max3A_11 = arith.maximumf %add3A_9, %max3A_10 : vector<6272x64xf32>
    %get3A_12 = arith.constant 0 : index
    %get3A_13 = arith.constant 0 : index
    %get3A_14 = vector.load %arg4[%get3A_12, %get3A_13] : memref<64x64xf32, #tpu.memory_space<vmem>>, vector<64x64xf32>
    %dot_general3A_15 = arith.constant dense<0.000000e+00> : vector<6272x64xf32>
    %dot_general3A_16 = tpu.matmul %max3A_11, %get3A_14, %dot_general3A_15 {dimension_numbers = #tpu.dot_dimension_numbers<[1], [0], [0], [1], [0, 0, 1, 1], [], []>, precision = #tpu.contract_precision<fp32>, transpose_lhs_hint = false} : vector<6272x64xf32>, vector<64x64xf32>, vector<6272x64xf32> -> vector<6272x64xf32>
    %get3A_17 = arith.constant 0 : index
    %get3A_18 = arith.constant 0 : index
    %get3A_19 = vector.load %arg5[%get3A_17, %get3A_18] : memref<1x64xf32, #tpu.memory_space<vmem>>, vector<1x64xf32>
    %add3A_20 = vector.broadcast %get3A_19 : vector<1x64xf32> to vector<6272x64xf32>
    %add3A_21 = arith.addf %dot_general3A_16, %add3A_20 : vector<6272x64xf32>
    %swap3A = arith.constant 0 : index
    %swap3A_22 = arith.constant 0 : index
    %swap3A_23 = vector.load %arg6[%swap3A, %swap3A_22] : memref<6272x64xf32, #tpu.memory_space<vmem>>, vector<6272x64xf32>
    tpu.vector_store %arg6[%swap3A, %swap3A_22], %add3A_21 {strides = array<i32>} : memref<6272x64xf32, #tpu.memory_space<vmem>>, vector<6272x64xf32>,
    return
  }
  func.func @transform_0(%arg0: i32) -> (i32, i32) {
    %c0_i32 = arith.constant 0 : i32
    %c0_i32_0 = arith.constant 0 : i32
    return %c0_i32, %arg0 : i32, i32
  }
  func.func @transform_1(%arg0: i32) -> (i32, i32) {
    %c0_i32 = arith.constant 0 : i32
    %c0_i32_0 = arith.constant 0 : i32
    %c0_i32_1 = arith.constant 0 : i32
    return %c0_i32, %c0_i32_0 : i32, i32
  }
  func.func @transform_2(%arg0: i32) -> (i32, i32) {
    %c0_i32 = arith.constant 0 : i32
    %c0_i32_0 = arith.constant 0 : i32
    %c0_i32_1 = arith.constant 0 : i32
    return %c0_i32, %c0_i32_0 : i32, i32
  }
  func.func @transform_3(%arg0: i32) -> (i32, i32) {
    %c0_i32 = arith.constant 0 : i32
    %c0_i32_0 = arith.constant 0 : i32
    %c0_i32_1 = arith.constant 0 : i32
    return %c0_i32, %c0_i32_0 : i32, i32
  }
  func.func @transform_4(%arg0: i32) -> (i32, i32) {
    %c0_i32 = arith.constant 0 : i32
    %c0_i32_0 = arith.constant 0 : i32
    %c0_i32_1 = arith.constant 0 : i32
    return %c0_i32, %c0_i32_0 : i32, i32
  }
  func.func @transform_5(%arg0: i32) -> (i32, i32) {
    %c0_i32 = arith.constant 0 : i32
    %c0_i32_0 = arith.constant 0 : i32
    return %arg0, %c0_i32 : i32, i32
  }
}

module attributes {stable_mosaic.version = 14 : i64} {
  func.func @_pack_body(%arg0: memref<12500x128xi32, #tpu.memory_space<vmem>>, %arg1: memref<12500x128xi32, #tpu.memory_space<vmem>>, %arg2: memref<12500x128xi32, #tpu.memory_space<vmem>>) attributes {dimension_semantics = [], scalar_prefetch = 0 : i64, scratch_operands = 0 : i64, tpu.core_type = #tpu.core_type<tc>} {
    %get3A = arith.constant 0 : index
    %get3A_0 = arith.constant 0 : index
    %get3A_1 = vector.load %arg0[%get3A, %get3A_0] : memref<12500x128xi32, #tpu.memory_space<vmem>>, vector<12500x128xi32>
    %get3A_2 = arith.constant 0 : index
    %get3A_3 = arith.constant 0 : index
    %get3A_4 = vector.load %arg1[%get3A_2, %get3A_3] : memref<12500x128xi32, #tpu.memory_space<vmem>>, vector<12500x128xi32>
    %shift_left3A = arith.constant 16 : i32
    %shift_left3A_5 = vector.broadcast %shift_left3A : i32 to vector<12500x128xi32>
    %shift_left3A_6 = arith.shli %get3A_4, %shift_left3A_5 : vector<12500x128xi32>
    %or3A = arith.ori %get3A_1, %shift_left3A_6 : vector<12500x128xi32>
    %swap3A = arith.constant 0 : index
    %swap3A_7 = arith.constant 0 : index
    %swap3A_8 = vector.load %arg2[%swap3A, %swap3A_7] : memref<12500x128xi32, #tpu.memory_space<vmem>>, vector<12500x128xi32>
    tpu.vector_store %arg2[%swap3A, %swap3A_7], %or3A {strides = array<i32>} : memref<12500x128xi32, #tpu.memory_space<vmem>>, vector<12500x128xi32>,
    return
  }
}

</mosaic_0001>

<sc_bundles>
// kernel: kernel.5.cloned.1.call-start
scs
__scs_entry_jumppad:
0x0: {  	(pc) =	sbr.rel $0x88, $3  }
0x1: {  	(tag) =	ssettag $0x0;
	lr =	simm.s32 $0x1  }
0x2: {  	[smem:$0x3F9C] =	sst lr;
	_ =	strace $0xD0000000  }
0x3: {  	_ = 	snop  }
0x4: {  	_ = 	snop  }
0x5: {  	_ = 	snop  }
0x6: {  	_ = 	snop  }
0x7: {  	_ = 	snop  }
__scs_overlays_trampoline_lowered:
0x8: {  	[smem:$0x3FAB] =	sst s0  }
0x9: {  	[smem:$0x3FAC] =	sst s1  }
0xa: {  	[smem:$0x3FAD] =	sst s2  }
0xb: {  	[smem:$0x3FAE] =	sst s3  }
0xc: {  	[smem:$0x3FAF] =	sst s4  }
0xd: {  	[smem:$0x3FB0] =	sst s5  }
0xe: {  	[smem:$0x3FB1] =	sst s6  }
0xf: {  	[smem:$0x3FB2] =	sst s7  }
0x10: {  	[smem:$0x3FB3] =	sst s8  }
0x11: {  	[smem:$0x3FB4] =	sst s9;
	s0 =	simm.s32 @!p0 $0x0  }
0x12: {  	s1 =	sld [smem:$0x3F9A];
	s0 =	simm.s32 @p0 $0x1  }
0x13: {  	[smem:$0x3FB5] =	sst s0;
	s0 =	simm.s32 @!p1 $0x0  }
0x14: {  	s2 =	sld [smem:$0x3F99];
	s0 =	simm.s32 @p1 $0x1  }
0x15: {  	[smem:$0x3FB6] =	sst s0;
	s0 =	simm.s32 @!p2 $0x0  }
0x16: {  	s3 =	sld [smem:$0x3FDB];
	s0 =	simm.s32 @p2 $0x1  }
0x17: {  	s4 =	simm.s32 $0x1BF5;
	[smem:$0x3FB8] =	sst s0  }
0x18: {  	s0 =	sld [smem:$0x3F9B];
	_ =	swait.ge [sflag:s4], $0x0  }
0x19: {  	s7 =	sld [smem:$0x3F9C]  }
0x1a: {  	s8 =	sadd.s32 $0xFFFFE003, lr  }
0x1b: {  	s9 =	sadd.s32 $0xFFFFFEF7, lr;
	s5 =	simm.s32 $0xFFFFFFFF;
	p2 =	slt.u32 s8, $0xFFFFF086  }
0x1c: {  	p1 =	slt.u32 s9, $0xF7A;
	s5 =	simm.s32 @!p2 $0x0  }
0x1d: {  	s5 =	simm.s32 @p1 $0x1;
	p0 =	seq.s32 s7, s2  }
0x1e: {  	s7 =	smul.u32 @!p0 $0xF7A, s2;
	p2 =	seq.s32 @!p0 s5, $0x0  }
0x1f: {  	s9 =	smul.u32 $0xF7A, s1;
	s8 =	simm.s32 @!p0 $0x1BF5;
	p2 =	por !p2, p0  }
0x20: {  	[sflag:s8] =	ssyncset.s32 @!p0 $0xFFFFF086;
	s6 =	sadd.s32 @!p0 s3, s7;
	s7 =	simm.s32 @!p0 $0x108  }
0x21: {  	s3 =	sadd.s32 s3, s9;
	s6 =	sadd.s32 @!p0 $0x88, s6;
	s7 =	simm.s32 @p2 $0x1082  }
0x22: {  	[simem:s7], [sflag:s8] =	dma.local @!p0 [hbm:s6], $0xF7A  }
0x23: {  	s9 =	sor.u32 $0xD0000000, s2;
	s6 =	simm.s32 $0x108;
	_ =	swait.ge @!p0 [sflag:s8], $0x0  }
0x24: {  	s3 =	sadd.s32 $0x88, s3;
	s6 =	simm.s32 @!p1 $0x1082;
	[sflag:s4] =	ssyncset.s32 $0xFFFFF086  }
0x25: {  	[simem:s6], [sflag:s4] =	dma.local [hbm:s3], $0xF7A  }
0x26: {  	[smem:$0x3F9C] =	sst s1;
	(tag) =	ssettag s2;
	_ =	strace s9  }
0x27: {  	s1 =	sld [smem:$0x3FAC]  }
0x28: {  	s2 =	sld [smem:$0x3FAD]  }
0x29: {  	s4 =	sld [smem:$0x3FAF]  }
0x2a: {  	p0 =	seq.s32 s5, $0x0;
	s5 =	sld [smem:$0x3FB0]  }
0x2b: {  	s6 =	sld [smem:$0x3FB1]  }
0x2c: {  	s7 =	sld [smem:$0x3FB2]  }
0x2d: {  	s3 =	simm.s32 $0x108;
	s8 =	sld [smem:$0x3FB3]  }
0x2e: {  	s3 =	simm.s32 @!p0 $0x1082;
	s9 =	sld [smem:$0x3FB4]  }
0x2f: {  	lr =	sadd.s32 s0, s3;
	s0 =	sld [smem:$0x3FAB]  }
0x30: {  	s3 =	sld [smem:$0x3FAE]  }
0x31: {  	[smem:$0x3FB7] =	sst s10  }
0x32: {  	s10 =	sld [smem:$0x3FB5];
	_ =	sdelay $0x3  }
0x33: {  	p0 =	seq.s32 s10, $0x1;
	s10 =	sld [smem:$0x3FB7];
	_ =	sdelay $0x3  }
0x34: {  	[smem:$0x3FB7] =	sst s10  }
0x35: {  	s10 =	sld [smem:$0x3FB6];
	_ =	sdelay $0x3  }
0x36: {  	p1 =	seq.s32 s10, $0x1;
	s10 =	sld [smem:$0x3FB7];
	_ =	sdelay $0x3  }
0x37: {  	[smem:$0x3FB7] =	sst s10  }
0x38: {  	s10 =	sld [smem:$0x3FB8]  }
0x39: {  	_ = 	snop;
	(pc) =	sbr.ind lr, $3  }
0x3a: {  	_ = 	snop  }
0x3b: {  	_ = 	snop  }
0x3c: {  	p2 =	seq.s32 s10, $0x1;
	s10 =	sld [smem:$0x3FB7]  }
0x3d: {  	_ =	shalt  }
0x3e: {  	_ =	shalt  }
0x3f: {  	_ =	shalt  }
0x40: {  	_ =	shalt  }
0x41: {  	_ =	shalt  }
0x42: {  	_ =	shalt  }
0x43: {  	_ =	shalt  }
0x44: {  	_ =	shalt  }
0x45: {  	_ =	shalt  }
0x46: {  	_ =	shalt  }
0x47: {  	_ =	shalt  }
0x48: {  	_ =	shalt  }
0x49: {  	_ =	shalt  }
0x4a: {  	_ =	shalt  }
0x4b: {  	_ =	shalt  }
0x4c: {  	_ =	shalt  }
0x4d: {  	_ =	shalt  }
0x4e: {  	_ =	shalt  }
0x4f: {  	_ =	shalt  }
0x50: {  	_ =	shalt  }
0x51: {  	_ =	shalt  }
0x52: {  	_ =	shalt  }
0x53: {  	_ =	shalt  }
0x54: {  	_ =	shalt  }
0x55: {  	_ =	shalt  }
0x56: {  	_ =	shalt  }
0x57: {  	_ =	shalt  }
0x58: {  	_ =	shalt  }
0x59: {  	_ =	shalt  }
0x5a: {  	_ =	shalt  }
0x5b: {  	_ =	shalt  }
0x5c: {  	_ =	shalt  }
0x5d: {  	_ =	shalt  }
0x5e: {  	_ =	shalt  }
0x5f: {  	_ =	shalt  }
0x60: {  	_ =	shalt  }
0x61: {  	_ =	shalt  }
0x62: {  	_ =	shalt  }
0x63: {  	_ =	shalt  }
0x64: {  	_ =	shalt  }
0x65: {  	_ =	shalt  }
0x66: {  	_ =	shalt  }
0x67: {  	_ =	shalt  }
0x68: {  	_ =	shalt  }
0x69: {  	_ =	shalt  }
0x6a: {  	_ =	shalt  }
0x6b: {  	_ =	shalt  }
0x6c: {  	_ =	shalt  }
0x6d: {  	_ =	shalt  }
0x6e: {  	_ =	shalt  }
0x6f: {  	_ =	shalt  }
0x70: {  	_ =	shalt  }
0x71: {  	_ =	shalt  }
0x72: {  	_ =	shalt  }
0x73: {  	_ =	shalt  }
0x74: {  	_ =	shalt  }
0x75: {  	_ =	shalt  }
0x76: {  	_ =	shalt  }
0x77: {  	_ =	shalt  }
0x78: {  	_ =	shalt  }
0x79: {  	_ =	shalt  }
0x7a: {  	_ =	shalt  }
0x7b: {  	_ =	shalt  }
0x7c: {  	_ =	shalt  }
0x7d: {  	_ =	shalt  }
0x7e: {  	_ =	shalt  }
0x7f: {  	_ =	shalt  }
0x80: {  	_ =	shalt  }
0x81: {  	_ =	shalt  }
0x82: {  	_ =	shalt  }
0x83: {  	_ =	shalt  }
0x84: {  	_ =	shalt  }
0x85: {  	_ =	shalt  }
0x86: {  	_ =	shalt  }
0x87: {  	_ =	shalt  }
.Lfunc_end0:
.L_simem_size_0:
called_computation_lowered:
.L_overlay_start_0:
0x88: {  	s2 =	sld [smem:$0x3FD9]  }
0x89: {  	s3 =	sld [smem:$0x3FFE];
	_ =	sdelay $0x1  }
0x8a: {  	s1 =	srdreg.scid  }
0x8b: {  	s0 =	sand.u32 $0x1, s1  }
0x8c: {  	s17 =	sshll.u32 s0, $0xA;
	s2 =	sadd.s32 s3, s2  }
0x8d: {  	s2 =	sadd.s32 s2, s17  }
0x8e: {  	[smem:$0x3FC3] =	sst s2  }
0x8f: {  	_ = 	snop  }
0x90: {  	s2 =	sld [smem:$0x3FD0];
	(tm) =	ssettm $0x1  }
0x91: {  	s18 =	sld [smem:$0x3FFB];
	_ =	sdelay $0x3  }
0x92: {  	_ =	strace s18  }
0x93: {  	s3 =	sld [smem:$0x3FFC];
	_ =	sdelay $0x3  }
0x94: {  	_ =	strace s3  }
0x95: {  	s3 =	sld [smem:$0x3FFD];
	_ =	sdelay $0x3  }
0x96: {  	_ =	strace s3  }
0x97: {  	_ =	strace $0x8FFFFFFF  }
0x98: {  	s19 =	sld [smem:$0x3FDB];
	_ =	sdelay $0x1  }
0x99: {  	s4 =	simm.s32 $_scs_section_size  }
0x9a: {  	s5 =	simm.s32 $_size__tile_overlayer_lowered;
	s6 =	simm.s32 $_tile_overlayer_lowered  }
0x9b: {  	s22 =	simm.s32 $0x1BFF;
	s21 =	sshll.u32 s6, $0x1;
	s3 =	sadd.s32 s4, s19  }
0x9c: {  	s7 =	simm.s32 $0x0;
	s20 =	sshll.u32 s5, $0x1;
	s5 =	sadd.s32 s21, s3  }
0x9d: {  	[timem:s7], [sflag:s22] =	dma.local [hbm:s5], s20  }
0x9e: {  	_ =	swait.ge [sflag:s22], s20  }
0x9f: {  	s4 =	ssub.s32 $0x0, s20;
	[sflag:s22] =	ssyncset.done $0x0  }
0xa0: {  	[sflag:s22] =	ssyncadd.s32 s4;
	_ =	sdelay $0x1  }
0xa1: {  	s23 =	simm.s32 $0x1B8B  }
0xa2: {  	_ =	swait.ge [sflag:s23], $0x1  }
0xa3: {  	[sflag:s23] =	ssyncset.done $0x0  }
0xa4: {  	s25 =	simm.s32 $0x1B8E;
	s24 =	sld [smem:$0x3FFE];
	[sflag:s23] =	ssyncadd.s32 $0xFFFFFFFF  }
0xa5: {  	s26 =	simm.s32 $execute0_lowered;
	[smem:$0x3FD2] =	sst s25  }
0xa6: {  	s5 =	sshll.u32 s26, $0x1;
	_ =	strace $0x80000046;
	[dreg:$0x1] =	wrdreg $0xFFFFFFFF  }
0xa7: {  	s28 =	simm.s32 $_size_execute0_lowered;
	s3 =	sadd.s32 s3, s5;
	[dreg:$0x0] =	wrdreg $0x0  }
0xa8: {  	s5 =	sshll.u32 s28, $0x1;
	[dreg:$0x2] =	wrdreg s3  }
0xa9: {  	[dreg:$0x3] =	wrdreg s5  }
0xaa: {  	[dreg:$0x4] =	wrdreg $0xC0  }
0xab: {  	_ =	task [dreg:s7], $0x5FFFF  }
0xac: {  	[dreg:$0x1] =	wrdreg $0xFFFFFFFF  }
0xad: {  	[dreg:$0x0] =	wrdreg $0x60  }
0xae: {  	[dreg:$0x2] =	wrdreg s24  }
0xaf: {  	[dreg:$0x3] =	wrdreg s2  }
0xb0: {  	[dreg:$0x4] =	wrdreg $0x9  }
0xb1: {  	_ =	task.clear_ibuf [dreg:s7], $0x5FFFF;
	_ =	strace $0x90000046  }
0xb2: {  	s29 =	simm.s32 $0x9;
	_ =	strace $0x80000048  }
0xb3: {  	_ =	swait.ge [sflag:s29], $0x1  }
0xb4: {  	[sflag:s29] =	ssyncadd.s32 $0xFFFFFFFF  }
0xb5: {  	_ =	strace $0x90000048  }
0xb6: {  	_ =	sfence  }
0xb7: {  	s30 =	sld [smem:$0x0];
	_ =	sdelay $0x2  }
0xb8: {  	s31 =	sshll.u32 s1, $0xD;
	s1 =	sshrl.u32 s1, $0x2  }
0xb9: {  	s3 =	sand.u32 $0x4000, s31;
	s1 =	sadd.s32 s1, s30  }
0xba: {  	s0 =	sor.u32 s3, s0;
	s1 =	sshll.u32 s1, $0x11  }
0xbb: {  	s0 =	sor.u32 s1, s0  }
0xbc: {  	s0 =	sadd.s32 $0x8F2B, s0  }
0xbd: {  	[sflag:s0] =	ssyncadd.remote.s32 $0x1  }
0xbe: {  	_ =	sfence.sel $0xFFFF  }
0xbf: {  	[dreg:$0x0] =	wrdreg $0xFFFFFFFF;
	(pc) =	sbr.abs _section_cstart, $3  }
0xc0: {  	[dreg:$0x1] =	wrdreg $0xFFFFFFFF  }
0xc1: {  	_ =	task.clear_ibuf [dreg:s7], $0x2FFFF;
	_ =	strace $0x9FFFFFFF  }
0xc2: {  	(tm) =	ssettm $0x7FFFFFFF  }
0xc3: {  	_ =	shalt  }
tec
execute0_lowered:
.L_overlay_start_1:
0x0: {  	(tag) =	ssettag $0x1  }
0x1: {  	s0 =	rddreg [dreg:$0x0]  }
0x2: {  	s1 =	rddreg [dreg:$0x1];
	s2 =	simm.s32 $0x0  }
0x3: {  	s13 =	stileid.u32;
	s5 =	srdreg.scid;
	s19 =	simm.s32 $0x18FD0  }
0x4: {  	s20 =	simm.s32 $0x1;
	s21 =	simm.s32 $0xC400;
	s22 =	simm.s32 $0x2  }
0x5: {  	s23 =	simm.s32 $0x3;
	s28 =	simm.s32 $0x1D4E0;
	s9 =	smul.u32 $0x186A0, s13  }
0x6: {  	s29 =	simm.s32 $0x0;
	s24 =	sand.u32 $0x1, s5;
	s5 =	smul.u32 $0xC40, s13  }
0x7: {  	[smem:$0x7FF] =	sst s2;
	s3 =	sadd.s32 $0xE00, s0;
	s11 =	smul.u32 $0xC400, s13  }
0x8: {  	s4 =	sadd.s32 $0x34E00, s0;
	s0 =	sadd.s32 $0x31C00, s0;
	s18 =	smul.u32 $0x3100, s13  }
0x9: {  	_ =	strace $0x80000047;
	s7 =	ssub.s32 $0x2, s24;
	s10 =	smul.u32 $0xC4000, s24  }
0xa: {  	s16 =	smul.u32 $0xC400, s24;
	p0 =	sne.s32 s24, $0x0;
	s24 =	simm.s32 $0xC40  }
0xb: {  	s6 =	sshrl.u32 s9, $0x3;
	s8 =	sshrl.u32 s7, $0x1;
	s18 =	sshrl.u32 s18, $0x2  }
0xc: {  	s6 =	sadd.s32 s3, s6;
	s17 =	ssub.s32 s7, s8;
	s8 =	sadd.s32 $0xFA0, s9  }
0xd: {  	s11 =	sadd.s32 s11, s10;
	s10 =	sadd.s32 s5, s10;
	s9 =	sadd.s32 $0x1770, s9  }
0xe: {  	s25 =	sadd.s32 s5, s16;
	s26 =	sshrl.u32 s16, $0x3;
	s31 =	sor.u32 $0x30, s18  }
0xf: {  	s18 =	simm.s32 $0x18800;
	s7 =	sadd.s32 $0xFA, s6;
	s11 =	sshrl.u32 s11, $0x3;
	v0 =	vmov s31  }
0x10: {  	s12 =	sshrl.u32 s10, $0x3;
	s16 =	sadd.s32 s0, s26;
	s30 =	smax.u32 s17, $0x1  }
0x11: {  	s10 =	sadd.s32 s1, s11;
	s11 =	sadd.s32 s1, s12;
	s1 =	sshrl.u32 s25, $0x3  }
0x12: {  	[dreg:$0x3] =	wrdreg s30;
	s25 =	simm.s32 $0x197A0;
	s12 =	sadd.s32 $0x6200, s11  }
0x13: {  	v1 =	vimm.f32 $0.0e+00;
	v2 =	vimm.f32 $1.000000000e+00;
	s13 =	sadd.s32 $0xC400, s11;
	s14 =	sadd.s32 $0x12600, s11;
	s15 =	sadd.s32 s0, s1  }
.LBB2_1:
0x14: {  	s0 =	simm.s32 $0x0;
	s1 =	simm.s32 $0x200  }
.LBB2_2:
0x15: {  	p1 =	sne.s32 s1, $0x30E00;
	[tilespmem:s0+$0xC470] =	vst v1  }
0x16: {  	[tilespmem:s0+$0xC400] =	vst v1  }
0x17: {  	[tilespmem:s0+$0xC410] =	vst v1  }
.Ltmp0:
0x18: {  	[tilespmem:s0+$0xC420] =	vst v1;
	(pc) =	sbr.rel @p1 .LBB2_2-.Ltmp0, $4  }
0x19: {  	[tilespmem:s0+$0xC430] =	vst v1  }
0x1a: {  	[tilespmem:s0+$0xC440] =	vst v1  }
0x1b: {  	[tilespmem:s0+$0xC450] =	vst v1  }
0x1c: {  	[tilespmem:s0+$0xC460] =	vst v1;
	s0 =	sshra.s32 s1, $0x2;
	s1 =	sadd.s32 $0x200, s1  }
0x1d: {  	[tilespmem:s0+$0xC470] =	vst v1  }
0x1e: {  	[tilespmem:s0+$0xC400] =	vst v1  }
0x1f: {  	[tilespmem:s0+$0xC410] =	vst v1  }
0x20: {  	[tilespmem:s0+$0xC420] =	vst v1  }
0x21: {  	[tilespmem:s0+$0xC430] =	vst v1  }
0x22: {  	[tilespmem:s0+$0xC440] =	vst v1  }
0x23: {  	[tilespmem:s0+$0xC450] =	vst v1  }
0x24: {  	[tilespmem:s0+$0xC460] =	vst v1;
	s0 =	simm.s32 $0x0  }
0x25: {  	[tilespmem:s18], [sflag:$0x1] =	stream.linear.gather [hbm4b:s6+s0], $0x7D0, $0x38;
	[tilespmem:$0x1ED60] =	vst v63  }
0x26: {  	_ = 	snop  }
0x27: {  	[tilespmem:s19], [sflag:$0x2] =	stream.linear.gather [hbm4b:s7+s0], $0x7D0, $0x38;
	[tilespmem:$0x1ED60] =	vst v63  }
.LBB2_4:
0x28: {  	_ =	swait.ge [sflag:s20], $0x7D0  }
0x29: {  	[sflag:s20] =	ssyncset.done $0x0  }
0x2a: {  	s1 =	simm.s32 $0x0;
	[sflag:s20] =	ssyncadd.s32 $0xFFFFF830  }
.LBB2_5:
0x2b: {  	s26 =	sshra.s32 s1, $0x2  }
0x2c: {  	v3 =	vld [tilespmem:s26+$0x18800];
	_ =	sdelay $0x4  }
0x2d: {  	v3 =	vand.u32 $0xFFFF, v3;
	_ =	sdelay $0x4  }
0x2e: {  	[tilespmem:v3+s21+$0x0] =	vst.idx.add.f32.msk $0xffff, v2  }
0x2f: {  	v3 =	vld [tilespmem:s26+$0x18810];
	_ =	sdelay $0x4  }
0x30: {  	v3 =	vand.u32 $0xFFFF, v3;
	_ =	sdelay $0x4  }
0x31: {  	[tilespmem:v3+s21+$0x0] =	vst.idx.add.f32.msk $0xffff, v2  }
0x32: {  	v3 =	vld [tilespmem:s26+$0x18820];
	_ =	sdelay $0x4  }
0x33: {  	v3 =	vand.u32 $0xFFFF, v3;
	_ =	sdelay $0x4  }
0x34: {  	[tilespmem:v3+s21+$0x0] =	vst.idx.add.f32.msk $0xffff, v2  }
0x35: {  	v3 =	vld [tilespmem:s26+$0x18830];
	_ =	sdelay $0x4  }
0x36: {  	v3 =	vand.u32 $0xFFFF, v3;
	_ =	sdelay $0x4  }
0x37: {  	[tilespmem:v3+s21+$0x0] =	vst.idx.add.f32.msk $0xffff, v2  }
0x38: {  	v3 =	vld [tilespmem:s26+$0x18840];
	_ =	sdelay $0x4  }
0x39: {  	p1 =	sne.s32 s1, $0x1E00;
	v3 =	vand.u32 $0xFFFF, v3  }
.Ltmp1:
0x3a: {  	_ = 	snop;
	(pc) =	sbr.rel @p1 .LBB2_5-.Ltmp1, $2  }
0x3b: {  	_ =	sdelay $0x2  }
0x3c: {  	s1 =	sadd.s32 $0x140, s1;
	[tilespmem:v3+s21+$0x0] =	vst.idx.add.f32.msk $0xffff, v2  }
0x3d: {  	s1 =	sshll.u32 s0, $0x1  }
0x3e: {  	s26 =	smin.u32 s1, $0x2F  }
0x3f: {  	s26 =	smul.u32 $0x7D0, s26;
	_ =	sdelay $0x1  }
0x40: {  	s26 =	sadd.s32 s26, s8  }
0x41: {  	s26 =	sshrl.u32 s26, $0x3  }
0x42: {  	s30 =	sadd.s32 s3, s26;
	s26 =	simm.s32 $0x0  }
0x43: {  	[tilespmem:s18], [sflag:$0x1] =	stream.linear.gather [hbm4b:s30+s26], $0x7D0, $0x38;
	[tilespmem:$0x1ED60] =	vst v63  }
0x44: {  	_ =	swait.ge [sflag:s22], $0x7D0  }
0x45: {  	[sflag:s22] =	ssyncset.done $0x0  }
0x46: {  	[sflag:s22] =	ssyncadd.s32 $0xFFFFF830  }
.LBB2_7:
0x47: {  	s30 =	sshra.s32 s26, $0x2  }
0x48: {  	v3 =	vld [tilespmem:s30+$0x18FD0];
	_ =	sdelay $0x4  }
0x49: {  	v3 =	vand.u32 $0xFFFF, v3;
	_ =	sdelay $0x4  }
0x4a: {  	[tilespmem:v3+s21+$0x0] =	vst.idx.add.f32.msk $0xffff, v2  }
0x4b: {  	v3 =	vld [tilespmem:s30+$0x18FE0];
	_ =	sdelay $0x4  }
0x4c: {  	v3 =	vand.u32 $0xFFFF, v3;
	_ =	sdelay $0x4  }
0x4d: {  	[tilespmem:v3+s21+$0x0] =	vst.idx.add.f32.msk $0xffff, v2  }
0x4e: {  	v3 =	vld [tilespmem:s30+$0x18FF0];
	_ =	sdelay $0x4  }
0x4f: {  	v3 =	vand.u32 $0xFFFF, v3;
	_ =	sdelay $0x4  }
0x50: {  	[tilespmem:v3+s21+$0x0] =	vst.idx.add.f32.msk $0xffff, v2  }
0x51: {  	v3 =	vld [tilespmem:s30+$0x19000];
	_ =	sdelay $0x4  }
0x52: {  	v3 =	vand.u32 $0xFFFF, v3;
	_ =	sdelay $0x4  }
0x53: {  	[tilespmem:v3+s21+$0x0] =	vst.idx.add.f32.msk $0xffff, v2  }
0x54: {  	v3 =	vld [tilespmem:s30+$0x19010];
	_ =	sdelay $0x4  }
0x55: {  	p1 =	sne.s32 s26, $0x1E00;
	v3 =	vand.u32 $0xFFFF, v3  }
.Ltmp2:
0x56: {  	_ = 	snop;
	(pc) =	sbr.rel @p1 .LBB2_7-.Ltmp2, $2  }
0x57: {  	_ =	sdelay $0x2  }
0x58: {  	s26 =	sadd.s32 $0x140, s26;
	[tilespmem:v3+s21+$0x0] =	vst.idx.add.f32.msk $0xffff, v2  }
0x59: {  	s1 =	smin.u32 s1, $0x2E;
	s0 =	sadd.s32 $0x1, s0  }
0x5a: {  	s1 =	smul.u32 $0x7D0, s1;
	p1 =	sne.s32 s0, $0x19  }
.Ltmp3:
0x5b: {  	_ = 	snop;
	(pc) =	sbr.rel @p1 .LBB2_4-.Ltmp3, $4  }
0x5c: {  	s1 =	sadd.s32 s1, s9  }
0x5d: {  	s1 =	sshrl.u32 s1, $0x3  }
0x5e: {  	s1 =	sadd.s32 s3, s1  }
0x5f: {  	[tilespmem:s19], [sflag:$0x2] =	stream.linear.gather [hbm4b:s1+s2], $0x7D0, $0x38;
	[tilespmem:$0x1ED60] =	vst v63  }
0x60: {  	_ =	swait.ge [sflag:s20], $0x7D0  }
0x61: {  	[sflag:s20] =	ssyncset.done $0x0  }
0x62: {  	[sflag:s20] =	ssyncadd.s32 $0xFFFFF830  }
0x63: {  	_ =	swait.ge [sflag:s22], $0x7D0  }
0x64: {  	[sflag:s22] =	ssyncset.done $0x0  }
0x65: {  	s0 =	simm.s32 $0x0;
	[sflag:s22] =	ssyncadd.s32 $0xFFFFF830  }
0x66: {  	[hbm4b:s10+s0] =	stream.linear.scatter [tilespmem:s21], [sflag:$0x3], $0xC400, $0x38;
	[tilespmem:$0x1ED60] =	vst v63  }
0x67: {  	_ =	swait.ge [sflag:s23], $0xC400  }
0x68: {  	[sflag:s23] =	ssyncset.done $0x0  }
0x69: {  	[sflag:s23] =	ssyncadd.s32 $0xFFFF3C00  }
0x6a: {  	[bflag:$0x0] =	sbarrier.arrive $0xFFFF  }
0x6b: {  	[tilespmem:s25], [sflag:$0x3] =	stream.strided.gather [hbm4b:s11+s24], $0x3100, s21, s24, $0x38;
	[tilespmem:$0x1ED60] =	vst v63  }
0x6c: {  	_ =	swait.ge [sflag:s23], $0x3100  }
0x6d: {  	[sflag:s23] =	ssyncset.done $0x0  }
0x6e: {  	s0 =	simm.s32 $0x0;
	[sflag:s23] =	ssyncadd.s32 $0xFFFFCF00  }
0x6f: {  	v3 =	vld [tilespmem:s0+$0x197D0]  }
0x70: {  	v4 =	vld [tilespmem:s0+$0x1A410]  }
0x71: {  	v5 =	vld [tilespmem:s0+$0x1B050]  }
0x72: {  	v6 =	vld [tilespmem:s0+$0x1BC90]  }
0x73: {  	v7 =	vld [tilespmem:s0+$0x197A0]  }
0x74: {  	v8 =	vld [tilespmem:s0+$0x1A3E0]  }
0x75: {  	v9 =	vld [tilespmem:s0+$0x1B020]  }
0x76: {  	v10 =	vld [tilespmem:s0+$0x1BC60]  }
0x77: {  	v11 =	vld [tilespmem:s0+$0x197B0];
	v3 =	vadd.f32 v4, v3;
	v4 =	vadd.f32 v6, v5  }
0x78: {  	v12 =	vld [tilespmem:s0+$0x1BC70]  }
0x79: {  	v5 =	vld [tilespmem:s0+$0x1A3F0];
	v3 =	vadd.f32 v4, v3  }
0x7a: {  	v6 =	vld [tilespmem:s0+$0x1B030]  }
0x7b: {  	v13 =	vld [tilespmem:s0+$0x197C0];
	[tilespmem:s0+$0x1C8D0] =	vst v3;
	v3 =	vadd.f32 v8, v7;
	v7 =	vadd.f32 v10, v9  }
0x7c: {  	v8 =	vld [tilespmem:s0+$0x1A400]  }
0x7d: {  	v4 =	vld [tilespmem:s0+$0x1B040];
	v9 =	vadd.f32 v7, v3  }
0x7e: {  	s1 =	simm.s32 $0x40;
	v7 =	vld [tilespmem:s0+$0x1BC80]  }
0x7f: {  	v10 =	vadd.f32 v5, v11;
	v3 =	vld [tilespmem:s1+$0x197D0];
	[tilespmem:s0+$0x1C8A0] =	vst v9;
	v9 =	vadd.f32 v12, v6  }
0x80: {  	v5 =	vld [tilespmem:s1+$0x1A410]  }
0x81: {  	s26 =	simm.s32 $0x200;
	v6 =	vld [tilespmem:s1+$0x1B050];
	v8 =	vadd.f32 v8, v13;
	v9 =	vadd.f32 v9, v10  }
.LBB2_10:
0x82: {  	p1 =	sne.s32 s26, $0x3000;
	v10 =	vld [tilespmem:s1+$0x1BC90]  }
0x83: {  	v11 =	vld [tilespmem:s1+$0x197A0];
	[tilespmem:s0+$0x1C8B0] =	vst v9;
	v4 =	vadd.f32 v7, v4  }
0x84: {  	v7 =	vld [tilespmem:s1+$0x1A3E0]  }
0x85: {  	v9 =	vld [tilespmem:s1+$0x1B020];
	v4 =	vadd.f32 v4, v8  }
0x86: {  	v8 =	vld [tilespmem:s1+$0x1BC60]  }
0x87: {  	v3 =	vadd.f32 v5, v3;
	v12 =	vld [tilespmem:s1+$0x197B0];
	v5 =	vadd.f32 v10, v6;
	[tilespmem:s0+$0x1C8C0] =	vst v4;
	s0 =	smov.u32 s1  }
0x88: {  	v4 =	vld [tilespmem:s0+$0x1A3F0]  }
0x89: {  	v6 =	vadd.f32 v7, v11;
	v10 =	vld [tilespmem:s0+$0x1B030];
	v3 =	vadd.f32 v5, v3  }
0x8a: {  	v5 =	vld [tilespmem:s0+$0x1BC70]  }
0x8b: {  	v7 =	vadd.f32 v8, v9;
	v8 =	vld [tilespmem:s0+$0x197C0];
	[tilespmem:s0+$0x1C8D0] =	vst v3  }
0x8c: {  	v11 =	vld [tilespmem:s0+$0x1A400]  }
.Ltmp4:
0x8d: {  	v6 =	vadd.f32 v7, v6;
	v9 =	vadd.f32 v4, v12;
	v4 =	vld [tilespmem:s0+$0x1B040];
	(pc) =	sbr.rel @p1 .LBB2_10-.Ltmp4, $4  }
0x8e: {  	s1 =	sshra.s32 s26, $0x2;
	v7 =	vld [tilespmem:s0+$0x1BC80]  }
0x8f: {  	v3 =	vld [tilespmem:s1+$0x197D0];
	[tilespmem:s0+$0x1C8A0] =	vst v6;
	v10 =	vadd.f32 v5, v10  }
0x90: {  	v5 =	vld [tilespmem:s1+$0x1A410]  }
0x91: {  	s26 =	sadd.s32 $0x100, s26;
	v6 =	vld [tilespmem:s1+$0x1B050];
	v9 =	vadd.f32 v10, v9;
	v8 =	vadd.f32 v11, v8  }
0x92: {  	v10 =	vld [tilespmem:s1+$0x1BC90]  }
0x93: {  	v11 =	vld [tilespmem:s1+$0x197A0];
	[tilespmem:s0+$0x1C8B0] =	vst v9;
	v4 =	vadd.f32 v7, v4  }
0x94: {  	v7 =	vld [tilespmem:s1+$0x1A3E0]  }
0x95: {  	v9 =	vld [tilespmem:s1+$0x1B020];
	v4 =	vadd.f32 v4, v8  }
0x96: {  	v12 =	vld [tilespmem:s1+$0x197B0]  }
0x97: {  	v8 =	vld [tilespmem:s1+$0x1BC60];
	[tilespmem:s0+$0x1C8C0] =	vst v4  }
0x98: {  	v3 =	vadd.f32 v5, v3;
	v5 =	vld [tilespmem:s1+$0x1A3F0]  }
0x99: {  	v4 =	vadd.f32 v10, v6;
	v6 =	vld [tilespmem:s1+$0x1B030]  }
0x9a: {  	v10 =	vld [tilespmem:s1+$0x197C0]  }
0x9b: {  	v13 =	vld [tilespmem:s1+$0x1B040]  }
0x9c: {  	v14 =	vld [tilespmem:s1+$0x1BC80];
	v3 =	vadd.f32 v4, v3  }
0x9d: {  	v4 =	vld [tilespmem:s1+$0x1BC70]  }
0x9e: {  	[tilespmem:s1+$0x1C8D0] =	vst v3;
	v3 =	vld [tilespmem:s1+$0x1A400]  }
0x9f: {  	v7 =	vadd.f32 v7, v11;
	v8 =	vadd.f32 v8, v9;
	_ =	sdelay $0x1  }
0xa0: {  	v7 =	vadd.f32 v8, v7  }
0xa1: {  	v5 =	vadd.f32 v5, v12;
	v4 =	vadd.f32 v4, v6  }
0xa2: {  	v6 =	vadd.f32 v14, v13;
	v3 =	vadd.f32 v3, v10  }
0xa3: {  	v4 =	vadd.f32 v4, v5  }
0xa4: {  	[tilespmem:s1+$0x1C8A0] =	vst v7;
	v3 =	vadd.f32 v6, v3  }
0xa5: {  	[tilespmem:s1+$0x1C8B0] =	vst v4  }
0xa6: {  	[tilespmem:s1+$0x1C8C0] =	vst v3  }
0xa7: {  	[tilespmem:s25], [sflag:$0x3] =	stream.strided.gather [hbm4b:s12+s24], $0x3100, s21, s24, $0x38;
	[tilespmem:$0x1ED60] =	vst v63  }
0xa8: {  	_ =	swait.ge [sflag:s23], $0x3100  }
0xa9: {  	[sflag:s23] =	ssyncset.done $0x0  }
0xaa: {  	s0 =	simm.s32 $0x0;
	[sflag:s23] =	ssyncadd.s32 $0xFFFFCF00  }
0xab: {  	v3 =	vld [tilespmem:s0+$0x197A0]  }
0xac: {  	v4 =	vld [tilespmem:s0+$0x1A3E0]  }
0xad: {  	v5 =	vld [tilespmem:s0+$0x1B020]  }
0xae: {  	v6 =	vld [tilespmem:s0+$0x1BC60]  }
0xaf: {  	v7 =	vld [tilespmem:s0+$0x197B0]  }
0xb0: {  	v8 =	vld [tilespmem:s0+$0x1A3F0]  }
0xb1: {  	v9 =	vld [tilespmem:s0+$0x1B030]  }
0xb2: {  	v12 =	vld [tilespmem:s0+$0x1BC70]  }
0xb3: {  	v10 =	vld [tilespmem:s0+$0x197C0]  }
0xb4: {  	v14 =	vld [tilespmem:s0+$0x1A400]  }
0xb5: {  	v15 =	vld [tilespmem:s0+$0x1B040]  }
0xb6: {  	v17 =	vld [tilespmem:s0+$0x1BC80]  }
0xb7: {  	v13 =	vld [tilespmem:s0+$0x197D0]  }
0xb8: {  	v16 =	vld [tilespmem:s0+$0x1A410]  }
0xb9: {  	s1 =	simm.s32 $0x100;
	v11 =	vld [tilespmem:s0+$0x1B050]  }
.LBB2_12:
0xba: {  	p1 =	sne.s32 s1, $0x3000;
	v18 =	vld [tilespmem:s0+$0x1BC90]  }
0xbb: {  	v3 =	vadd.f32 v4, v3;
	v4 =	vadd.f32 v6, v5;
	v5 =	vld [tilespmem:s0+$0x1C8A0]  }
0xbc: {  	v6 =	vadd.f32 v8, v7;
	v7 =	vadd.f32 v12, v9;
	v8 =	vld [tilespmem:s0+$0x1C8B0]  }
0xbd: {  	v9 =	vadd.f32 v14, v10;
	v10 =	vadd.f32 v17, v15;
	v12 =	vld [tilespmem:s0+$0x1C8C0]  }
0xbe: {  	s26 =	sshra.s32 s1, $0x2;
	v14 =	vadd.f32 v4, v3;
	v13 =	vadd.f32 v16, v13;
	v15 =	vld [tilespmem:s0+$0x1C8D0]  }
0xbf: {  	v6 =	vadd.f32 v7, v6;
	v3 =	vld [tilespmem:s26+$0x197A0];
	v7 =	vadd.f32 v18, v11  }
0xc0: {  	v9 =	vadd.f32 v10, v9;
	v4 =	vld [tilespmem:s26+$0x1A3E0];
	v11 =	vadd.f32 v14, v5  }
0xc1: {  	v5 =	vld [tilespmem:s26+$0x1B020];
	v8 =	vadd.f32 v6, v8;
	v10 =	vadd.f32 v7, v13  }
0xc2: {  	v6 =	vld [tilespmem:s26+$0x1BC60];
	[tilespmem:s0+$0x1C8A0] =	vst v11;
	v9 =	vadd.f32 v9, v12  }
0xc3: {  	v7 =	vld [tilespmem:s26+$0x197B0];
	[tilespmem:s0+$0x1C8B0] =	vst v8;
	v10 =	vadd.f32 v10, v15  }
0xc4: {  	v8 =	vld [tilespmem:s26+$0x1A3F0];
	[tilespmem:s0+$0x1C8C0] =	vst v9  }
0xc5: {  	v9 =	vld [tilespmem:s26+$0x1B030];
	[tilespmem:s0+$0x1C8D0] =	vst v10;
	s0 =	smov.u32 s26  }
0xc6: {  	v12 =	vld [tilespmem:s0+$0x1BC70]  }
0xc7: {  	v10 =	vld [tilespmem:s0+$0x197C0]  }
0xc8: {  	v14 =	vld [tilespmem:s0+$0x1A400]  }
.Ltmp5:
0xc9: {  	v15 =	vld [tilespmem:s0+$0x1B040];
	(pc) =	sbr.rel @p1 .LBB2_12-.Ltmp5, $4  }
0xca: {  	v17 =	vld [tilespmem:s0+$0x1BC80]  }
0xcb: {  	v13 =	vld [tilespmem:s0+$0x197D0]  }
0xcc: {  	v16 =	vld [tilespmem:s0+$0x1A410]  }
0xcd: {  	s1 =	sadd.s32 $0x100, s1;
	v11 =	vld [tilespmem:s0+$0x1B050]  }
0xce: {  	v18 =	vld [tilespmem:s0+$0x1BC90]  }
0xcf: {  	v3 =	vadd.f32 v4, v3;
	v4 =	vadd.f32 v6, v5;
	v5 =	vld [tilespmem:s0+$0x1C8A0]  }
0xd0: {  	v6 =	vadd.f32 v8, v7;
	v7 =	vadd.f32 v12, v9;
	v8 =	vld [tilespmem:s0+$0x1C8B0]  }
0xd1: {  	v9 =	vadd.f32 v14, v10;
	v12 =	vld [tilespmem:s0+$0x1C8C0];
	v10 =	vadd.f32 v17, v15  }
0xd2: {  	v3 =	vadd.f32 v4, v3;
	v4 =	vadd.f32 v16, v13;
	v13 =	vld [tilespmem:s0+$0x1C8D0]  }
0xd3: {  	v6 =	vadd.f32 v7, v6;
	v7 =	vadd.f32 v18, v11  }
0xd4: {  	v3 =	vadd.f32 v3, v5;
	v5 =	vadd.f32 v10, v9  }
0xd5: {  	v6 =	vadd.f32 v6, v8;
	v4 =	vadd.f32 v7, v4  }
0xd6: {  	[tilespmem:s0+$0x1C8A0] =	vst v3;
	v3 =	vadd.f32 v5, v12  }
0xd7: {  	[tilespmem:s0+$0x1C8B0] =	vst v6;
	v4 =	vadd.f32 v4, v13  }
0xd8: {  	[tilespmem:s0+$0x1C8C0] =	vst v3  }
0xd9: {  	[tilespmem:s0+$0x1C8D0] =	vst v4  }
0xda: {  	[tilespmem:s25], [sflag:$0x3] =	stream.strided.gather [hbm4b:s13+s24], $0x3100, s21, s24, $0x38;
	[tilespmem:$0x1ED60] =	vst v63  }
0xdb: {  	_ =	swait.ge [sflag:s23], $0x3100  }
0xdc: {  	[sflag:s23] =	ssyncset.done $0x0  }
0xdd: {  	s0 =	simm.s32 $0x0;
	[sflag:s23] =	ssyncadd.s32 $0xFFFFCF00  }
0xde: {  	v3 =	vld [tilespmem:s0+$0x197A0]  }
0xdf: {  	v4 =	vld [tilespmem:s0+$0x1A3E0]  }
0xe0: {  	v5 =	vld [tilespmem:s0+$0x1B020]  }
0xe1: {  	v6 =	vld [tilespmem:s0+$0x1BC60]  }
0xe2: {  	v7 =	vld [tilespmem:s0+$0x197B0]  }
0xe3: {  	v8 =	vld [tilespmem:s0+$0x1A3F0]  }
0xe4: {  	v9 =	vld [tilespmem:s0+$0x1B030]  }
0xe5: {  	v12 =	vld [tilespmem:s0+$0x1BC70]  }
0xe6: {  	v10 =	vld [tilespmem:s0+$0x197C0]  }
0xe7: {  	v14 =	vld [tilespmem:s0+$0x1A400]  }
0xe8: {  	v15 =	vld [tilespmem:s0+$0x1B040]  }
0xe9: {  	v17 =	vld [tilespmem:s0+$0x1BC80]  }
0xea: {  	v13 =	vld [tilespmem:s0+$0x197D0]  }
0xeb: {  	v16 =	vld [tilespmem:s0+$0x1A410]  }
0xec: {  	s1 =	simm.s32 $0x100;
	v11 =	vld [tilespmem:s0+$0x1B050]  }
.LBB2_14:
0xed: {  	p1 =	sne.s32 s1, $0x3000;
	v18 =	vld [tilespmem:s0+$0x1BC90]  }
0xee: {  	v3 =	vadd.f32 v4, v3;
	v4 =	vadd.f32 v6, v5;
	v5 =	vld [tilespmem:s0+$0x1C8A0]  }
0xef: {  	v6 =	vadd.f32 v8, v7;
	v7 =	vadd.f32 v12, v9;
	v8 =	vld [tilespmem:s0+$0x1C8B0]  }
0xf0: {  	v9 =	vadd.f32 v14, v10;
	v10 =	vadd.f32 v17, v15;
	v12 =	vld [tilespmem:s0+$0x1C8C0]  }
0xf1: {  	s26 =	sshra.s32 s1, $0x2;
	v14 =	vadd.f32 v4, v3;
	v13 =	vadd.f32 v16, v13;
	v15 =	vld [tilespmem:s0+$0x1C8D0]  }
0xf2: {  	v6 =	vadd.f32 v7, v6;
	v3 =	vld [tilespmem:s26+$0x197A0];
	v7 =	vadd.f32 v18, v11  }
0xf3: {  	v9 =	vadd.f32 v10, v9;
	v4 =	vld [tilespmem:s26+$0x1A3E0];
	v11 =	vadd.f32 v14, v5  }
0xf4: {  	v5 =	vld [tilespmem:s26+$0x1B020];
	v8 =	vadd.f32 v6, v8;
	v10 =	vadd.f32 v7, v13  }
0xf5: {  	v6 =	vld [tilespmem:s26+$0x1BC60];
	[tilespmem:s0+$0x1C8A0] =	vst v11;
	v9 =	vadd.f32 v9, v12  }
0xf6: {  	v7 =	vld [tilespmem:s26+$0x197B0];
	[tilespmem:s0+$0x1C8B0] =	vst v8;
	v10 =	vadd.f32 v10, v15  }
0xf7: {  	v8 =	vld [tilespmem:s26+$0x1A3F0];
	[tilespmem:s0+$0x1C8C0] =	vst v9  }
0xf8: {  	v9 =	vld [tilespmem:s26+$0x1B030];
	[tilespmem:s0+$0x1C8D0] =	vst v10;
	s0 =	smov.u32 s26  }
0xf9: {  	v12 =	vld [tilespmem:s0+$0x1BC70]  }
0xfa: {  	v10 =	vld [tilespmem:s0+$0x197C0]  }
0xfb: {  	v14 =	vld [tilespmem:s0+$0x1A400]  }
.Ltmp6:
0xfc: {  	v15 =	vld [tilespmem:s0+$0x1B040];
	(pc) =	sbr.rel @p1 .LBB2_14-.Ltmp6, $4  }
0xfd: {  	v17 =	vld [tilespmem:s0+$0x1BC80]  }
0xfe: {  	v13 =	vld [tilespmem:s0+$0x197D0]  }
0xff: {  	v16 =	vld [tilespmem:s0+$0x1A410]  }
0x100: {  	s1 =	sadd.s32 $0x100, s1;
	v11 =	vld [tilespmem:s0+$0x1B050]  }
0x101: {  	v18 =	vld [tilespmem:s0+$0x1BC90]  }
0x102: {  	v3 =	vadd.f32 v4, v3;
	v4 =	vadd.f32 v6, v5;
	v5 =	vld [tilespmem:s0+$0x1C8A0]  }
0x103: {  	v6 =	vadd.f32 v8, v7;
	v7 =	vadd.f32 v12, v9;
	v8 =	vld [tilespmem:s0+$0x1C8B0]  }
0x104: {  	v9 =	vadd.f32 v14, v10;
	v12 =	vld [tilespmem:s0+$0x1C8C0];
	v10 =	vadd.f32 v17, v15  }
0x105: {  	v3 =	vadd.f32 v4, v3;
	v4 =	vadd.f32 v16, v13;
	v13 =	vld [tilespmem:s0+$0x1C8D0]  }
0x106: {  	v6 =	vadd.f32 v7, v6;
	v7 =	vadd.f32 v18, v11  }
0x107: {  	v3 =	vadd.f32 v3, v5;
	v5 =	vadd.f32 v10, v9  }
0x108: {  	v6 =	vadd.f32 v6, v8;
	v4 =	vadd.f32 v7, v4  }
0x109: {  	[tilespmem:s0+$0x1C8A0] =	vst v3;
	v3 =	vadd.f32 v5, v12  }
0x10a: {  	[tilespmem:s0+$0x1C8B0] =	vst v6;
	v4 =	vadd.f32 v4, v13  }
0x10b: {  	[tilespmem:s0+$0x1C8C0] =	vst v3  }
0x10c: {  	[tilespmem:s0+$0x1C8D0] =	vst v4  }
0x10d: {  	[tilespmem:s25], [sflag:$0x3] =	stream.strided.gather [hbm4b:s14+s24], $0x3100, s21, s24, $0x38;
	[tilespmem:$0x1ED60] =	vst v63  }
0x10e: {  	_ =	swait.ge [sflag:s23], $0x3100  }
0x10f: {  	[sflag:s23] =	ssyncset.done $0x0  }
0x110: {  	s0 =	simm.s32 $0x0;
	[sflag:s23] =	ssyncadd.s32 $0xFFFFCF00  }
0x111: {  	v3 =	vld [tilespmem:s0+$0x197A0]  }
0x112: {  	v4 =	vld [tilespmem:s0+$0x1A3E0]  }
0x113: {  	v5 =	vld [tilespmem:s0+$0x1B020]  }
0x114: {  	v6 =	vld [tilespmem:s0+$0x1BC60]  }
0x115: {  	v7 =	vld [tilespmem:s0+$0x197B0]  }
0x116: {  	v8 =	vld [tilespmem:s0+$0x1A3F0]  }
0x117: {  	v9 =	vld [tilespmem:s0+$0x1B030]  }
0x118: {  	v12 =	vld [tilespmem:s0+$0x1BC70]  }
0x119: {  	v10 =	vld [tilespmem:s0+$0x197C0]  }
0x11a: {  	v14 =	vld [tilespmem:s0+$0x1A400]  }
0x11b: {  	v15 =	vld [tilespmem:s0+$0x1B040]  }
0x11c: {  	v17 =	vld [tilespmem:s0+$0x1BC80]  }
0x11d: {  	v13 =	vld [tilespmem:s0+$0x197D0]  }
0x11e: {  	v16 =	vld [tilespmem:s0+$0x1A410]  }
0x11f: {  	s1 =	simm.s32 $0x100;
	v11 =	vld [tilespmem:s0+$0x1B050]  }
.LBB2_16:
0x120: {  	p1 =	sne.s32 s1, $0x3000;
	v18 =	vld [tilespmem:s0+$0x1BC90]  }
0x121: {  	v3 =	vadd.f32 v4, v3;
	v4 =	vadd.f32 v6, v5;
	v5 =	vld [tilespmem:s0+$0x1C8A0]  }
0x122: {  	v6 =	vadd.f32 v8, v7;
	v7 =	vadd.f32 v12, v9;
	v8 =	vld [tilespmem:s0+$0x1C8B0]  }
0x123: {  	v9 =	vadd.f32 v14, v10;
	v10 =	vadd.f32 v17, v15;
	v12 =	vld [tilespmem:s0+$0x1C8C0]  }
0x124: {  	s26 =	sshra.s32 s1, $0x2;
	v14 =	vadd.f32 v4, v3;
	v13 =	vadd.f32 v16, v13;
	v15 =	vld [tilespmem:s0+$0x1C8D0]  }
0x125: {  	v6 =	vadd.f32 v7, v6;
	v3 =	vld [tilespmem:s26+$0x197A0];
	v7 =	vadd.f32 v18, v11  }
0x126: {  	v9 =	vadd.f32 v10, v9;
	v4 =	vld [tilespmem:s26+$0x1A3E0];
	v11 =	vadd.f32 v14, v5  }
0x127: {  	v5 =	vld [tilespmem:s26+$0x1B020];
	v8 =	vadd.f32 v6, v8;
	v10 =	vadd.f32 v7, v13  }
0x128: {  	v6 =	vld [tilespmem:s26+$0x1BC60];
	[tilespmem:s0+$0x1C8A0] =	vst v11;
	v9 =	vadd.f32 v9, v12  }
0x129: {  	v7 =	vld [tilespmem:s26+$0x197B0];
	[tilespmem:s0+$0x1C8B0] =	vst v8;
	v10 =	vadd.f32 v10, v15  }
0x12a: {  	v8 =	vld [tilespmem:s26+$0x1A3F0];
	[tilespmem:s0+$0x1C8C0] =	vst v9  }
0x12b: {  	v9 =	vld [tilespmem:s26+$0x1B030];
	[tilespmem:s0+$0x1C8D0] =	vst v10;
	s0 =	smov.u32 s26  }
0x12c: {  	v12 =	vld [tilespmem:s0+$0x1BC70]  }
0x12d: {  	v10 =	vld [tilespmem:s0+$0x197C0]  }
0x12e: {  	v14 =	vld [tilespmem:s0+$0x1A400]  }
.Ltmp7:
0x12f: {  	v15 =	vld [tilespmem:s0+$0x1B040];
	(pc) =	sbr.rel @p1 .LBB2_16-.Ltmp7, $4  }
0x130: {  	v17 =	vld [tilespmem:s0+$0x1BC80]  }
0x131: {  	v13 =	vld [tilespmem:s0+$0x197D0]  }
0x132: {  	v16 =	vld [tilespmem:s0+$0x1A410]  }
0x133: {  	s1 =	sadd.s32 $0x100, s1;
	v11 =	vld [tilespmem:s0+$0x1B050]  }
0x134: {  	v18 =	vld [tilespmem:s0+$0x1BC90]  }
0x135: {  	v3 =	vadd.f32 v4, v3;
	v4 =	vadd.f32 v6, v5;
	v5 =	vld [tilespmem:s0+$0x1C8A0]  }
0x136: {  	v56 =	vadd.f32 v8, v7;
	v57 =	vadd.f32 v12, v9;
	v58 =	vld [tilespmem:s0+$0x1C8B0]  }
0x137: {  	v59 =	vadd.f32 v14, v10;
	v61 =	vld [tilespmem:s0+$0x1C8C0];
	v60 =	vadd.f32 v17, v15  }
0x138: {  	v62 =	vld [tilespmem:s0+$0x1C8D0];
	v3 =	vadd.f32 v4, v3;
	v6 =	vadd.f32 v57, v56  }
0x139: {  	v4 =	vadd.f32 v16, v13;
	v63 =	vadd.f32 v18, v11  }
0x13a: {  	v3 =	vadd.f32 v3, v5;
	v5 =	vadd.f32 v60, v59  }
0x13b: {  	v6 =	vadd.f32 v6, v58;
	v4 =	vadd.f32 v63, v4  }
0x13c: {  	[tilespmem:s0+$0x1C8A0] =	vst v3;
	v3 =	vadd.f32 v5, v61  }
0x13d: {  	[tilespmem:s0+$0x1C8B0] =	vst v6;
	v4 =	vadd.f32 v4, v62  }
0x13e: {  	[tilespmem:s0+$0x1C8C0] =	vst v3  }
0x13f: {  	[tilespmem:s0+$0x1C8D0] =	vst v4;
	s0 =	simm.s32 $0x1C8C0  }
0x140: {  	v3 =	vld [tilespmem:s0+$0xFFFFFFE0];
	_ =	sdelay $0x4  }
0x141: {  	v3 =	vadd.f32 $1.000000000e+00, v3;
	_ =	sdelay $0x1  }
0x142: {  	v3 =	vmax.f32 v3, $9.999999930e-09  }
0x143: {  	(erf) = vrcp.f32 v3;
	_ =	sdelay $0x7  }
0x144: {  	s1 =	sadd.s32 $0x0, s5  }
0x145: {  	p1 =	slt.u32 s1, $0xC350;
	v3 =	vpop (erf)  }
0x146: {  	s30 =	simm.s32 $0x1E140;
	v3 =	vpsel !p1, $0x0, v3  }
0x147: {  	[tilespmem:s30+$0xFFFFFFE0] =	vst v3  }
0x148: {  	v3 =	vld [tilespmem:s0+$0xFFFFFFF0];
	_ =	sdelay $0x4  }
0x149: {  	v3 =	vadd.f32 $1.000000000e+00, v3;
	_ =	sdelay $0x1  }
0x14a: {  	v3 =	vmax.f32 v3, $9.999999930e-09  }
0x14b: {  	(erf) = vrcp.f32 v3;
	_ =	sdelay $0x7  }
0x14c: {  	s26 =	sadd.s32 $0x10, s1  }
0x14d: {  	p4 =	slt.u32 s26, $0xC350;
	v3 =	vpop (erf)  }
0x14e: {  	v3 =	vpsel !p4, $0x0, v3  }
0x14f: {  	[tilespmem:s30+$0xFFFFFFF0] =	vst v3  }
0x150: {  	v3 =	vld [tilespmem:s0+$0x0];
	_ =	sdelay $0x4  }
0x151: {  	v3 =	vadd.f32 $1.000000000e+00, v3;
	_ =	sdelay $0x1  }
0x152: {  	v3 =	vmax.f32 v3, $9.999999930e-09  }
0x153: {  	(erf) = vrcp.f32 v3;
	_ =	sdelay $0x7  }
0x154: {  	s17 =	sadd.s32 $0x20, s1  }
0x155: {  	p5 =	slt.u32 s17, $0xC350;
	v3 =	vpop (erf)  }
0x156: {  	v3 =	vpsel !p5, $0x0, v3  }
0x157: {  	[tilespmem:s30+$0x0] =	vst v3  }
0x158: {  	v3 =	vld [tilespmem:s0+$0x10];
	_ =	sdelay $0x4  }
0x159: {  	v3 =	vadd.f32 $1.000000000e+00, v3;
	_ =	sdelay $0x1  }
0x15a: {  	v3 =	vmax.f32 v3, $9.999999930e-09  }
0x15b: {  	(erf) = vrcp.f32 v3;
	_ =	sdelay $0x7  }
0x15c: {  	s26 =	sadd.s32 $0x30, s1  }
0x15d: {  	p6 =	slt.u32 s26, $0xC350;
	v3 =	vpop (erf)  }
0x15e: {  	v3 =	vpsel !p6, $0x0, v3  }
0x15f: {  	s31 =	simm.s32 $0x1C900;
	[tilespmem:s30+$0x10] =	vst v3  }
0x160: {  	s1 =	simm.s32 $0x80;
	s0 =	simm.s32 $0x40;
	v3 =	vld [tilespmem:s31+$0xFFFFFFE0]  }
.LBB2_18:
0x161: {  	p1 =	sne.s32 s1, $0xC00;
	_ =	sdelay $0x3  }
0x162: {  	v3 =	vadd.f32 $1.000000000e+00, v3;
	_ =	sdelay $0x1  }
0x163: {  	v3 =	vmax.f32 v3, $9.999999930e-09  }
0x164: {  	(erf) = vrcp.f32 v3;
	_ =	sdelay $0x7  }
0x165: {  	s26 =	sadd.s32 s0, s5;
	s0 =	smov.u32 s1  }
0x166: {  	p2 =	slt.u32 s26, $0xC350;
	v3 =	vpop (erf)  }
0x167: {  	s30 =	sadd.s32 $0x40, s30;
	v3 =	vpsel !p2, $0x0, v3  }
0x168: {  	[tilespmem:s30+$0xFFFFFFE0] =	vst v3  }
0x169: {  	v3 =	vld [tilespmem:s31+$0xFFFFFFF0];
	_ =	sdelay $0x4  }
0x16a: {  	v3 =	vadd.f32 $1.000000000e+00, v3;
	_ =	sdelay $0x1  }
0x16b: {  	v3 =	vmax.f32 v3, $9.999999930e-09  }
0x16c: {  	(erf) = vrcp.f32 v3;
	_ =	sdelay $0x7  }
0x16d: {  	s17 =	sadd.s32 $0x10, s26  }
0x16e: {  	p2 =	slt.u32 s17, $0xC350;
	v3 =	vpop (erf)  }
0x16f: {  	v3 =	vpsel !p2, $0x0, v3  }
0x170: {  	[tilespmem:s30+$0xFFFFFFF0] =	vst v3  }
0x171: {  	v3 =	vld [tilespmem:s31+$0x0];
	_ =	sdelay $0x4  }
0x172: {  	v3 =	vadd.f32 $1.000000000e+00, v3;
	_ =	sdelay $0x1  }
0x173: {  	v3 =	vmax.f32 v3, $9.999999930e-09  }
0x174: {  	(erf) = vrcp.f32 v3;
	_ =	sdelay $0x7  }
0x175: {  	s17 =	sadd.s32 $0x20, s26  }
0x176: {  	p2 =	slt.u32 s17, $0xC350;
	v3 =	vpop (erf)  }
0x177: {  	v3 =	vpsel !p2, $0x0, v3  }
0x178: {  	[tilespmem:s30+$0x0] =	vst v3  }
0x179: {  	v3 =	vld [tilespmem:s31+$0x10];
	_ =	sdelay $0x4  }
0x17a: {  	v3 =	vadd.f32 $1.000000000e+00, v3;
	_ =	sdelay $0x1  }
0x17b: {  	v3 =	vmax.f32 v3, $9.999999930e-09  }
0x17c: {  	(erf) = vrcp.f32 v3;
	_ =	sdelay $0x7  }
.Ltmp8:
0x17d: {  	s17 =	sadd.s32 $0x30, s26;
	(pc) =	sbr.rel @p1 .LBB2_18-.Ltmp8, $4  }
0x17e: {  	p2 =	slt.u32 s17, $0xC350;
	v3 =	vpop (erf)  }
0x17f: {  	v3 =	vpsel !p2, $0x0, v3  }
0x180: {  	s31 =	sadd.s32 $0x40, s31;
	[tilespmem:s30+$0x10] =	vst v3  }
0x181: {  	s1 =	sadd.s32 $0x40, s1;
	v3 =	vld [tilespmem:s31+$0xFFFFFFE0]  }
0x182: {  	_ =	sdelay $0x3  }
0x183: {  	v3 =	vadd.f32 $1.000000000e+00, v3;
	_ =	sdelay $0x1  }
0x184: {  	v3 =	vmax.f32 v3, $9.999999930e-09  }
0x185: {  	(erf) = vrcp.f32 v3;
	_ =	sdelay $0x7  }
0x186: {  	s0 =	sadd.s32 s0, s5  }
0x187: {  	p1 =	slt.u32 s0, $0xC350;
	v3 =	vpop (erf)  }
0x188: {  	s1 =	sadd.s32 $0x40, s30;
	v3 =	vpsel !p1, $0x0, v3  }
0x189: {  	[tilespmem:s1+$0xFFFFFFE0] =	vst v3  }
0x18a: {  	v3 =	vld [tilespmem:s31+$0xFFFFFFF0];
	_ =	sdelay $0x4  }
0x18b: {  	v3 =	vadd.f32 $1.000000000e+00, v3;
	_ =	sdelay $0x1  }
0x18c: {  	v3 =	vmax.f32 v3, $9.999999930e-09  }
0x18d: {  	(erf) = vrcp.f32 v3;
	_ =	sdelay $0x7  }
0x18e: {  	s17 =	sadd.s32 $0x10, s0  }
0x18f: {  	p4 =	slt.u32 s17, $0xC350;
	v3 =	vpop (erf)  }
0x190: {  	v3 =	vpsel !p4, $0x0, v3  }
0x191: {  	[tilespmem:s1+$0xFFFFFFF0] =	vst v3  }
0x192: {  	v3 =	vld [tilespmem:s31+$0x0];
	_ =	sdelay $0x4  }
0x193: {  	v3 =	vadd.f32 $1.000000000e+00, v3;
	_ =	sdelay $0x1  }
0x194: {  	v3 =	vmax.f32 v3, $9.999999930e-09  }
0x195: {  	(erf) = vrcp.f32 v3;
	_ =	sdelay $0x7  }
0x196: {  	s26 =	sadd.s32 $0x20, s0  }
0x197: {  	p5 =	slt.u32 s26, $0xC350;
	v3 =	vpop (erf)  }
0x198: {  	v3 =	vpsel !p5, $0x0, v3  }
0x199: {  	[tilespmem:s1+$0x0] =	vst v3  }
0x19a: {  	v3 =	vld [tilespmem:s31+$0x10];
	_ =	sdelay $0x4  }
0x19b: {  	v3 =	vadd.f32 $1.000000000e+00, v3;
	_ =	sdelay $0x1  }
0x19c: {  	v3 =	vmax.f32 v3, $9.999999930e-09  }
0x19d: {  	(erf) = vrcp.f32 v3;
	_ =	sdelay $0x7  }
0x19e: {  	s0 =	sadd.s32 $0x30, s0  }
0x19f: {  	p6 =	slt.u32 s0, $0xC350;
	v3 =	vpop (erf)  }
0x1a0: {  	v3 =	vpsel !p6, $0x0, v3  }
0x1a1: {  	s30 =	simm.s32 $0x0;
	s31 =	simm.s32 $0x1E120;
	[tilespmem:s1+$0x10] =	vst v3  }
0x1a2: {  	[hbm4b:s15+s30] =	stream.linear.scatter [tilespmem:s31], [sflag:$0x3], $0xC40, $0x38;
	[tilespmem:$0x1ED60] =	vst v63  }
0x1a3: {  	_ =	swait.ge [sflag:s23], $0xC40  }
0x1a4: {  	[sflag:s23] =	ssyncset.done $0x0  }
0x1a5: {  	[sflag:s23] =	ssyncadd.s32 $0xFFFFF3C0  }
0x1a6: {  	[bflag:$0x0] =	sbarrier.arrive $0xFFFF  }
0x1a7: {  	[tilespmem:s30], [sflag:$0x3] =	stream.linear.gather [hbm4b:s16+s30], $0xC400, $0x38;
	[tilespmem:$0x1ED60] =	vst v63  }
0x1a8: {  	_ =	swait.ge [sflag:s23], $0xC400  }
0x1a9: {  	[sflag:s23] =	ssyncset.done $0x0  }
0x1aa: {  	[sflag:s23] =	ssyncadd.s32 $0xFFFF3C00  }
.LBB2_20:
0x1ab: {  	s0 =	simm.s32 $0x0;
	s1 =	simm.s32 $0x200  }
.LBB2_21:
0x1ac: {  	p1 =	sne.s32 s1, $0x30E00;
	[tilespmem:s0+$0xC470] =	vst v1  }
0x1ad: {  	[tilespmem:s0+$0xC400] =	vst v1  }
0x1ae: {  	[tilespmem:s0+$0xC410] =	vst v1  }
.Ltmp9:
0x1af: {  	[tilespmem:s0+$0xC420] =	vst v1;
	(pc) =	sbr.rel @p1 .LBB2_21-.Ltmp9, $4  }
0x1b0: {  	[tilespmem:s0+$0xC430] =	vst v1  }
0x1b1: {  	[tilespmem:s0+$0xC440] =	vst v1  }
0x1b2: {  	[tilespmem:s0+$0xC450] =	vst v1  }
0x1b3: {  	[tilespmem:s0+$0xC460] =	vst v1;
	s0 =	sshra.s32 s1, $0x2;
	s1 =	sadd.s32 $0x200, s1  }
0x1b4: {  	[tilespmem:s0+$0xC470] =	vst v1  }
0x1b5: {  	[tilespmem:s0+$0xC400] =	vst v1  }
0x1b6: {  	[tilespmem:s0+$0xC410] =	vst v1  }
0x1b7: {  	[tilespmem:s0+$0xC420] =	vst v1  }
0x1b8: {  	[tilespmem:s0+$0xC430] =	vst v1  }
0x1b9: {  	[tilespmem:s0+$0xC440] =	vst v1  }
0x1ba: {  	[tilespmem:s0+$0xC450] =	vst v1  }
0x1bb: {  	[tilespmem:s0+$0xC460] =	vst v1;
	s0 =	simm.s32 $0x0  }
0x1bc: {  	[tilespmem:s18], [sflag:$0x1] =	stream.linear.gather [hbm4b:s6+s0], $0x7D0, $0x38;
	[tilespmem:$0x1ED60] =	vst v63  }
0x1bd: {  	_ = 	snop  }
0x1be: {  	[tilespmem:s19], [sflag:$0x2] =	stream.linear.gather [hbm4b:s7+s0], $0x7D0, $0x38;
	[tilespmem:$0x1ED60] =	vst v63  }
.LBB2_23:
0x1bf: {  	_ =	swait.ge [sflag:s20], $0x7D0  }
0x1c0: {  	[sflag:s20] =	ssyncset.done $0x0  }
0x1c1: {  	s1 =	simm.s32 $0x0;
	[sflag:s20] =	ssyncadd.s32 $0xFFFFF830  }
.LBB2_24:
0x1c2: {  	s17 =	sshra.s32 s1, $0x2  }
0x1c3: {  	v3 =	vld [tilespmem:s17+$0x18800];
	_ =	sdelay $0x4  }
0x1c4: {  	v4 =	vand.u32 $0xFFFF, v3;
	_ =	sdelay $0x4  }
0x1c5: {  	v3 =	vshrl.u32 v3, $0x10;
	v4 =	vld.idx.msk [tilespmem:v4+s2+$0x0], $0xffff;
	_ =	sdelay $0x4  }
0x1c6: {  	[tilespmem:v3+s21+$0x0] =	vst.idx.add.f32.msk $0xffff, v4  }
0x1c7: {  	v3 =	vld [tilespmem:s17+$0x18810];
	_ =	sdelay $0x4  }
0x1c8: {  	v60 =	vand.u32 $0xFFFF, v3;
	_ =	sdelay $0x4  }
0x1c9: {  	v3 =	vshrl.u32 v3, $0x10;
	v4 =	vld.idx.msk [tilespmem:v60+s2+$0x0], $0xffff;
	_ =	sdelay $0x4  }
0x1ca: {  	[tilespmem:v3+s21+$0x0] =	vst.idx.add.f32.msk $0xffff, v4  }
0x1cb: {  	v3 =	vld [tilespmem:s17+$0x18820];
	_ =	sdelay $0x4  }
0x1cc: {  	v61 =	vand.u32 $0xFFFF, v3;
	_ =	sdelay $0x4  }
0x1cd: {  	v3 =	vshrl.u32 v3, $0x10;
	v4 =	vld.idx.msk [tilespmem:v61+s2+$0x0], $0xffff;
	_ =	sdelay $0x4  }
0x1ce: {  	[tilespmem:v3+s21+$0x0] =	vst.idx.add.f32.msk $0xffff, v4  }
0x1cf: {  	v3 =	vld [tilespmem:s17+$0x18830];
	_ =	sdelay $0x4  }
0x1d0: {  	v62 =	vand.u32 $0xFFFF, v3;
	_ =	sdelay $0x4  }
0x1d1: {  	v3 =	vshrl.u32 v3, $0x10;
	v4 =	vld.idx.msk [tilespmem:v62+s2+$0x0], $0xffff;
	_ =	sdelay $0x4  }
0x1d2: {  	[tilespmem:v3+s21+$0x0] =	vst.idx.add.f32.msk $0xffff, v4  }
0x1d3: {  	v3 =	vld [tilespmem:s17+$0x18840];
	_ =	sdelay $0x4  }
0x1d4: {  	v63 =	vand.u32 $0xFFFF, v3;
	_ =	sdelay $0x4  }
0x1d5: {  	p1 =	sne.s32 s1, $0x1E00;
	v3 =	vshrl.u32 v3, $0x10;
	v4 =	vld.idx.msk [tilespmem:v63+s2+$0x0], $0xffff  }
.Ltmp10:
0x1d6: {  	_ = 	snop;
	(pc) =	sbr.rel @p1 .LBB2_24-.Ltmp10, $2  }
0x1d7: {  	_ =	sdelay $0x2  }
0x1d8: {  	s1 =	sadd.s32 $0x140, s1;
	[tilespmem:v3+s21+$0x0] =	vst.idx.add.f32.msk $0xffff, v4  }
0x1d9: {  	s1 =	sshll.u32 s0, $0x1  }
0x1da: {  	s17 =	smin.u32 s1, $0x2F  }
0x1db: {  	s17 =	smul.u32 $0x7D0, s17;
	_ =	sdelay $0x1  }
0x1dc: {  	s17 =	sadd.s32 s17, s8  }
0x1dd: {  	s17 =	sshrl.u32 s17, $0x3  }
0x1de: {  	s26 =	simm.s32 $0x0;
	s17 =	sadd.s32 s3, s17  }
0x1df: {  	[tilespmem:s18], [sflag:$0x1] =	stream.linear.gather [hbm4b:s17+s26], $0x7D0, $0x38;
	[tilespmem:$0x1ED60] =	vst v63  }
0x1e0: {  	_ =	swait.ge [sflag:s22], $0x7D0  }
0x1e1: {  	[sflag:s22] =	ssyncset.done $0x0  }
0x1e2: {  	[sflag:s22] =	ssyncadd.s32 $0xFFFFF830  }
.LBB2_26:
0x1e3: {  	s17 =	sshra.s32 s26, $0x2  }
0x1e4: {  	v3 =	vld [tilespmem:s17+$0x18FD0];
	_ =	sdelay $0x4  }
0x1e5: {  	v4 =	vand.u32 $0xFFFF, v3;
	_ =	sdelay $0x4  }
0x1e6: {  	v3 =	vshrl.u32 v3, $0x10;
	v4 =	vld.idx.msk [tilespmem:v4+s2+$0x0], $0xffff;
	_ =	sdelay $0x4  }
0x1e7: {  	[tilespmem:v3+s21+$0x0] =	vst.idx.add.f32.msk $0xffff, v4  }
0x1e8: {  	v3 =	vld [tilespmem:s17+$0x18FE0];
	_ =	sdelay $0x4  }
0x1e9: {  	v60 =	vand.u32 $0xFFFF, v3;
	_ =	sdelay $0x4  }
0x1ea: {  	v3 =	vshrl.u32 v3, $0x10;
	v4 =	vld.idx.msk [tilespmem:v60+s2+$0x0], $0xffff;
	_ =	sdelay $0x4  }
0x1eb: {  	[tilespmem:v3+s21+$0x0] =	vst.idx.add.f32.msk $0xffff, v4  }
0x1ec: {  	v3 =	vld [tilespmem:s17+$0x18FF0];
	_ =	sdelay $0x4  }
0x1ed: {  	v61 =	vand.u32 $0xFFFF, v3;
	_ =	sdelay $0x4  }
0x1ee: {  	v3 =	vshrl.u32 v3, $0x10;
	v4 =	vld.idx.msk [tilespmem:v61+s2+$0x0], $0xffff;
	_ =	sdelay $0x4  }
0x1ef: {  	[tilespmem:v3+s21+$0x0] =	vst.idx.add.f32.msk $0xffff, v4  }
0x1f0: {  	v3 =	vld [tilespmem:s17+$0x19000];
	_ =	sdelay $0x4  }
0x1f1: {  	v62 =	vand.u32 $0xFFFF, v3;
	_ =	sdelay $0x4  }
0x1f2: {  	v3 =	vshrl.u32 v3, $0x10;
	v4 =	vld.idx.msk [tilespmem:v62+s2+$0x0], $0xffff;
	_ =	sdelay $0x4  }
0x1f3: {  	[tilespmem:v3+s21+$0x0] =	vst.idx.add.f32.msk $0xffff, v4  }
0x1f4: {  	v3 =	vld [tilespmem:s17+$0x19010];
	_ =	sdelay $0x4  }
0x1f5: {  	v63 =	vand.u32 $0xFFFF, v3;
	_ =	sdelay $0x4  }
0x1f6: {  	p1 =	sne.s32 s26, $0x1E00;
	v3 =	vshrl.u32 v3, $0x10;
	v4 =	vld.idx.msk [tilespmem:v63+s2+$0x0], $0xffff  }
.Ltmp11:
0x1f7: {  	_ = 	snop;
	(pc) =	sbr.rel @p1 .LBB2_26-.Ltmp11, $2  }
0x1f8: {  	_ =	sdelay $0x2  }
0x1f9: {  	s26 =	sadd.s32 $0x140, s26;
	[tilespmem:v3+s21+$0x0] =	vst.idx.add.f32.msk $0xffff, v4  }
0x1fa: {  	s1 =	smin.u32 s1, $0x2E;
	s0 =	sadd.s32 $0x1, s0  }
0x1fb: {  	s1 =	smul.u32 $0x7D0, s1;
	p1 =	sne.s32 s0, $0x19  }
.Ltmp12:
0x1fc: {  	_ = 	snop;
	(pc) =	sbr.rel @p1 .LBB2_23-.Ltmp12, $4  }
0x1fd: {  	s1 =	sadd.s32 s1, s9  }
0x1fe: {  	s1 =	sshrl.u32 s1, $0x3  }
0x1ff: {  	s1 =	sadd.s32 s3, s1  }
0x200: {  	[tilespmem:s19], [sflag:$0x2] =	stream.linear.gather [hbm4b:s1+s2], $0x7D0, $0x38;
	[tilespmem:$0x1ED60] =	vst v63  }
0x201: {  	_ =	swait.ge [sflag:s20], $0x7D0  }
0x202: {  	[sflag:s20] =	ssyncset.done $0x0  }
0x203: {  	[sflag:s20] =	ssyncadd.s32 $0xFFFFF830  }
0x204: {  	_ =	swait.ge [sflag:s22], $0x7D0  }
0x205: {  	[sflag:s22] =	ssyncset.done $0x0  }
0x206: {  	s0 =	simm.s32 $0x0;
	[sflag:s22] =	ssyncadd.s32 $0xFFFFF830  }
0x207: {  	[hbm4b:s10+s0] =	stream.linear.scatter [tilespmem:s21], [sflag:$0x3], $0xC400, $0x38;
	[tilespmem:$0x1ED60] =	vst v63  }
0x208: {  	_ =	swait.ge [sflag:s23], $0xC400  }
0x209: {  	[sflag:s23] =	ssyncset.done $0x0  }
0x20a: {  	[sflag:s23] =	ssyncadd.s32 $0xFFFF3C00  }
0x20b: {  	[bflag:$0x0] =	sbarrier.arrive $0xFFFF  }
0x20c: {  	[tilespmem:s25], [sflag:$0x3] =	stream.strided.gather [hbm4b:s11+s24], $0x3100, s21, s24, $0x38;
	[tilespmem:$0x1ED60] =	vst v63  }
0x20d: {  	_ =	swait.ge [sflag:s23], $0x3100  }
0x20e: {  	[sflag:s23] =	ssyncset.done $0x0  }
0x20f: {  	s0 =	simm.s32 $0x0;
	[sflag:s23] =	ssyncadd.s32 $0xFFFFCF00  }
0x210: {  	v3 =	vld [tilespmem:s0+$0x197D0]  }
0x211: {  	v4 =	vld [tilespmem:s0+$0x1A410]  }
0x212: {  	v5 =	vld [tilespmem:s0+$0x1B050]  }
0x213: {  	v6 =	vld [tilespmem:s0+$0x1BC90]  }
0x214: {  	v7 =	vld [tilespmem:s0+$0x197A0]  }
0x215: {  	v8 =	vld [tilespmem:s0+$0x1A3E0]  }
0x216: {  	v9 =	vld [tilespmem:s0+$0x1B020]  }
0x217: {  	v10 =	vld [tilespmem:s0+$0x1BC60]  }
0x218: {  	v11 =	vld [tilespmem:s0+$0x197B0];
	v3 =	vadd.f32 v4, v3;
	v4 =	vadd.f32 v6, v5  }
0x219: {  	v12 =	vld [tilespmem:s0+$0x1BC70]  }
0x21a: {  	v5 =	vld [tilespmem:s0+$0x1A3F0];
	v3 =	vadd.f32 v4, v3  }
0x21b: {  	v6 =	vld [tilespmem:s0+$0x1B030]  }
0x21c: {  	v13 =	vld [tilespmem:s0+$0x197C0];
	[tilespmem:s0+$0x1C8D0] =	vst v3;
	v3 =	vadd.f32 v8, v7;
	v7 =	vadd.f32 v10, v9  }
0x21d: {  	v8 =	vld [tilespmem:s0+$0x1A400]  }
0x21e: {  	v4 =	vld [tilespmem:s0+$0x1B040];
	v9 =	vadd.f32 v7, v3  }
0x21f: {  	s1 =	simm.s32 $0x40;
	v7 =	vld [tilespmem:s0+$0x1BC80]  }
0x220: {  	v10 =	vadd.f32 v5, v11;
	v3 =	vld [tilespmem:s1+$0x197D0];
	[tilespmem:s0+$0x1C8A0] =	vst v9;
	v9 =	vadd.f32 v12, v6  }
0x221: {  	v5 =	vld [tilespmem:s1+$0x1A410]  }
0x222: {  	s26 =	simm.s32 $0x200;
	v6 =	vld [tilespmem:s1+$0x1B050];
	v8 =	vadd.f32 v8, v13;
	v9 =	vadd.f32 v9, v10  }
.LBB2_29:
0x223: {  	p1 =	sne.s32 s26, $0x3000;
	v10 =	vld [tilespmem:s1+$0x1BC90]  }
0x224: {  	v11 =	vld [tilespmem:s1+$0x197A0];
	[tilespmem:s0+$0x1C8B0] =	vst v9;
	v4 =	vadd.f32 v7, v4  }
0x225: {  	v7 =	vld [tilespmem:s1+$0x1A3E0]  }
0x226: {  	v9 =	vld [tilespmem:s1+$0x1B020];
	v4 =	vadd.f32 v4, v8  }
0x227: {  	v8 =	vld [tilespmem:s1+$0x1BC60]  }
0x228: {  	v3 =	vadd.f32 v5, v3;
	v12 =	vld [tilespmem:s1+$0x197B0];
	v5 =	vadd.f32 v10, v6;
	[tilespmem:s0+$0x1C8C0] =	vst v4;
	s0 =	smov.u32 s1  }
0x229: {  	v4 =	vld [tilespmem:s0+$0x1A3F0]  }
0x22a: {  	v6 =	vadd.f32 v7, v11;
	v10 =	vld [tilespmem:s0+$0x1B030];
	v3 =	vadd.f32 v5, v3  }
0x22b: {  	v5 =	vld [tilespmem:s0+$0x1BC70]  }
0x22c: {  	v7 =	vadd.f32 v8, v9;
	v8 =	vld [tilespmem:s0+$0x197C0];
	[tilespmem:s0+$0x1C8D0] =	vst v3  }
0x22d: {  	v11 =	vld [tilespmem:s0+$0x1A400]  }
.Ltmp13:
0x22e: {  	v6 =	vadd.f32 v7, v6;
	v9 =	vadd.f32 v4, v12;
	v4 =	vld [tilespmem:s0+$0x1B040];
	(pc) =	sbr.rel @p1 .LBB2_29-.Ltmp13, $4  }
0x22f: {  	s1 =	sshra.s32 s26, $0x2;
	v7 =	vld [tilespmem:s0+$0x1BC80]  }
0x230: {  	v3 =	vld [tilespmem:s1+$0x197D0];
	[tilespmem:s0+$0x1C8A0] =	vst v6;
	v10 =	vadd.f32 v5, v10  }
0x231: {  	v5 =	vld [tilespmem:s1+$0x1A410]  }
0x232: {  	s26 =	sadd.s32 $0x100, s26;
	v6 =	vld [tilespmem:s1+$0x1B050];
	v9 =	vadd.f32 v10, v9;
	v8 =	vadd.f32 v11, v8  }
0x233: {  	v10 =	vld [tilespmem:s1+$0x1BC90]  }
0x234: {  	v11 =	vld [tilespmem:s1+$0x197A0];
	[tilespmem:s0+$0x1C8B0] =	vst v9;
	v4 =	vadd.f32 v7, v4  }
0x235: {  	v7 =	vld [tilespmem:s1+$0x1A3E0]  }
0x236: {  	v9 =	vld [tilespmem:s1+$0x1B020];
	v4 =	vadd.f32 v4, v8  }
0x237: {  	v12 =	vld [tilespmem:s1+$0x197B0]  }
0x238: {  	v8 =	vld [tilespmem:s1+$0x1BC60];
	[tilespmem:s0+$0x1C8C0] =	vst v4  }
0x239: {  	v3 =	vadd.f32 v5, v3;
	v5 =	vld [tilespmem:s1+$0x1A3F0]  }
0x23a: {  	v4 =	vadd.f32 v10, v6;
	v6 =	vld [tilespmem:s1+$0x1B030]  }
0x23b: {  	v10 =	vld [tilespmem:s1+$0x197C0]  }
0x23c: {  	v13 =	vld [tilespmem:s1+$0x1B040]  }
0x23d: {  	v14 =	vld [tilespmem:s1+$0x1BC80];
	v3 =	vadd.f32 v4, v3  }
0x23e: {  	v4 =	vld [tilespmem:s1+$0x1BC70]  }
0x23f: {  	[tilespmem:s1+$0x1C8D0] =	vst v3;
	v3 =	vld [tilespmem:s1+$0x1A400]  }
0x240: {  	v7 =	vadd.f32 v7, v11;
	v8 =	vadd.f32 v8, v9;
	_ =	sdelay $0x1  }
0x241: {  	v7 =	vadd.f32 v8, v7  }
0x242: {  	v5 =	vadd.f32 v5, v12;
	v4 =	vadd.f32 v4, v6  }
0x243: {  	v6 =	vadd.f32 v14, v13;
	v3 =	vadd.f32 v3, v10  }
0x244: {  	v4 =	vadd.f32 v4, v5  }
0x245: {  	[tilespmem:s1+$0x1C8A0] =	vst v7;
	v3 =	vadd.f32 v6, v3  }
0x246: {  	[tilespmem:s1+$0x1C8B0] =	vst v4  }
0x247: {  	[tilespmem:s1+$0x1C8C0] =	vst v3  }
0x248: {  	[tilespmem:s25], [sflag:$0x3] =	stream.strided.gather [hbm4b:s12+s24], $0x3100, s21, s24, $0x38;
	[tilespmem:$0x1ED60] =	vst v63  }
0x249: {  	_ =	swait.ge [sflag:s23], $0x3100  }
0x24a: {  	[sflag:s23] =	ssyncset.done $0x0  }
0x24b: {  	s0 =	simm.s32 $0x0;
	[sflag:s23] =	ssyncadd.s32 $0xFFFFCF00  }
0x24c: {  	v3 =	vld [tilespmem:s0+$0x197A0]  }
0x24d: {  	v4 =	vld [tilespmem:s0+$0x1A3E0]  }
0x24e: {  	v5 =	vld [tilespmem:s0+$0x1B020]  }
0x24f: {  	v6 =	vld [tilespmem:s0+$0x1BC60]  }
0x250: {  	v7 =	vld [tilespmem:s0+$0x197B0]  }
0x251: {  	v8 =	vld [tilespmem:s0+$0x1A3F0]  }
0x252: {  	v9 =	vld [tilespmem:s0+$0x1B030]  }
0x253: {  	v12 =	vld [tilespmem:s0+$0x1BC70]  }
0x254: {  	v10 =	vld [tilespmem:s0+$0x197C0]  }
0x255: {  	v14 =	vld [tilespmem:s0+$0x1A400]  }
0x256: {  	v15 =	vld [tilespmem:s0+$0x1B040]  }
0x257: {  	v17 =	vld [tilespmem:s0+$0x1BC80]  }
0x258: {  	v13 =	vld [tilespmem:s0+$0x197D0]  }
0x259: {  	v16 =	vld [tilespmem:s0+$0x1A410]  }
0x25a: {  	s1 =	simm.s32 $0x100;
	v11 =	vld [tilespmem:s0+$0x1B050]  }
.LBB2_31:
0x25b: {  	p1 =	sne.s32 s1, $0x3000;
	v18 =	vld [tilespmem:s0+$0x1BC90]  }
0x25c: {  	v3 =	vadd.f32 v4, v3;
	v4 =	vadd.f32 v6, v5;
	v5 =	vld [tilespmem:s0+$0x1C8A0]  }
0x25d: {  	v6 =	vadd.f32 v8, v7;
	v7 =	vadd.f32 v12, v9;
	v8 =	vld [tilespmem:s0+$0x1C8B0]  }
0x25e: {  	v9 =	vadd.f32 v14, v10;
	v10 =	vadd.f32 v17, v15;
	v12 =	vld [tilespmem:s0+$0x1C8C0]  }
0x25f: {  	s17 =	sshra.s32 s1, $0x2;
	v14 =	vadd.f32 v4, v3;
	v13 =	vadd.f32 v16, v13;
	v15 =	vld [tilespmem:s0+$0x1C8D0]  }
0x260: {  	v6 =	vadd.f32 v7, v6;
	v3 =	vld [tilespmem:s17+$0x197A0];
	v7 =	vadd.f32 v18, v11  }
0x261: {  	v9 =	vadd.f32 v10, v9;
	v4 =	vld [tilespmem:s17+$0x1A3E0];
	v11 =	vadd.f32 v14, v5  }
0x262: {  	v5 =	vld [tilespmem:s17+$0x1B020];
	v8 =	vadd.f32 v6, v8;
	v10 =	vadd.f32 v7, v13  }
0x263: {  	v6 =	vld [tilespmem:s17+$0x1BC60];
	[tilespmem:s0+$0x1C8A0] =	vst v11;
	v9 =	vadd.f32 v9, v12  }
0x264: {  	v7 =	vld [tilespmem:s17+$0x197B0];
	[tilespmem:s0+$0x1C8B0] =	vst v8;
	v10 =	vadd.f32 v10, v15  }
0x265: {  	v8 =	vld [tilespmem:s17+$0x1A3F0];
	[tilespmem:s0+$0x1C8C0] =	vst v9  }
0x266: {  	v9 =	vld [tilespmem:s17+$0x1B030];
	[tilespmem:s0+$0x1C8D0] =	vst v10;
	s0 =	smov.u32 s17  }
0x267: {  	v12 =	vld [tilespmem:s0+$0x1BC70]  }
0x268: {  	v10 =	vld [tilespmem:s0+$0x197C0]  }
0x269: {  	v14 =	vld [tilespmem:s0+$0x1A400]  }
.Ltmp14:
0x26a: {  	v15 =	vld [tilespmem:s0+$0x1B040];
	(pc) =	sbr.rel @p1 .LBB2_31-.Ltmp14, $4  }
0x26b: {  	v17 =	vld [tilespmem:s0+$0x1BC80]  }
0x26c: {  	v13 =	vld [tilespmem:s0+$0x197D0]  }
0x26d: {  	v16 =	vld [tilespmem:s0+$0x1A410]  }
0x26e: {  	s1 =	sadd.s32 $0x100, s1;
	v11 =	vld [tilespmem:s0+$0x1B050]  }
0x26f: {  	v18 =	vld [tilespmem:s0+$0x1BC90]  }
0x270: {  	v3 =	vadd.f32 v4, v3;
	v4 =	vadd.f32 v6, v5;
	v5 =	vld [tilespmem:s0+$0x1C8A0]  }
0x271: {  	v6 =	vadd.f32 v8, v7;
	v7 =	vadd.f32 v12, v9;
	v8 =	vld [tilespmem:s0+$0x1C8B0]  }
0x272: {  	v9 =	vadd.f32 v14, v10;
	v12 =	vld [tilespmem:s0+$0x1C8C0];
	v10 =	vadd.f32 v17, v15  }
0x273: {  	v3 =	vadd.f32 v4, v3;
	v4 =	vadd.f32 v16, v13;
	v13 =	vld [tilespmem:s0+$0x1C8D0]  }
0x274: {  	v6 =	vadd.f32 v7, v6;
	v7 =	vadd.f32 v18, v11  }
0x275: {  	v3 =	vadd.f32 v3, v5;
	v5 =	vadd.f32 v10, v9  }
0x276: {  	v6 =	vadd.f32 v6, v8;
	v4 =	vadd.f32 v7, v4  }
0x277: {  	[tilespmem:s0+$0x1C8A0] =	vst v3;
	v3 =	vadd.f32 v5, v12  }
0x278: {  	[tilespmem:s0+$0x1C8B0] =	vst v6;
	v4 =	vadd.f32 v4, v13  }
0x279: {  	[tilespmem:s0+$0x1C8C0] =	vst v3  }
0x27a: {  	[tilespmem:s0+$0x1C8D0] =	vst v4  }
0x27b: {  	[tilespmem:s25], [sflag:$0x3] =	stream.strided.gather [hbm4b:s13+s24], $0x3100, s21, s24, $0x38;
	[tilespmem:$0x1ED60] =	vst v63  }
0x27c: {  	_ =	swait.ge [sflag:s23], $0x3100  }
0x27d: {  	[sflag:s23] =	ssyncset.done $0x0  }
0x27e: {  	s0 =	simm.s32 $0x0;
	[sflag:s23] =	ssyncadd.s32 $0xFFFFCF00  }
0x27f: {  	v3 =	vld [tilespmem:s0+$0x197A0]  }
0x280: {  	v4 =	vld [tilespmem:s0+$0x1A3E0]  }
0x281: {  	v5 =	vld [tilespmem:s0+$0x1B020]  }
0x282: {  	v6 =	vld [tilespmem:s0+$0x1BC60]  }
0x283: {  	v7 =	vld [tilespmem:s0+$0x197B0]  }
0x284: {  	v8 =	vld [tilespmem:s0+$0x1A3F0]  }
0x285: {  	v9 =	vld [tilespmem:s0+$0x1B030]  }
0x286: {  	v12 =	vld [tilespmem:s0+$0x1BC70]  }
0x287: {  	v10 =	vld [tilespmem:s0+$0x197C0]  }
0x288: {  	v14 =	vld [tilespmem:s0+$0x1A400]  }
0x289: {  	v15 =	vld [tilespmem:s0+$0x1B040]  }
0x28a: {  	v17 =	vld [tilespmem:s0+$0x1BC80]  }
0x28b: {  	v13 =	vld [tilespmem:s0+$0x197D0]  }
0x28c: {  	v16 =	vld [tilespmem:s0+$0x1A410]  }
0x28d: {  	s1 =	simm.s32 $0x100;
	v11 =	vld [tilespmem:s0+$0x1B050]  }
.LBB2_33:
0x28e: {  	p1 =	sne.s32 s1, $0x3000;
	v18 =	vld [tilespmem:s0+$0x1BC90]  }
0x28f: {  	v3 =	vadd.f32 v4, v3;
	v4 =	vadd.f32 v6, v5;
	v5 =	vld [tilespmem:s0+$0x1C8A0]  }
0x290: {  	v6 =	vadd.f32 v8, v7;
	v7 =	vadd.f32 v12, v9;
	v8 =	vld [tilespmem:s0+$0x1C8B0]  }
0x291: {  	v9 =	vadd.f32 v14, v10;
	v10 =	vadd.f32 v17, v15;
	v12 =	vld [tilespmem:s0+$0x1C8C0]  }
0x292: {  	s17 =	sshra.s32 s1, $0x2;
	v14 =	vadd.f32 v4, v3;
	v13 =	vadd.f32 v16, v13;
	v15 =	vld [tilespmem:s0+$0x1C8D0]  }
0x293: {  	v6 =	vadd.f32 v7, v6;
	v3 =	vld [tilespmem:s17+$0x197A0];
	v7 =	vadd.f32 v18, v11  }
0x294: {  	v9 =	vadd.f32 v10, v9;
	v4 =	vld [tilespmem:s17+$0x1A3E0];
	v11 =	vadd.f32 v14, v5  }
0x295: {  	v5 =	vld [tilespmem:s17+$0x1B020];
	v8 =	vadd.f32 v6, v8;
	v10 =	vadd.f32 v7, v13  }
0x296: {  	v6 =	vld [tilespmem:s17+$0x1BC60];
	[tilespmem:s0+$0x1C8A0] =	vst v11;
	v9 =	vadd.f32 v9, v12  }
0x297: {  	v7 =	vld [tilespmem:s17+$0x197B0];
	[tilespmem:s0+$0x1C8B0] =	vst v8;
	v10 =	vadd.f32 v10, v15  }
0x298: {  	v8 =	vld [tilespmem:s17+$0x1A3F0];
	[tilespmem:s0+$0x1C8C0] =	vst v9  }
0x299: {  	v9 =	vld [tilespmem:s17+$0x1B030];
	[tilespmem:s0+$0x1C8D0] =	vst v10;
	s0 =	smov.u32 s17  }
0x29a: {  	v12 =	vld [tilespmem:s0+$0x1BC70]  }
0x29b: {  	v10 =	vld [tilespmem:s0+$0x197C0]  }
0x29c: {  	v14 =	vld [tilespmem:s0+$0x1A400]  }
.Ltmp15:
0x29d: {  	v15 =	vld [tilespmem:s0+$0x1B040];
	(pc) =	sbr.rel @p1 .LBB2_33-.Ltmp15, $4  }
0x29e: {  	v17 =	vld [tilespmem:s0+$0x1BC80]  }
0x29f: {  	v13 =	vld [tilespmem:s0+$0x197D0]  }
0x2a0: {  	v16 =	vld [tilespmem:s0+$0x1A410]  }
0x2a1: {  	s1 =	sadd.s32 $0x100, s1;
	v11 =	vld [tilespmem:s0+$0x1B050]  }
0x2a2: {  	v18 =	vld [tilespmem:s0+$0x1BC90]  }
0x2a3: {  	v3 =	vadd.f32 v4, v3;
	v4 =	vadd.f32 v6, v5;
	v5 =	vld [tilespmem:s0+$0x1C8A0]  }
0x2a4: {  	v6 =	vadd.f32 v8, v7;
	v7 =	vadd.f32 v12, v9;
	v8 =	vld [tilespmem:s0+$0x1C8B0]  }
0x2a5: {  	v9 =	vadd.f32 v14, v10;
	v12 =	vld [tilespmem:s0+$0x1C8C0];
	v10 =	vadd.f32 v17, v15  }
0x2a6: {  	v3 =	vadd.f32 v4, v3;
	v4 =	vadd.f32 v16, v13;
	v13 =	vld [tilespmem:s0+$0x1C8D0]  }
0x2a7: {  	v6 =	vadd.f32 v7, v6;
	v7 =	vadd.f32 v18, v11  }
0x2a8: {  	v3 =	vadd.f32 v3, v5;
	v5 =	vadd.f32 v10, v9  }
0x2a9: {  	v6 =	vadd.f32 v6, v8;
	v4 =	vadd.f32 v7, v4  }
0x2aa: {  	[tilespmem:s0+$0x1C8A0] =	vst v3;
	v3 =	vadd.f32 v5, v12  }
0x2ab: {  	[tilespmem:s0+$0x1C8B0] =	vst v6;
	v4 =	vadd.f32 v4, v13  }
0x2ac: {  	[tilespmem:s0+$0x1C8C0] =	vst v3  }
0x2ad: {  	[tilespmem:s0+$0x1C8D0] =	vst v4  }
0x2ae: {  	[tilespmem:s25], [sflag:$0x3] =	stream.strided.gather [hbm4b:s14+s24], $0x3100, s21, s24, $0x38;
	[tilespmem:$0x1ED60] =	vst v63  }
0x2af: {  	_ =	swait.ge [sflag:s23], $0x3100  }
0x2b0: {  	[sflag:s23] =	ssyncset.done $0x0  }
0x2b1: {  	s31 =	simm.s32 $0x0;
	[sflag:s23] =	ssyncadd.s32 $0xFFFFCF00  }
0x2b2: {  	v3 =	vld [tilespmem:s31+$0x197A0]  }
0x2b3: {  	v4 =	vld [tilespmem:s31+$0x1A3E0]  }
0x2b4: {  	v5 =	vld [tilespmem:s31+$0x1B020]  }
0x2b5: {  	v6 =	vld [tilespmem:s31+$0x1BC60]  }
0x2b6: {  	v7 =	vld [tilespmem:s31+$0x197B0]  }
0x2b7: {  	v8 =	vld [tilespmem:s31+$0x1A3F0]  }
0x2b8: {  	v9 =	vld [tilespmem:s31+$0x1B030]  }
0x2b9: {  	v12 =	vld [tilespmem:s31+$0x1BC70]  }
0x2ba: {  	v10 =	vld [tilespmem:s31+$0x197C0]  }
0x2bb: {  	v14 =	vld [tilespmem:s31+$0x1A400]  }
0x2bc: {  	v15 =	vld [tilespmem:s31+$0x1B040]  }
0x2bd: {  	v17 =	vld [tilespmem:s31+$0x1BC80]  }
0x2be: {  	v13 =	vld [tilespmem:s31+$0x197D0]  }
0x2bf: {  	v16 =	vld [tilespmem:s31+$0x1A410]  }
0x2c0: {  	s1 =	simm.s32 $0x100;
	s0 =	simm.s32 $0x0;
	v11 =	vld [tilespmem:s31+$0x1B050]  }
.LBB2_35:
0x2c1: {  	p1 =	sne.s32 s1, $0x3000;
	v18 =	vld [tilespmem:s0+$0x1BC90]  }
0x2c2: {  	v3 =	vadd.f32 v4, v3;
	v4 =	vadd.f32 v6, v5;
	v5 =	vld [tilespmem:s0+$0x1C8A0]  }
0x2c3: {  	v6 =	vadd.f32 v8, v7;
	v7 =	vadd.f32 v12, v9;
	v8 =	vld [tilespmem:s0+$0x1C8B0]  }
0x2c4: {  	v9 =	vadd.f32 v14, v10;
	v10 =	vadd.f32 v17, v15;
	v12 =	vld [tilespmem:s0+$0x1C8C0]  }
0x2c5: {  	s17 =	sshra.s32 s1, $0x2;
	v14 =	vadd.f32 v4, v3;
	v13 =	vadd.f32 v16, v13;
	v15 =	vld [tilespmem:s0+$0x1C8D0]  }
0x2c6: {  	v6 =	vadd.f32 v7, v6;
	v3 =	vld [tilespmem:s17+$0x197A0];
	v7 =	vadd.f32 v18, v11  }
0x2c7: {  	v9 =	vadd.f32 v10, v9;
	v4 =	vld [tilespmem:s17+$0x1A3E0];
	v11 =	vadd.f32 v14, v5  }
0x2c8: {  	v5 =	vld [tilespmem:s17+$0x1B020];
	v8 =	vadd.f32 v6, v8;
	v10 =	vadd.f32 v7, v13  }
0x2c9: {  	v6 =	vld [tilespmem:s17+$0x1BC60];
	[tilespmem:s0+$0x1C8A0] =	vst v11;
	v9 =	vadd.f32 v9, v12  }
0x2ca: {  	v7 =	vld [tilespmem:s17+$0x197B0];
	[tilespmem:s0+$0x1C8B0] =	vst v8;
	v10 =	vadd.f32 v10, v15  }
0x2cb: {  	v8 =	vld [tilespmem:s17+$0x1A3F0];
	[tilespmem:s0+$0x1C8C0] =	vst v9  }
0x2cc: {  	v9 =	vld [tilespmem:s17+$0x1B030];
	[tilespmem:s0+$0x1C8D0] =	vst v10;
	s0 =	smov.u32 s17  }
0x2cd: {  	v12 =	vld [tilespmem:s0+$0x1BC70]  }
0x2ce: {  	v10 =	vld [tilespmem:s0+$0x197C0]  }
0x2cf: {  	v14 =	vld [tilespmem:s0+$0x1A400]  }
.Ltmp16:
0x2d0: {  	v15 =	vld [tilespmem:s0+$0x1B040];
	(pc) =	sbr.rel @p1 .LBB2_35-.Ltmp16, $4  }
0x2d1: {  	v17 =	vld [tilespmem:s0+$0x1BC80]  }
0x2d2: {  	v13 =	vld [tilespmem:s0+$0x197D0]  }
0x2d3: {  	v16 =	vld [tilespmem:s0+$0x1A410]  }
0x2d4: {  	s1 =	sadd.s32 $0x100, s1;
	v11 =	vld [tilespmem:s0+$0x1B050]  }
0x2d5: {  	v18 =	vld [tilespmem:s0+$0x1BC90]  }
0x2d6: {  	v3 =	vadd.f32 v4, v3;
	v52 =	vadd.f32 v6, v5;
	v53 =	vld [tilespmem:s0+$0x1C8A0]  }
0x2d7: {  	v54 =	vadd.f32 v8, v7;
	v55 =	vadd.f32 v12, v9;
	v56 =	vld [tilespmem:s0+$0x1C8B0]  }
0x2d8: {  	v57 =	vadd.f32 v14, v10;
	v59 =	vld [tilespmem:s0+$0x1C8C0];
	v58 =	vadd.f32 v17, v15  }
0x2d9: {  	v61 =	vld [tilespmem:s0+$0x1C8D0];
	v3 =	vadd.f32 v52, v3;
	v6 =	vadd.f32 v55, v54  }
0x2da: {  	v60 =	vadd.f32 v16, v13;
	v62 =	vadd.f32 v18, v11  }
0x2db: {  	v63 =	vadd.f32 v58, v57;
	v3 =	vadd.f32 v3, v53  }
0x2dc: {  	v6 =	vadd.f32 v6, v56;
	v4 =	vadd.f32 v62, v60  }
0x2dd: {  	[tilespmem:s0+$0x1C8A0] =	vst v3;
	v3 =	vadd.f32 v63, v59  }
0x2de: {  	[tilespmem:s0+$0x1C8B0] =	vst v6;
	v4 =	vadd.f32 v4, v61  }
0x2df: {  	[tilespmem:s0+$0x1C8C0] =	vst v3  }
0x2e0: {  	[tilespmem:s0+$0x1C8D0] =	vst v4;
	s0 =	simm.s32 $0x100  }
.LBB2_37:
0x2e1: {  	p1 =	sne.s32 s0, $0x3000;
	v3 =	vld.idx.msk [tilespmem:v0+s31+$0xFFFFFFD0 ss:$0x1], $0xffff  }
0x2e2: {  	v4 =	vld [tilespmem:s31+$0x1C8A0];
	_ =	sdelay $0x1  }
0x2e3: {  	v5 =	vld [tilespmem:s31+$0x1E120];
	_ =	sdelay $0x2  }
0x2e4: {  	v3 =	vadd.f32 v3, v4;
	_ =	sdelay $0x1  }
0x2e5: {  	[tilespmem:s31+$0x1C8A0] =	vst v3;
	v3 =	vmul.f32 v5, v3;
	_ =	sdelay $0x1  }
0x2e6: {  	[tilespmem:s31+$0x1D4E0] =	vst v3  }
0x2e7: {  	v3 =	vld.idx.msk [tilespmem:v0+s31+$0xFFFFFFE0 ss:$0x1], $0xffff  }
0x2e8: {  	v4 =	vld [tilespmem:s31+$0x1C8B0];
	_ =	sdelay $0x1  }
0x2e9: {  	v5 =	vld [tilespmem:s31+$0x1E130];
	_ =	sdelay $0x2  }
0x2ea: {  	v3 =	vadd.f32 v3, v4;
	_ =	sdelay $0x1  }
0x2eb: {  	v4 =	vmul.f32 v5, v3  }
0x2ec: {  	[tilespmem:s31+$0x1C8B0] =	vst v3  }
0x2ed: {  	[tilespmem:s31+$0x1D4F0] =	vst v4  }
0x2ee: {  	v3 =	vld.idx.msk [tilespmem:v0+s31+$0xFFFFFFF0 ss:$0x1], $0xffff  }
0x2ef: {  	v4 =	vld [tilespmem:s31+$0x1C8C0];
	_ =	sdelay $0x1  }
0x2f0: {  	v5 =	vld [tilespmem:s31+$0x1E140];
	_ =	sdelay $0x2  }
0x2f1: {  	v3 =	vadd.f32 v3, v4;
	_ =	sdelay $0x1  }
0x2f2: {  	v4 =	vmul.f32 v5, v3  }
0x2f3: {  	[tilespmem:s31+$0x1C8C0] =	vst v3  }
0x2f4: {  	[tilespmem:s31+$0x1D500] =	vst v4  }
0x2f5: {  	v3 =	vld.idx.msk [tilespmem:v0+s31+$0x0 ss:$0x1], $0xffff  }
0x2f6: {  	v4 =	vld [tilespmem:s31+$0x1C8D0];
	_ =	sdelay $0x1  }
0x2f7: {  	v5 =	vld [tilespmem:s31+$0x1E150];
	_ =	sdelay $0x2  }
.Ltmp17:
0x2f8: {  	v3 =	vadd.f32 v3, v4;
	(pc) =	sbr.rel @p1 .LBB2_37-.Ltmp17, $3  }
0x2f9: {  	_ = 	snop  }
0x2fa: {  	[tilespmem:s31+$0x1C8D0] =	vst v3;
	v3 =	vmul.f32 v5, v3;
	_ =	sdelay $0x1  }
0x2fb: {  	[tilespmem:s31+$0x1D510] =	vst v3;
	s31 =	sshra.s32 s0, $0x2;
	s0 =	sadd.s32 $0x100, s0  }
0x2fc: {  	_ =	sdelay $0x3  }
0x2fd: {  	v3 =	vld.idx.msk [tilespmem:v0+s31+$0xFFFFFFD0 ss:$0x1], $0xffff  }
0x2fe: {  	v4 =	vld [tilespmem:s31+$0x1C8A0];
	_ =	sdelay $0x1  }
0x2ff: {  	v5 =	vld [tilespmem:s31+$0x1E120];
	_ =	sdelay $0x2  }
0x300: {  	v3 =	vadd.f32 v3, v4;
	_ =	sdelay $0x1  }
0x301: {  	v4 =	vmul.f32 v5, v3  }
0x302: {  	[tilespmem:s31+$0x1C8A0] =	vst v3  }
0x303: {  	v58 =	vld [tilespmem:s31+$0x1C8B0];
	[tilespmem:s31+$0x1D4E0] =	vst v4  }
0x304: {  	v3 =	vld.idx.msk [tilespmem:v0+s31+$0xFFFFFFE0 ss:$0x1], $0xffff;
	_ =	sdelay $0x1  }
0x305: {  	v59 =	vld [tilespmem:s31+$0x1E130];
	_ =	sdelay $0x2  }
0x306: {  	v3 =	vadd.f32 v3, v58;
	_ =	sdelay $0x1  }
0x307: {  	v4 =	vmul.f32 v59, v3  }
0x308: {  	[tilespmem:s31+$0x1C8B0] =	vst v3  }
0x309: {  	v60 =	vld [tilespmem:s31+$0x1C8C0];
	[tilespmem:s31+$0x1D4F0] =	vst v4  }
0x30a: {  	v3 =	vld.idx.msk [tilespmem:v0+s31+$0xFFFFFFF0 ss:$0x1], $0xffff;
	_ =	sdelay $0x1  }
0x30b: {  	v61 =	vld [tilespmem:s31+$0x1E140];
	_ =	sdelay $0x2  }
0x30c: {  	v3 =	vadd.f32 v3, v60;
	_ =	sdelay $0x1  }
0x30d: {  	v4 =	vmul.f32 v61, v3  }
0x30e: {  	[tilespmem:s31+$0x1C8C0] =	vst v3  }
0x30f: {  	v62 =	vld [tilespmem:s31+$0x1C8D0];
	[tilespmem:s31+$0x1D500] =	vst v4  }
0x310: {  	v3 =	vld.idx.msk [tilespmem:v0+s31+$0x0 ss:$0x1], $0xffff;
	_ =	sdelay $0x1  }
0x311: {  	v63 =	vld [tilespmem:s31+$0x1E150];
	_ =	sdelay $0x2  }
0x312: {  	s0 =	smul.u32 @!p0 $0xC400, s30;
	v3 =	vadd.f32 v3, v62;
	_ =	sdelay $0x1  }
0x313: {  	s0 =	sadd.s32 @!p0 s5, s0;
	v4 =	vmul.f32 v63, v3  }
0x314: {  	s0 =	sshrl.u32 @!p0 s0, $0x3;
	[tilespmem:s31+$0x1C8D0] =	vst v3  }
0x315: {  	s1 =	simm.s32 @!p0 $0x0;
	s17 =	simm.s32 @!p0 $0x1C8A0;
	s0 =	sadd.s32 @!p0 s4, s0;
	[tilespmem:s31+$0x1D510] =	vst v4  }
0x316: {  	[hbm4b:s0+s1] =	stream.linear.scatter @!p0 [tilespmem:s17], [sflag:$0x3], $0xC40, $0x38;
	[tilespmem:$0x1ED60] =	vst v63  }
0x317: {  	s0 =	simm.s32 @!p0 $0x3  }
0x318: {  	_ =	swait.ge @!p0 [sflag:s0], $0xC40  }
0x319: {  	[sflag:s0] =	ssyncset.done @!p0 $0x0  }
0x31a: {  	[sflag:s0] =	ssyncadd.s32 @!p0 $0xFFFFF3C0  }
0x31b: {  	[hbm4b:s15+s2] =	stream.linear.scatter [tilespmem:s28], [sflag:$0x3], $0xC40, $0x38;
	[tilespmem:$0x1ED60] =	vst v63  }
0x31c: {  	_ =	swait.ge [sflag:s23], $0xC40  }
0x31d: {  	s30 =	sadd.s32 $0x1, s30;
	[sflag:s23] =	ssyncset.done $0x0  }
0x31e: {  	p1 =	sne.s32 s30, $0x10;
	[sflag:s23] =	ssyncadd.s32 $0xFFFFF3C0  }
.Ltmp18:
0x31f: {  	[bflag:$0x0] =	sbarrier.arrive $0xFFFF;
	(pc) =	sbr.rel @p1 .LBB2_20-.Ltmp18, $4  }
0x320: {  	[tilespmem:s2], [sflag:$0x3] =	stream.linear.gather [hbm4b:s16+s2], $0xC400, $0x38;
	[tilespmem:$0x1ED60] =	vst v63  }
0x321: {  	_ =	swait.ge [sflag:s23], $0xC400  }
0x322: {  	[sflag:s23] =	ssyncset.done $0x0  }
0x323: {  	[sflag:s23] =	ssyncadd.s32 $0xFFFF3C00  }
0x324: {  	s29 =	sadd.s32 $0x1, s29;
	s0 =	rddreg [dreg:$0x3]  }
0x325: {  	p1 =	sne.s32 s29, s0  }
.Ltmp19:
0x326: {  	_ = 	snop;
	(pc) =	sbr.rel @p1 .LBB2_1-.Ltmp19, $1  }
0x327: {  	_ =	sdelay $0x3  }
0x328: {  	_ =	sfence.sel $0x180000  }
0x329: {  	[bflag:$0x0] =	sbarrier.arrive $0xFFFF  }
0x32a: {  	_ =	strace $0x90000047  }
0x32b: {  	s0 =	stileid.u32;
	[bflag:$0x2] =	sbarrier.arrive $0xFFFF  }
0x32c: {  	p0 =	sne.s32 s0, $0x0;
	s0 =	rddreg [dreg:$0x2]  }
0x32d: {  	s0 =	sadd.s32 @!p0 $0x100000, s0  }
0x32e: {  	[sflag:s0] =	ssyncadd.tile.s32 @!p0 $0x1;
	_ =	shalt  }
.Lfunc_end2:
_tile_overlayer_lowered:
.L_overlay_start_2:
0x32f: {  	(tag) =	ssettag $0x2  }
0x330: {  	s0 =	rddreg [dreg:$0x0];
	s2 =	stileid.u32  }
0x331: {  	s1 =	rddreg [dreg:$0x1];
	p0 =	sne.s32 s2, $0x0  }
0x332: {  	s3 =	rddreg [dreg:$0x2];
	[bflag:$0x3] =	sbarrier.arrive $0xFFFF;
	s2 =	simm.s32 @!p0 $0x1C03  }
0x333: {  	[timem:s3], [sflag:s2] =	dma.local @!p0 [hbm:s0], s1  }
0x334: {  	s0 =	simm.s32 @!p0 $0x3  }
0x335: {  	_ =	swait.ge @!p0 [sflag:s0], s1  }
0x336: {  	s1 =	ssub.s32 @!p0 $0x0, s1;
	[sflag:s0] =	ssyncset.done @!p0 $0x0  }
0x337: {  	[sflag:s0] =	ssyncadd.s32 @!p0 s1  }
0x338: {  	[bflag:$0x3] =	sbarrier.arrive $0xFFFF  }
0x339: {  	_ =	shalt  }

</sc_bundles>
